<compile_context>
chip_gen: v7x
topology: tpu7x:2x2x1
jax: 0.10.2.dev20260603
libtpu: 0.0.44.dev20260713+nightly
codegen_flags: <defaults>
</compile_context>

<pallas_src>
import functools

import jax
import jax.numpy as jnp
from jax import lax
from jax.experimental import pallas as pl
from jax.experimental.pallas import tpu as pltpu
from jax.experimental.pallas import tpu_sc as plsc

S, B, D = 2048, 2, 1024
E, K, C = 64, 2, 256
F_EXP = 512
F_FFN = 2048
T = S * B
KT = K * T
EC = E * C
Y_ROWS = EC + 256
TILE = 256
N_TILES = T // TILE

_f32 = jnp.float32
_i32 = jnp.int32



def _stage1_body(x_ref, res_ref, fw1_ref, fb1_ref, fw2_ref, fb2_ref,
                 lng_ref, lnb_ref, rw_ref,
                 xr_ref, xn_ref, meta_ref, stats_ref):
    i = pl.program_id(0)
    xt = x_ref[...]
    h = jnp.maximum(
        jnp.dot(xt, fw1_ref[...], preferred_element_type=_f32) + fb1_ref[...],
        0.0)
    ff = jnp.dot(h, fw2_ref[...], preferred_element_type=_f32) + fb2_ref[...]
    res_t = jnp.swapaxes(res_ref[...], 0, 1).reshape(TILE, D)
    xr = ff + res_t
    xr_ref[...] = xr
    m = jnp.mean(xr, axis=1, keepdims=True)
    d = xr - m
    v = jnp.mean(d * d, axis=1, keepdims=True)
    xn = d / jnp.sqrt(v + 1e-5) * lng_ref[...] + lnb_ref[...]
    xn_ref[...] = xn
    logits = jnp.dot(xn, rw_ref[...], preferred_element_type=_f32)
    mx = jnp.max(logits, axis=1, keepdims=True)
    ex = jnp.exp(logits - mx)
    p = ex / jnp.sum(ex, axis=1, keepdims=True)
    io = lax.broadcasted_iota(_i32, (TILE, E), 1)
    m0 = jnp.max(p, axis=1, keepdims=True)
    i0 = jnp.min(jnp.where(p == m0, io, E), axis=1, keepdims=True)
    mask0 = io == i0
    p2 = jnp.where(mask0, -1.0, p)
    m1 = jnp.max(p2, axis=1, keepdims=True)
    i1 = jnp.min(jnp.where(p2 == m1, io, E), axis=1, keepdims=True)
    den = m0 + m1 + 1e-9
    g0 = m0 / den
    g1 = m1 / den
    meta_ref[...] = jnp.concatenate(
        [i0.astype(_f32), i1.astype(_f32), g0, g1,
         jnp.zeros((TILE, 4), _f32)], axis=1)
    srow = jnp.concatenate(
        [jnp.sum(p, axis=0, keepdims=True),
         jnp.sum(mask0.astype(_f32), axis=0, keepdims=True)], axis=1)

    @pl.when(i == 0)
    def _():
        stats_ref[...] = jnp.zeros_like(stats_ref)

    stats_ref[...] += srow


def _stage1(x2d, res_bsd, ffn_w1, ffn_b1, ffn_w2, ffn_b2, ln_g, ln_b, router_w):
    tok = lambda i: (i, 0)
    fixed = lambda i: (0, 0)
    return pl.pallas_call(
        _stage1_body,
        grid=(N_TILES,),
        in_specs=[
            pl.BlockSpec((TILE, D), tok),
            pl.BlockSpec((B, TILE // B, D), lambda i: (0, i, 0)),
            pl.BlockSpec((D, F_FFN), fixed),
            pl.BlockSpec((1, F_FFN), fixed),
            pl.BlockSpec((F_FFN, D), fixed),
            pl.BlockSpec((1, D), fixed),
            pl.BlockSpec((1, D), fixed),
            pl.BlockSpec((1, D), fixed),
            pl.BlockSpec((D, E), fixed),
        ],
        out_specs=[
            pl.BlockSpec((TILE, D), tok),
            pl.BlockSpec((TILE, D), tok),
            pl.BlockSpec((TILE, 8), tok),
            pl.BlockSpec((1, 2 * E), fixed),
        ],
        out_shape=[
            jax.ShapeDtypeStruct((T, D), _f32),
            jax.ShapeDtypeStruct((T, D), _f32),
            jax.ShapeDtypeStruct((T, 8), _f32),
            jax.ShapeDtypeStruct((1, 2 * E), _f32),
        ],
    )(x2d, res_bsd, ffn_w1, ffn_b1, ffn_w2, ffn_b2, ln_g, ln_b, router_w)



_RB = 512
_NRB = KT // _RB


def _stage2_body(meta_ref, stats_ref,
                 slot_tok_ref, gate_t_ref, sl_ref, laux_ref,
                 m1_acc, m1l_acc, m2_acc):
    ior = lax.broadcasted_iota(_i32, (_RB, _RB), 0)
    ioc = lax.broadcasted_iota(_i32, (_RB, _RB), 1)
    tri = (ior >= ioc).astype(_f32)
    ioE = lax.broadcasted_iota(_i32, (_RB, E), 1).astype(_f32)
    ioC = lax.broadcasted_iota(_i32, (_RB, C), 1).astype(_f32)
    m1_acc[...] = jnp.zeros_like(m1_acc)
    m1l_acc[...] = jnp.zeros_like(m1l_acc)
    m2_acc[...] = jnp.zeros_like(m2_acc)

    def body(blk, offset):
        k = blk // (_NRB // 2)
        rowoff = (blk % (_NRB // 2)) * _RB
        mb = meta_ref[pl.ds(rowoff, _RB), :]
        e_col = jnp.where(k == 0, mb[:, 0:1], mb[:, 1:2])
        g_col = jnp.where(k == 0, mb[:, 2:3], mb[:, 3:4])
        ohb = (e_col == ioE).astype(_f32)
        cin = jnp.dot(tri, ohb, preferred_element_type=_f32) + offset
        pos = jnp.sum(cin * ohb, axis=1, keepdims=True) - 1.0
        keep = pos < C
        pohb = (pos == ioC).astype(_f32)
        tv = lax.broadcasted_iota(_i32, (_RB, 1), 0).astype(_f32) + rowoff
        thi = jnp.floor(tv * (1.0 / 64.0))
        tlo = tv - thi * 64.0
        cdim = (((0,), (0,)), ((), ()))
        m1_acc[...] += lax.dot_general(ohb * (thi + 1.0), pohb, cdim,
                                       preferred_element_type=_f32)
        m1l_acc[...] += lax.dot_general(ohb * (tlo + 1.0), pohb, cdim,
                                        preferred_element_type=_f32)
        m2_acc[...] += lax.dot_general(pohb, ohb * g_col, cdim,
                                       preferred_element_type=_f32)
        slf = jnp.where(keep, e_col * C + pos, float(EC))
        sl_ref[pl.ds(blk * _RB, _RB), :] = slf.astype(_i32)
        return cin[_RB - 1:_RB, :]

    lax.fori_loop(0, _NRB, body, jnp.zeros((1, E), _f32))

    occ = m1_acc[...] >= 0.5
    tok = (m1_acc[...] - 1.0) * 64.0 + (m1l_acc[...] - 1.0)
    fb_e = lax.broadcasted_iota(_i32, (E, C), 0)
    fb_c = lax.broadcasted_iota(_i32, (E, C), 1)
    fallback = (fb_e * C + fb_c) & (T - 1)
    slot_tok_ref[...] = jnp.where(occ, tok.astype(_i32), fallback)
    gate_t_ref[...] = m2_acc[...]
    me = stats_ref[0:1, 0:E] * (1.0 / T)
    ce = stats_ref[0:1, E:2 * E] * (1.0 / T)
    laux_ref[...] = jnp.sum(me * ce, axis=1, keepdims=True) * float(E)


def _stage2(meta, stats):
    return pl.pallas_call(
        _stage2_body,
        out_shape=[
            jax.ShapeDtypeStruct((E, C), _i32),
            jax.ShapeDtypeStruct((C, E), _f32),
            jax.ShapeDtypeStruct((KT, 1), _i32),
            jax.ShapeDtypeStruct((1, 1), _f32),
        ],
        scratch_shapes=[
            pltpu.VMEM((E, C), _f32),
            pltpu.VMEM((E, C), _f32),
            pltpu.VMEM((C, E), _f32),
        ],
    )(meta, stats)



_NC, _NS = 2, 16
_NW = _NC * _NS
_CH = 32


def _sc_gather(table, idx):
    n, d = table.shape
    r = idx.shape[0]
    rpw = r // _NW
    nch = rpw // _CH
    mesh = plsc.VectorSubcoreMesh(core_axis_name="c", subcore_axis_name="s")

    dt = table.dtype

    def body(table_ref, idx_ref, out_ref, idx_v, buf0, buf1, sem0, sem1):
        wid = lax.axis_index("s") * _NC + lax.axis_index("c")
        base = wid * rpw
        pltpu.sync_copy(idx_ref.at[pl.ds(base, rpw)], idx_v)
        bufs = (buf0, buf1)
        sems = (sem0, sem1)
        cps = [None, None]
        for j in range(nch):
            bsel = j & 1
            cps[bsel] = pltpu.async_copy(
                table_ref.at[idx_v.at[pl.ds(j * _CH, _CH)]], bufs[bsel],
                sems[bsel])
            if j >= 1:
                cps[1 - bsel].wait()
                pltpu.sync_copy(bufs[1 - bsel],
                                out_ref.at[pl.ds(base + (j - 1) * _CH, _CH)])
        last = (nch - 1) & 1
        cps[last].wait()
        pltpu.sync_copy(bufs[last],
                        out_ref.at[pl.ds(base + (nch - 1) * _CH, _CH)])

    return pl.kernel(
        body,
        out_type=jax.ShapeDtypeStruct((r, d), dt),
        mesh=mesh,
        scratch_types=[
            pltpu.VMEM((rpw,), _i32),
            pltpu.VMEM((_CH, d), dt),
            pltpu.VMEM((_CH, d), dt),
            pltpu.SemaphoreType.DMA,
            pltpu.SemaphoreType.DMA,
        ],
    )(table, idx)



_EH = E // 2


def _expert_block(buf_ref, w1_ref, b1_ref, w2_ref, b2_ref, gate_ref, eg):
    xb = buf_ref[...].astype(jnp.bfloat16)
    w1b = w1_ref[0].astype(jnp.bfloat16)
    h = jnp.maximum(
        jnp.dot(xb, w1b, preferred_element_type=_f32) + b1_ref[0], 0.0)
    w2b = w2_ref[0].astype(jnp.bfloat16)
    y = jnp.dot(h.astype(jnp.bfloat16), w2b,
                preferred_element_type=_f32) + b2_ref[0]
    ioe = lax.broadcasted_iota(_i32, (C, E), 1)
    gcol = jnp.sum(jnp.where(ioe == eg, gate_ref[...], 0.0),
                   axis=1, keepdims=True)
    return y * gcol


def _stage4a_body(buf_ref, w1_ref, b1_ref, w2_ref, b2_ref, gate_ref, y_ref):
    e = pl.program_id(0)
    y_ref[...] = _expert_block(buf_ref, w1_ref, b1_ref, w2_ref, b2_ref,
                               gate_ref, e)


def _stage4b_body(yprev_ref, buf_ref, w1_ref, b1_ref, w2_ref, b2_ref,
                  gate_ref, y_ref):
    del yprev_ref
    e = pl.program_id(0)

    @pl.when(e < _EH)
    def _():
        y_ref[...] = _expert_block(buf_ref, w1_ref, b1_ref, w2_ref, b2_ref,
                                   gate_ref, e + _EH)

    @pl.when(e == _EH)
    def _():
        y_ref[...] = jnp.zeros_like(y_ref)


def _expert_specs(off, clamp):
    em = lambda e: (jnp.minimum(e + off, clamp), 0)
    em3 = lambda e: (jnp.minimum(e + off, clamp), 0, 0)
    fixed = lambda e: (0, 0)
    return [
        pl.BlockSpec((C, D), lambda e: (jnp.minimum(e, _EH - 1), 0)),
        pl.BlockSpec((1, D, F_EXP), em3),
        pl.BlockSpec((1, 1, F_EXP), em3),
        pl.BlockSpec((1, F_EXP, D), em3),
        pl.BlockSpec((1, 1, D), em3),
        pl.BlockSpec((C, E), fixed),
    ]


def _stage4(buf_a, buf_b, w1, b1, w2, b2, gate_t):
    b1r = b1.reshape(E, 1, F_EXP)
    b2r = b2.reshape(E, 1, D)
    y1 = pl.pallas_call(
        _stage4a_body,
        grid=(_EH,),
        in_specs=_expert_specs(0, E - 1),
        out_specs=pl.BlockSpec((C, D), lambda e: (e, 0)),
        out_shape=jax.ShapeDtypeStruct((Y_ROWS, D), _f32),
    )(buf_a, w1, b1r, w2, b2r, gate_t)
    return pl.pallas_call(
        _stage4b_body,
        grid=(_EH + 1,),
        in_specs=[pl.BlockSpec(memory_space=pl.ANY)]
        + _expert_specs(_EH, E - 1),
        out_specs=pl.BlockSpec((C, D), lambda e: (e + _EH, 0)),
        out_shape=jax.ShapeDtypeStruct((Y_ROWS, D), _f32),
        input_output_aliases={0: 0},
    )(y1, buf_b, w1, b1r, w2, b2r, gate_t)



def _combine_body(ya_ref, yb_ref, xr_ref, out_ref):
    out_ref[...] = ya_ref[...] + yb_ref[...] + xr_ref[...]


def _combine(g8, xr):
    return pl.pallas_call(
        _combine_body,
        grid=(N_TILES,),
        in_specs=[
            pl.BlockSpec((TILE, D), lambda i: (i, 0)),
            pl.BlockSpec((TILE, D), lambda i: (i + N_TILES, 0)),
            pl.BlockSpec((TILE, D), lambda i: (i, 0)),
        ],
        out_specs=pl.BlockSpec((TILE, D), lambda i: (i, 0)),
        out_shape=jax.ShapeDtypeStruct((T, D), _f32),
    )(g8, g8, xr)



def kernel(x, residual, router_w, w1, b1, w2, b2,
           ffn_w1, ffn_b1, ffn_w2, ffn_b2, ln_g, ln_b):
    x2d = x.reshape(T, D)
    xr, xn, meta, stats = _stage1(
        x2d, residual, ffn_w1, ffn_b1.reshape(1, F_FFN), ffn_w2,
        ffn_b2.reshape(1, D), ln_g.reshape(1, D), ln_b.reshape(1, D),
        router_w)
    slot_tok, gate_t, sl, laux = _stage2(meta, stats)
    slot_flat = slot_tok.reshape(-1)
    buf_a = _sc_gather(xn, slot_flat[:EC // 2])
    buf_b = _sc_gather(xn, slot_flat[EC // 2:])
    y = _stage4(buf_a, buf_b, w1, b1, w2, b2, gate_t)
    g8 = _sc_gather(y, sl.reshape(-1))
    out2d = _combine(g8, xr)
    return out2d.reshape(S, B, D), laux[0, 0]

# --- scband reference (transcript-rebuilt; emitter-appended) ---
"""Pipeline reference for scband-admo-alayer-3564822856010 (READ-ONLY COPY).

The authoritative reference and input builder live on the scoring server;
editing this copy changes nothing except your own understanding.
"""

import jax, jax.numpy as jnp
import numpy as np

S, B, D = 2048, 2, 1024
E, K, C = 64, 2, 256
F_EXP = 512
F_FFN = 2048


def setup_inputs(seed: int = 0) -> dict:
    key = jax.random.key(seed)
    ks = jax.random.split(key, 16)
    sc = 0.02
    return {
        'x': jax.random.normal(ks[0], (S, B, D), dtype=jnp.float32),
        'residual': jax.random.normal(ks[1], (B, S, D), dtype=jnp.float32),
        'router_w': jax.random.normal(ks[2], (D, E), dtype=jnp.float32) * sc,
        'w1': jax.random.normal(ks[3], (E, D, F_EXP), dtype=jnp.float32) * sc,
        'b1': jnp.zeros((E, F_EXP), dtype=jnp.float32),
        'w2': jax.random.normal(ks[4], (E, F_EXP, D), dtype=jnp.float32) * sc,
        'b2': jnp.zeros((E, D), dtype=jnp.float32),
        'ffn_w1': jax.random.normal(ks[5], (D, F_FFN), dtype=jnp.float32) * sc,
        'ffn_b1': jnp.zeros((F_FFN,), dtype=jnp.float32),
        'ffn_w2': jax.random.normal(ks[6], (F_FFN, D), dtype=jnp.float32) * sc,
        'ffn_b2': jnp.zeros((D,), dtype=jnp.float32),
        'ln_g': jnp.ones((D,), dtype=jnp.float32),
        'ln_b': jnp.zeros((D,), dtype=jnp.float32),
    }


def _layer_norm(x, g, b):
    m = x.mean(-1, keepdims=True)
    v = ((x - m) ** 2).mean(-1, keepdims=True)
    return (x - m) / jnp.sqrt(v + 1e-5) * g + b


def _moa(x2d, router_w, w1, b1, w2, b2):
    T = x2d.shape[0]
    logits = x2d @ router_w                       # [T, E]
    probs = jax.nn.softmax(logits, axis=-1)
    gvals, gidx = jax.lax.top_k(probs, K)         # [T, K]
    gates = gvals / (gvals.sum(-1, keepdims=True) + 1e-9)
    expert_flat = gidx.T.reshape(-1)              # [K*T] slot-major priority
    gates_flat = gates.T.reshape(-1)              # [K*T]
    oh = jax.nn.one_hot(expert_flat, E, dtype=jnp.int32)
    pos = (jnp.cumsum(oh, axis=0) * oh).sum(-1) - 1   # within-expert position
    keep = pos < C
    posc = jnp.clip(pos, 0, C - 1)
    xin = jnp.tile(x2d, (K, 1))                   # [K*T, D]
    xin = jnp.where(keep[:, None], xin, 0.0)
    buf = jnp.zeros((E, C, D), x2d.dtype).at[expert_flat, posc].add(xin)
    h = jax.nn.relu(jnp.einsum('ecd,edf->ecf', buf, w1) + b1[:, None, :])
    y = jnp.einsum('ecf,efd->ecd', h, w2) + b2[:, None, :]
    yg = y[expert_flat, posc] * jnp.where(keep, gates_flat, 0.0)[:, None]
    out = yg.reshape(K, T, -1).sum(0)
    me = probs.mean(0)
    ce = jax.nn.one_hot(gidx[:, 0], E, dtype=x2d.dtype).mean(0)
    l_aux = (me * ce).sum() * E
    return out, l_aux


def reference(x, residual, router_w, w1, b1, w2, b2, ffn_w1, ffn_b1, ffn_w2, ffn_b2, ln_g, ln_b):
    # residual comes in as [B, S, D]; module transposes to [S, B, D]
    res = jnp.swapaxes(residual, 0, 1)
    # ffn_fn: standard dense FFN
    h = jax.nn.relu(x @ ffn_w1 + ffn_b1) @ ffn_w2 + ffn_b2
    xr = h + res
    shortcut = xr
    xn = _layer_norm(xr, ln_g, ln_b)
    x2d = xn.reshape(-1, D)
    moa_out, l_aux = _moa(x2d, router_w, w1, b1, w2, b2)
    out = moa_out.reshape(S, B, D) + shortcut
    return out, l_aux

if __name__ == "__main__":
    import jax
    _d = setup_inputs()
    print(jax.jit(kernel)(*tuple(_d.values())))

</pallas_src>

<mosaic_0001>
#map = affine_map<(d0, d1) -> (0, 0)>
#map1 = affine_map<(d0, d1) -> (0)>
module attributes {stable_mosaic.version = 14 : i64} {
  func.func @body(%arg0: i32, %arg1: i32, %arg2: memref<4096x1024xf32, #tpu.memory_space<hbm>>, %arg3: memref<8192xi32, #tpu.memory_space<hbm>>, %arg4: memref<8192x1024xf32, #tpu.memory_space<hbm>>, %arg5: memref<256xi32, #tpu.memory_space<vmem>>, %arg6: memref<32x1024xf32, #tpu.memory_space<vmem>>, %arg7: memref<32x1024xf32, #tpu.memory_space<vmem>>, %arg8: memref<!tpu.dma_semaphore, #tpu.memory_space<semaphore_mem>>, %arg9: memref<!tpu.dma_semaphore, #tpu.memory_space<semaphore_mem>>) attributes {dimension_semantics = [#tpu.dimension_semantics<core_parallel>, #tpu.dimension_semantics<subcore_parallel>], iteration_bounds = array<i64: 2, 16>, scalar_prefetch = 0 : i64, scratch_operands = 5 : i64, tpu.core_type = #tpu.core_type<sc_vector_subcore>, window_params = [{transform_indices = #map}, {transform_indices = #map1}, {transform_indices = #map}]} {
    %mul3A = arith.constant 2 : i32
    %mul3A_0 = arith.muli %arg1, %mul3A : i32
    %add3A = arith.addi %mul3A_0, %arg0 : i32
    %mul3A_1 = arith.constant 256 : i32
    %mul3A_2 = arith.muli %add3A, %mul3A_1 : i32
    "tpu.region"() ({
      %run_scoped3A = tpu.sem_alloc : memref<!tpu.dma_semaphore, #tpu.memory_space<semaphore_mem>>
      %dma_start3A_97 = tpu.memref_slice %arg3[%mul3A_2] : memref<8192xi32, #tpu.memory_space<hbm>> -> memref<256xi32, #tpu.memory_space<hbm>>
      %dma_start3A_98 = tpu.memref_slice %arg3[%mul3A_2] : memref<8192xi32, #tpu.memory_space<hbm>> -> memref<256xi32, #tpu.memory_space<hbm>>
      tpu.enqueue_dma source(%dma_start3A_98 : memref<256xi32, #tpu.memory_space<hbm>>) target(%arg5 : memref<256xi32, #tpu.memory_space<vmem>>) target_semaphore(%run_scoped3A : memref<!tpu.dma_semaphore, #tpu.memory_space<semaphore_mem>>)
      %dma_wait3A_99 = tpu.memref_slice %arg3[%mul3A_2] : memref<8192xi32, #tpu.memory_space<hbm>> -> memref<256xi32, #tpu.memory_space<hbm>>
      %dma_wait3A_100 = tpu.memref_slice %arg3[%mul3A_2] : memref<8192xi32, #tpu.memory_space<hbm>> -> memref<256xi32, #tpu.memory_space<hbm>>
      tpu.wait_dma2 semaphore(%run_scoped3A : memref<!tpu.dma_semaphore, #tpu.memory_space<semaphore_mem>>) src(%dma_wait3A_100 : memref<256xi32, #tpu.memory_space<hbm>>) dst(%arg5 : memref<256xi32, #tpu.memory_space<vmem>>)
      tpu.yield
    }) : () -> ()
    %dma_start3A = arith.constant 0 : i32
    %dma_start3A_3 = tpu.memref_slice %arg5[%dma_start3A] : memref<256xi32, #tpu.memory_space<vmem>> -> memref<32xi32, #tpu.memory_space<vmem>>
    %dma_start3A_4 = arith.constant 0 : i32
    %dma_start3A_5 = arith.constant 0 : i32
    %dma_start3A_6 = tpu.memref_slice %arg2[%dma_start3A_4, %dma_start3A_5] : memref<4096x1024xf32, #tpu.memory_space<hbm>> -> memref<4096x1024xf32, #tpu.memory_space<hbm>>
    tpu.enqueue_indirect_dma source(%dma_start3A_6 : memref<4096x1024xf32, #tpu.memory_space<hbm>>) target(%arg6 : memref<32x1024xf32, #tpu.memory_space<vmem>>) offsets(%dma_start3A_3 : memref<32xi32, #tpu.memory_space<vmem>>) semaphore(%arg8 : memref<!tpu.dma_semaphore, #tpu.memory_space<semaphore_mem>>)
    %dma_start3A_7 = arith.constant 32 : i32
    %dma_start3A_8 = tpu.memref_slice %arg5[%dma_start3A_7] : memref<256xi32, #tpu.memory_space<vmem>> -> memref<32xi32, #tpu.memory_space<vmem>>
    %dma_start3A_9 = arith.constant 0 : i32
    %dma_start3A_10 = arith.constant 0 : i32
    %dma_start3A_11 = tpu.memref_slice %arg2[%dma_start3A_9, %dma_start3A_10] : memref<4096x1024xf32, #tpu.memory_space<hbm>> -> memref<4096x1024xf32, #tpu.memory_space<hbm>>
    tpu.enqueue_indirect_dma source(%dma_start3A_11 : memref<4096x1024xf32, #tpu.memory_space<hbm>>) target(%arg7 : memref<32x1024xf32, #tpu.memory_space<vmem>>) offsets(%dma_start3A_8 : memref<32xi32, #tpu.memory_space<vmem>>) semaphore(%arg9 : memref<!tpu.dma_semaphore, #tpu.memory_space<semaphore_mem>>)
    %dma_wait3A = arith.constant 0 : i32
    %dma_wait3A_12 = tpu.memref_slice %arg5[%dma_wait3A] : memref<256xi32, #tpu.memory_space<vmem>> -> memref<32xi32, #tpu.memory_space<vmem>>
    %dma_wait3A_13 = arith.constant 0 : i32
    %dma_wait3A_14 = arith.constant 0 : i32
    %dma_wait3A_15 = tpu.memref_slice %arg2[%dma_wait3A_13, %dma_wait3A_14] : memref<4096x1024xf32, #tpu.memory_space<hbm>> -> memref<4096x1024xf32, #tpu.memory_space<hbm>>
    tpu.wait_indirect_dma semaphore(%arg8 : memref<!tpu.dma_semaphore, #tpu.memory_space<semaphore_mem>>) src(%dma_wait3A_15 : memref<4096x1024xf32, #tpu.memory_space<hbm>>) dst(%arg6 : memref<32x1024xf32, #tpu.memory_space<vmem>>)
    %add3A_16 = arith.constant 0 : i32
    %add3A_17 = arith.addi %mul3A_2, %add3A_16 : i32
    "tpu.region"() ({
      %run_scoped3A = tpu.sem_alloc : memref<!tpu.dma_semaphore, #tpu.memory_space<semaphore_mem>>
      %dma_start3A_97 = arith.constant 0 : i32
      %dma_start3A_98 = tpu.memref_slice %arg4[%add3A_17, %dma_start3A_97] : memref<8192x1024xf32, #tpu.memory_space<hbm>> -> memref<32x1024xf32, #tpu.memory_space<hbm>>
      %dma_start3A_99 = arith.constant 0 : i32
      %dma_start3A_100 = tpu.memref_slice %arg4[%add3A_17, %dma_start3A_99] : memref<8192x1024xf32, #tpu.memory_space<hbm>> -> memref<32x1024xf32, #tpu.memory_space<hbm>>
      tpu.enqueue_dma source(%arg6 : memref<32x1024xf32, #tpu.memory_space<vmem>>) target(%dma_start3A_100 : memref<32x1024xf32, #tpu.memory_space<hbm>>) target_semaphore(%run_scoped3A : memref<!tpu.dma_semaphore, #tpu.memory_space<semaphore_mem>>)
      %dma_wait3A_101 = arith.constant 0 : i32
      %dma_wait3A_102 = tpu.memref_slice %arg4[%add3A_17, %dma_wait3A_101] : memref<8192x1024xf32, #tpu.memory_space<hbm>> -> memref<32x1024xf32, #tpu.memory_space<hbm>>
      %dma_wait3A_103 = arith.constant 0 : i32
      %dma_wait3A_104 = tpu.memref_slice %arg4[%add3A_17, %dma_wait3A_103] : memref<8192x1024xf32, #tpu.memory_space<hbm>> -> memref<32x1024xf32, #tpu.memory_space<hbm>>
      tpu.wait_dma2 semaphore(%run_scoped3A : memref<!tpu.dma_semaphore, #tpu.memory_space<semaphore_mem>>) src(%arg6 : memref<32x1024xf32, #tpu.memory_space<vmem>>) dst(%dma_wait3A_104 : memref<32x1024xf32, #tpu.memory_space<hbm>>)
      tpu.yield
    }) : () -> ()
    %dma_start3A_18 = arith.constant 64 : i32
    %dma_start3A_19 = tpu.memref_slice %arg5[%dma_start3A_18] : memref<256xi32, #tpu.memory_space<vmem>> -> memref<32xi32, #tpu.memory_space<vmem>>
    %dma_start3A_20 = arith.constant 0 : i32
    %dma_start3A_21 = arith.constant 0 : i32
    %dma_start3A_22 = tpu.memref_slice %arg2[%dma_start3A_20, %dma_start3A_21] : memref<4096x1024xf32, #tpu.memory_space<hbm>> -> memref<4096x1024xf32, #tpu.memory_space<hbm>>
    tpu.enqueue_indirect_dma source(%dma_start3A_22 : memref<4096x1024xf32, #tpu.memory_space<hbm>>) target(%arg6 : memref<32x1024xf32, #tpu.memory_space<vmem>>) offsets(%dma_start3A_19 : memref<32xi32, #tpu.memory_space<vmem>>) semaphore(%arg8 : memref<!tpu.dma_semaphore, #tpu.memory_space<semaphore_mem>>)
    %dma_wait3A_23 = arith.constant 32 : i32
    %dma_wait3A_24 = tpu.memref_slice %arg5[%dma_wait3A_23] : memref<256xi32, #tpu.memory_space<vmem>> -> memref<32xi32, #tpu.memory_space<vmem>>
    %dma_wait3A_25 = arith.constant 0 : i32
    %dma_wait3A_26 = arith.constant 0 : i32
    %dma_wait3A_27 = tpu.memref_slice %arg2[%dma_wait3A_25, %dma_wait3A_26] : memref<4096x1024xf32, #tpu.memory_space<hbm>> -> memref<4096x1024xf32, #tpu.memory_space<hbm>>
    tpu.wait_indirect_dma semaphore(%arg9 : memref<!tpu.dma_semaphore, #tpu.memory_space<semaphore_mem>>) src(%dma_wait3A_27 : memref<4096x1024xf32, #tpu.memory_space<hbm>>) dst(%arg7 : memref<32x1024xf32, #tpu.memory_space<vmem>>)
    %add3A_28 = arith.constant 32 : i32
    %add3A_29 = arith.addi %mul3A_2, %add3A_28 : i32
    "tpu.region"() ({
      %run_scoped3A = tpu.sem_alloc : memref<!tpu.dma_semaphore, #tpu.memory_space<semaphore_mem>>
      %dma_start3A_97 = arith.constant 0 : i32
      %dma_start3A_98 = tpu.memref_slice %arg4[%add3A_29, %dma_start3A_97] : memref<8192x1024xf32, #tpu.memory_space<hbm>> -> memref<32x1024xf32, #tpu.memory_space<hbm>>
      %dma_start3A_99 = arith.constant 0 : i32
      %dma_start3A_100 = tpu.memref_slice %arg4[%add3A_29, %dma_start3A_99] : memref<8192x1024xf32, #tpu.memory_space<hbm>> -> memref<32x1024xf32, #tpu.memory_space<hbm>>
      tpu.enqueue_dma source(%arg7 : memref<32x1024xf32, #tpu.memory_space<vmem>>) target(%dma_start3A_100 : memref<32x1024xf32, #tpu.memory_space<hbm>>) target_semaphore(%run_scoped3A : memref<!tpu.dma_semaphore, #tpu.memory_space<semaphore_mem>>)
      %dma_wait3A_101 = arith.constant 0 : i32
      %dma_wait3A_102 = tpu.memref_slice %arg4[%add3A_29, %dma_wait3A_101] : memref<8192x1024xf32, #tpu.memory_space<hbm>> -> memref<32x1024xf32, #tpu.memory_space<hbm>>
      %dma_wait3A_103 = arith.constant 0 : i32
      %dma_wait3A_104 = tpu.memref_slice %arg4[%add3A_29, %dma_wait3A_103] : memref<8192x1024xf32, #tpu.memory_space<hbm>> -> memref<32x1024xf32, #tpu.memory_space<hbm>>
      tpu.wait_dma2 semaphore(%run_scoped3A : memref<!tpu.dma_semaphore, #tpu.memory_space<semaphore_mem>>) src(%arg7 : memref<32x1024xf32, #tpu.memory_space<vmem>>) dst(%dma_wait3A_104 : memref<32x1024xf32, #tpu.memory_space<hbm>>)
      tpu.yield
    }) : () -> ()
    %dma_start3A_30 = arith.constant 96 : i32
    %dma_start3A_31 = tpu.memref_slice %arg5[%dma_start3A_30] : memref<256xi32, #tpu.memory_space<vmem>> -> memref<32xi32, #tpu.memory_space<vmem>>
    %dma_start3A_32 = arith.constant 0 : i32
    %dma_start3A_33 = arith.constant 0 : i32
    %dma_start3A_34 = tpu.memref_slice %arg2[%dma_start3A_32, %dma_start3A_33] : memref<4096x1024xf32, #tpu.memory_space<hbm>> -> memref<4096x1024xf32, #tpu.memory_space<hbm>>
    tpu.enqueue_indirect_dma source(%dma_start3A_34 : memref<4096x1024xf32, #tpu.memory_space<hbm>>) target(%arg7 : memref<32x1024xf32, #tpu.memory_space<vmem>>) offsets(%dma_start3A_31 : memref<32xi32, #tpu.memory_space<vmem>>) semaphore(%arg9 : memref<!tpu.dma_semaphore, #tpu.memory_space<semaphore_mem>>)
    %dma_wait3A_35 = arith.constant 64 : i32
    %dma_wait3A_36 = tpu.memref_slice %arg5[%dma_wait3A_35] : memref<256xi32, #tpu.memory_space<vmem>> -> memref<32xi32, #tpu.memory_space<vmem>>
    %dma_wait3A_37 = arith.constant 0 : i32
    %dma_wait3A_38 = arith.constant 0 : i32
    %dma_wait3A_39 = tpu.memref_slice %arg2[%dma_wait3A_37, %dma_wait3A_38] : memref<4096x1024xf32, #tpu.memory_space<hbm>> -> memref<4096x1024xf32, #tpu.memory_space<hbm>>
    tpu.wait_indirect_dma semaphore(%arg8 : memref<!tpu.dma_semaphore, #tpu.memory_space<semaphore_mem>>) src(%dma_wait3A_39 : memref<4096x1024xf32, #tpu.memory_space<hbm>>) dst(%arg6 : memref<32x1024xf32, #tpu.memory_space<vmem>>)
    %add3A_40 = arith.constant 64 : i32
    %add3A_41 = arith.addi %mul3A_2, %add3A_40 : i32
    "tpu.region"() ({
      %run_scoped3A = tpu.sem_alloc : memref<!tpu.dma_semaphore, #tpu.memory_space<semaphore_mem>>
      %dma_start3A_97 = arith.constant 0 : i32
      %dma_start3A_98 = tpu.memref_slice %arg4[%add3A_41, %dma_start3A_97] : memref<8192x1024xf32, #tpu.memory_space<hbm>> -> memref<32x1024xf32, #tpu.memory_space<hbm>>
      %dma_start3A_99 = arith.constant 0 : i32
      %dma_start3A_100 = tpu.memref_slice %arg4[%add3A_41, %dma_start3A_99] : memref<8192x1024xf32, #tpu.memory_space<hbm>> -> memref<32x1024xf32, #tpu.memory_space<hbm>>
      tpu.enqueue_dma source(%arg6 : memref<32x1024xf32, #tpu.memory_space<vmem>>) target(%dma_start3A_100 : memref<32x1024xf32, #tpu.memory_space<hbm>>) target_semaphore(%run_scoped3A : memref<!tpu.dma_semaphore, #tpu.memory_space<semaphore_mem>>)
      %dma_wait3A_101 = arith.constant 0 : i32
      %dma_wait3A_102 = tpu.memref_slice %arg4[%add3A_41, %dma_wait3A_101] : memref<8192x1024xf32, #tpu.memory_space<hbm>> -> memref<32x1024xf32, #tpu.memory_space<hbm>>
      %dma_wait3A_103 = arith.constant 0 : i32
      %dma_wait3A_104 = tpu.memref_slice %arg4[%add3A_41, %dma_wait3A_103] : memref<8192x1024xf32, #tpu.memory_space<hbm>> -> memref<32x1024xf32, #tpu.memory_space<hbm>>
      tpu.wait_dma2 semaphore(%run_scoped3A : memref<!tpu.dma_semaphore, #tpu.memory_space<semaphore_mem>>) src(%arg6 : memref<32x1024xf32, #tpu.memory_space<vmem>>) dst(%dma_wait3A_104 : memref<32x1024xf32, #tpu.memory_space<hbm>>)
      tpu.yield
    }) : () -> ()
    %dma_start3A_42 = arith.constant 128 : i32
    %dma_start3A_43 = tpu.memref_slice %arg5[%dma_start3A_42] : memref<256xi32, #tpu.memory_space<vmem>> -> memref<32xi32, #tpu.memory_space<vmem>>
    %dma_start3A_44 = arith.constant 0 : i32
    %dma_start3A_45 = arith.constant 0 : i32
    %dma_start3A_46 = tpu.memref_slice %arg2[%dma_start3A_44, %dma_start3A_45] : memref<4096x1024xf32, #tpu.memory_space<hbm>> -> memref<4096x1024xf32, #tpu.memory_space<hbm>>
    tpu.enqueue_indirect_dma source(%dma_start3A_46 : memref<4096x1024xf32, #tpu.memory_space<hbm>>) target(%arg6 : memref<32x1024xf32, #tpu.memory_space<vmem>>) offsets(%dma_start3A_43 : memref<32xi32, #tpu.memory_space<vmem>>) semaphore(%arg8 : memref<!tpu.dma_semaphore, #tpu.memory_space<semaphore_mem>>)
    %dma_wait3A_47 = arith.constant 96 : i32
    %dma_wait3A_48 = tpu.memref_slice %arg5[%dma_wait3A_47] : memref<256xi32, #tpu.memory_space<vmem>> -> memref<32xi32, #tpu.memory_space<vmem>>
    %dma_wait3A_49 = arith.constant 0 : i32
    %dma_wait3A_50 = arith.constant 0 : i32
    %dma_wait3A_51 = tpu.memref_slice %arg2[%dma_wait3A_49, %dma_wait3A_50] : memref<4096x1024xf32, #tpu.memory_space<hbm>> -> memref<4096x1024xf32, #tpu.memory_space<hbm>>
    tpu.wait_indirect_dma semaphore(%arg9 : memref<!tpu.dma_semaphore, #tpu.memory_space<semaphore_mem>>) src(%dma_wait3A_51 : memref<4096x1024xf32, #tpu.memory_space<hbm>>) dst(%arg7 : memref<32x1024xf32, #tpu.memory_space<vmem>>)
    %add3A_52 = arith.constant 96 : i32
    %add3A_53 = arith.addi %mul3A_2, %add3A_52 : i32
    "tpu.region"() ({
      %run_scoped3A = tpu.sem_alloc : memref<!tpu.dma_semaphore, #tpu.memory_space<semaphore_mem>>
      %dma_start3A_97 = arith.constant 0 : i32
      %dma_start3A_98 = tpu.memref_slice %arg4[%add3A_53, %dma_start3A_97] : memref<8192x1024xf32, #tpu.memory_space<hbm>> -> memref<32x1024xf32, #tpu.memory_space<hbm>>
      %dma_start3A_99 = arith.constant 0 : i32
      %dma_start3A_100 = tpu.memref_slice %arg4[%add3A_53, %dma_start3A_99] : memref<8192x1024xf32, #tpu.memory_space<hbm>> -> memref<32x1024xf32, #tpu.memory_space<hbm>>
      tpu.enqueue_dma source(%arg7 : memref<32x1024xf32, #tpu.memory_space<vmem>>) target(%dma_start3A_100 : memref<32x1024xf32, #tpu.memory_space<hbm>>) target_semaphore(%run_scoped3A : memref<!tpu.dma_semaphore, #tpu.memory_space<semaphore_mem>>)
      %dma_wait3A_101 = arith.constant 0 : i32
      %dma_wait3A_102 = tpu.memref_slice %arg4[%add3A_53, %dma_wait3A_101] : memref<8192x1024xf32, #tpu.memory_space<hbm>> -> memref<32x1024xf32, #tpu.memory_space<hbm>>
      %dma_wait3A_103 = arith.constant 0 : i32
      %dma_wait3A_104 = tpu.memref_slice %arg4[%add3A_53, %dma_wait3A_103] : memref<8192x1024xf32, #tpu.memory_space<hbm>> -> memref<32x1024xf32, #tpu.memory_space<hbm>>
      tpu.wait_dma2 semaphore(%run_scoped3A : memref<!tpu.dma_semaphore, #tpu.memory_space<semaphore_mem>>) src(%arg7 : memref<32x1024xf32, #tpu.memory_space<vmem>>) dst(%dma_wait3A_104 : memref<32x1024xf32, #tpu.memory_space<hbm>>)
      tpu.yield
    }) : () -> ()
    %dma_start3A_54 = arith.constant 160 : i32
    %dma_start3A_55 = tpu.memref_slice %arg5[%dma_start3A_54] : memref<256xi32, #tpu.memory_space<vmem>> -> memref<32xi32, #tpu.memory_space<vmem>>
    %dma_start3A_56 = arith.constant 0 : i32
    %dma_start3A_57 = arith.constant 0 : i32
    %dma_start3A_58 = tpu.memref_slice %arg2[%dma_start3A_56, %dma_start3A_57] : memref<4096x1024xf32, #tpu.memory_space<hbm>> -> memref<4096x1024xf32, #tpu.memory_space<hbm>>
    tpu.enqueue_indirect_dma source(%dma_start3A_58 : memref<4096x1024xf32, #tpu.memory_space<hbm>>) target(%arg7 : memref<32x1024xf32, #tpu.memory_space<vmem>>) offsets(%dma_start3A_55 : memref<32xi32, #tpu.memory_space<vmem>>) semaphore(%arg9 : memref<!tpu.dma_semaphore, #tpu.memory_space<semaphore_mem>>)
    %dma_wait3A_59 = arith.constant 128 : i32
    %dma_wait3A_60 = tpu.memref_slice %arg5[%dma_wait3A_59] : memref<256xi32, #tpu.memory_space<vmem>> -> memref<32xi32, #tpu.memory_space<vmem>>
    %dma_wait3A_61 = arith.constant 0 : i32
    %dma_wait3A_62 = arith.constant 0 : i32
    %dma_wait3A_63 = tpu.memref_slice %arg2[%dma_wait3A_61, %dma_wait3A_62] : memref<4096x1024xf32, #tpu.memory_space<hbm>> -> memref<4096x1024xf32, #tpu.memory_space<hbm>>
    tpu.wait_indirect_dma semaphore(%arg8 : memref<!tpu.dma_semaphore, #tpu.memory_space<semaphore_mem>>) src(%dma_wait3A_63 : memref<4096x1024xf32, #tpu.memory_space<hbm>>) dst(%arg6 : memref<32x1024xf32, #tpu.memory_space<vmem>>)
    %add3A_64 = arith.constant 128 : i32
    %add3A_65 = arith.addi %mul3A_2, %add3A_64 : i32
    "tpu.region"() ({
      %run_scoped3A = tpu.sem_alloc : memref<!tpu.dma_semaphore, #tpu.memory_space<semaphore_mem>>
      %dma_start3A_97 = arith.constant 0 : i32
      %dma_start3A_98 = tpu.memref_slice %arg4[%add3A_65, %dma_start3A_97] : memref<8192x1024xf32, #tpu.memory_space<hbm>> -> memref<32x1024xf32, #tpu.memory_space<hbm>>
      %dma_start3A_99 = arith.constant 0 : i32
      %dma_start3A_100 = tpu.memref_slice %arg4[%add3A_65, %dma_start3A_99] : memref<8192x1024xf32, #tpu.memory_space<hbm>> -> memref<32x1024xf32, #tpu.memory_space<hbm>>
      tpu.enqueue_dma source(%arg6 : memref<32x1024xf32, #tpu.memory_space<vmem>>) target(%dma_start3A_100 : memref<32x1024xf32, #tpu.memory_space<hbm>>) target_semaphore(%run_scoped3A : memref<!tpu.dma_semaphore, #tpu.memory_space<semaphore_mem>>)
      %dma_wait3A_101 = arith.constant 0 : i32
      %dma_wait3A_102 = tpu.memref_slice %arg4[%add3A_65, %dma_wait3A_101] : memref<8192x1024xf32, #tpu.memory_space<hbm>> -> memref<32x1024xf32, #tpu.memory_space<hbm>>
      %dma_wait3A_103 = arith.constant 0 : i32
      %dma_wait3A_104 = tpu.memref_slice %arg4[%add3A_65, %dma_wait3A_103] : memref<8192x1024xf32, #tpu.memory_space<hbm>> -> memref<32x1024xf32, #tpu.memory_space<hbm>>
      tpu.wait_dma2 semaphore(%run_scoped3A : memref<!tpu.dma_semaphore, #tpu.memory_space<semaphore_mem>>) src(%arg6 : memref<32x1024xf32, #tpu.memory_space<vmem>>) dst(%dma_wait3A_104 : memref<32x1024xf32, #tpu.memory_space<hbm>>)
      tpu.yield
    }) : () -> ()
    %dma_start3A_66 = arith.constant 192 : i32
    %dma_start3A_67 = tpu.memref_slice %arg5[%dma_start3A_66] : memref<256xi32, #tpu.memory_space<vmem>> -> memref<32xi32, #tpu.memory_space<vmem>>
    %dma_start3A_68 = arith.constant 0 : i32
    %dma_start3A_69 = arith.constant 0 : i32
    %dma_start3A_70 = tpu.memref_slice %arg2[%dma_start3A_68, %dma_start3A_69] : memref<4096x1024xf32, #tpu.memory_space<hbm>> -> memref<4096x1024xf32, #tpu.memory_space<hbm>>
    tpu.enqueue_indirect_dma source(%dma_start3A_70 : memref<4096x1024xf32, #tpu.memory_space<hbm>>) target(%arg6 : memref<32x1024xf32, #tpu.memory_space<vmem>>) offsets(%dma_start3A_67 : memref<32xi32, #tpu.memory_space<vmem>>) semaphore(%arg8 : memref<!tpu.dma_semaphore, #tpu.memory_space<semaphore_mem>>)
    %dma_wait3A_71 = arith.constant 160 : i32
    %dma_wait3A_72 = tpu.memref_slice %arg5[%dma_wait3A_71] : memref<256xi32, #tpu.memory_space<vmem>> -> memref<32xi32, #tpu.memory_space<vmem>>
    %dma_wait3A_73 = arith.constant 0 : i32
    %dma_wait3A_74 = arith.constant 0 : i32
    %dma_wait3A_75 = tpu.memref_slice %arg2[%dma_wait3A_73, %dma_wait3A_74] : memref<4096x1024xf32, #tpu.memory_space<hbm>> -> memref<4096x1024xf32, #tpu.memory_space<hbm>>
    tpu.wait_indirect_dma semaphore(%arg9 : memref<!tpu.dma_semaphore, #tpu.memory_space<semaphore_mem>>) src(%dma_wait3A_75 : memref<4096x1024xf32, #tpu.memory_space<hbm>>) dst(%arg7 : memref<32x1024xf32, #tpu.memory_space<vmem>>)
    %add3A_76 = arith.constant 160 : i32
    %add3A_77 = arith.addi %mul3A_2, %add3A_76 : i32
    "tpu.region"() ({
      %run_scoped3A = tpu.sem_alloc : memref<!tpu.dma_semaphore, #tpu.memory_space<semaphore_mem>>
      %dma_start3A_97 = arith.constant 0 : i32
      %dma_start3A_98 = tpu.memref_slice %arg4[%add3A_77, %dma_start3A_97] : memref<8192x1024xf32, #tpu.memory_space<hbm>> -> memref<32x1024xf32, #tpu.memory_space<hbm>>
      %dma_start3A_99 = arith.constant 0 : i32
      %dma_start3A_100 = tpu.memref_slice %arg4[%add3A_77, %dma_start3A_99] : memref<8192x1024xf32, #tpu.memory_space<hbm>> -> memref<32x1024xf32, #tpu.memory_space<hbm>>
      tpu.enqueue_dma source(%arg7 : memref<32x1024xf32, #tpu.memory_space<vmem>>) target(%dma_start3A_100 : memref<32x1024xf32, #tpu.memory_space<hbm>>) target_semaphore(%run_scoped3A : memref<!tpu.dma_semaphore, #tpu.memory_space<semaphore_mem>>)
      %dma_wait3A_101 = arith.constant 0 : i32
      %dma_wait3A_102 = tpu.memref_slice %arg4[%add3A_77, %dma_wait3A_101] : memref<8192x1024xf32, #tpu.memory_space<hbm>> -> memref<32x1024xf32, #tpu.memory_space<hbm>>
      %dma_wait3A_103 = arith.constant 0 : i32
      %dma_wait3A_104 = tpu.memref_slice %arg4[%add3A_77, %dma_wait3A_103] : memref<8192x1024xf32, #tpu.memory_space<hbm>> -> memref<32x1024xf32, #tpu.memory_space<hbm>>
      tpu.wait_dma2 semaphore(%run_scoped3A : memref<!tpu.dma_semaphore, #tpu.memory_space<semaphore_mem>>) src(%arg7 : memref<32x1024xf32, #tpu.memory_space<vmem>>) dst(%dma_wait3A_104 : memref<32x1024xf32, #tpu.memory_space<hbm>>)
      tpu.yield
    }) : () -> ()
    %dma_start3A_78 = arith.constant 224 : i32
    %dma_start3A_79 = tpu.memref_slice %arg5[%dma_start3A_78] : memref<256xi32, #tpu.memory_space<vmem>> -> memref<32xi32, #tpu.memory_space<vmem>>
    %dma_start3A_80 = arith.constant 0 : i32
    %dma_start3A_81 = arith.constant 0 : i32
    %dma_start3A_82 = tpu.memref_slice %arg2[%dma_start3A_80, %dma_start3A_81] : memref<4096x1024xf32, #tpu.memory_space<hbm>> -> memref<4096x1024xf32, #tpu.memory_space<hbm>>
    tpu.enqueue_indirect_dma source(%dma_start3A_82 : memref<4096x1024xf32, #tpu.memory_space<hbm>>) target(%arg7 : memref<32x1024xf32, #tpu.memory_space<vmem>>) offsets(%dma_start3A_79 : memref<32xi32, #tpu.memory_space<vmem>>) semaphore(%arg9 : memref<!tpu.dma_semaphore, #tpu.memory_space<semaphore_mem>>)
    %dma_wait3A_83 = arith.constant 192 : i32
    %dma_wait3A_84 = tpu.memref_slice %arg5[%dma_wait3A_83] : memref<256xi32, #tpu.memory_space<vmem>> -> memref<32xi32, #tpu.memory_space<vmem>>
    %dma_wait3A_85 = arith.constant 0 : i32
    %dma_wait3A_86 = arith.constant 0 : i32
    %dma_wait3A_87 = tpu.memref_slice %arg2[%dma_wait3A_85, %dma_wait3A_86] : memref<4096x1024xf32, #tpu.memory_space<hbm>> -> memref<4096x1024xf32, #tpu.memory_space<hbm>>
    tpu.wait_indirect_dma semaphore(%arg8 : memref<!tpu.dma_semaphore, #tpu.memory_space<semaphore_mem>>) src(%dma_wait3A_87 : memref<4096x1024xf32, #tpu.memory_space<hbm>>) dst(%arg6 : memref<32x1024xf32, #tpu.memory_space<vmem>>)
    %add3A_88 = arith.constant 192 : i32
    %add3A_89 = arith.addi %mul3A_2, %add3A_88 : i32
    "tpu.region"() ({
      %run_scoped3A = tpu.sem_alloc : memref<!tpu.dma_semaphore, #tpu.memory_space<semaphore_mem>>
      %dma_start3A_97 = arith.constant 0 : i32
      %dma_start3A_98 = tpu.memref_slice %arg4[%add3A_89, %dma_start3A_97] : memref<8192x1024xf32, #tpu.memory_space<hbm>> -> memref<32x1024xf32, #tpu.memory_space<hbm>>
      %dma_start3A_99 = arith.constant 0 : i32
      %dma_start3A_100 = tpu.memref_slice %arg4[%add3A_89, %dma_start3A_99] : memref<8192x1024xf32, #tpu.memory_space<hbm>> -> memref<32x1024xf32, #tpu.memory_space<hbm>>
      tpu.enqueue_dma source(%arg6 : memref<32x1024xf32, #tpu.memory_space<vmem>>) target(%dma_start3A_100 : memref<32x1024xf32, #tpu.memory_space<hbm>>) target_semaphore(%run_scoped3A : memref<!tpu.dma_semaphore, #tpu.memory_space<semaphore_mem>>)
      %dma_wait3A_101 = arith.constant 0 : i32
      %dma_wait3A_102 = tpu.memref_slice %arg4[%add3A_89, %dma_wait3A_101] : memref<8192x1024xf32, #tpu.memory_space<hbm>> -> memref<32x1024xf32, #tpu.memory_space<hbm>>
      %dma_wait3A_103 = arith.constant 0 : i32
      %dma_wait3A_104 = tpu.memref_slice %arg4[%add3A_89, %dma_wait3A_103] : memref<8192x1024xf32, #tpu.memory_space<hbm>> -> memref<32x1024xf32, #tpu.memory_space<hbm>>
      tpu.wait_dma2 semaphore(%run_scoped3A : memref<!tpu.dma_semaphore, #tpu.memory_space<semaphore_mem>>) src(%arg6 : memref<32x1024xf32, #tpu.memory_space<vmem>>) dst(%dma_wait3A_104 : memref<32x1024xf32, #tpu.memory_space<hbm>>)
      tpu.yield
    }) : () -> ()
    %dma_wait3A_90 = arith.constant 224 : i32
    %dma_wait3A_91 = tpu.memref_slice %arg5[%dma_wait3A_90] : memref<256xi32, #tpu.memory_space<vmem>> -> memref<32xi32, #tpu.memory_space<vmem>>
    %dma_wait3A_92 = arith.constant 0 : i32
    %dma_wait3A_93 = arith.constant 0 : i32
    %dma_wait3A_94 = tpu.memref_slice %arg2[%dma_wait3A_92, %dma_wait3A_93] : memref<4096x1024xf32, #tpu.memory_space<hbm>> -> memref<4096x1024xf32, #tpu.memory_space<hbm>>
    tpu.wait_indirect_dma semaphore(%arg9 : memref<!tpu.dma_semaphore, #tpu.memory_space<semaphore_mem>>) src(%dma_wait3A_94 : memref<4096x1024xf32, #tpu.memory_space<hbm>>) dst(%arg7 : memref<32x1024xf32, #tpu.memory_space<vmem>>)
    %add3A_95 = arith.constant 224 : i32
    %add3A_96 = arith.addi %mul3A_2, %add3A_95 : i32
    "tpu.region"() ({
      %run_scoped3A = tpu.sem_alloc : memref<!tpu.dma_semaphore, #tpu.memory_space<semaphore_mem>>
      %dma_start3A_97 = arith.constant 0 : i32
      %dma_start3A_98 = tpu.memref_slice %arg4[%add3A_96, %dma_start3A_97] : memref<8192x1024xf32, #tpu.memory_space<hbm>> -> memref<32x1024xf32, #tpu.memory_space<hbm>>
      %dma_start3A_99 = arith.constant 0 : i32
      %dma_start3A_100 = tpu.memref_slice %arg4[%add3A_96, %dma_start3A_99] : memref<8192x1024xf32, #tpu.memory_space<hbm>> -> memref<32x1024xf32, #tpu.memory_space<hbm>>
      tpu.enqueue_dma source(%arg7 : memref<32x1024xf32, #tpu.memory_space<vmem>>) target(%dma_start3A_100 : memref<32x1024xf32, #tpu.memory_space<hbm>>) target_semaphore(%run_scoped3A : memref<!tpu.dma_semaphore, #tpu.memory_space<semaphore_mem>>)
      %dma_wait3A_101 = arith.constant 0 : i32
      %dma_wait3A_102 = tpu.memref_slice %arg4[%add3A_96, %dma_wait3A_101] : memref<8192x1024xf32, #tpu.memory_space<hbm>> -> memref<32x1024xf32, #tpu.memory_space<hbm>>
      %dma_wait3A_103 = arith.constant 0 : i32
      %dma_wait3A_104 = tpu.memref_slice %arg4[%add3A_96, %dma_wait3A_103] : memref<8192x1024xf32, #tpu.memory_space<hbm>> -> memref<32x1024xf32, #tpu.memory_space<hbm>>
      tpu.wait_dma2 semaphore(%run_scoped3A : memref<!tpu.dma_semaphore, #tpu.memory_space<semaphore_mem>>) src(%arg7 : memref<32x1024xf32, #tpu.memory_space<vmem>>) dst(%dma_wait3A_104 : memref<32x1024xf32, #tpu.memory_space<hbm>>)
      tpu.yield
    }) : () -> ()
    return
  }
}

#map = affine_map<(d0, d1) -> (0, 0)>
#map1 = affine_map<(d0, d1) -> (0)>
module attributes {stable_mosaic.version = 14 : i64} {
  func.func @body(%arg0: i32, %arg1: i32, %arg2: memref<4096x1024xf32, #tpu.memory_space<hbm>>, %arg3: memref<8192xi32, #tpu.memory_space<hbm>>, %arg4: memref<8192x1024xf32, #tpu.memory_space<hbm>>, %arg5: memref<256xi32, #tpu.memory_space<vmem>>, %arg6: memref<32x1024xf32, #tpu.memory_space<vmem>>, %arg7: memref<32x1024xf32, #tpu.memory_space<vmem>>, %arg8: memref<!tpu.dma_semaphore, #tpu.memory_space<semaphore_mem>>, %arg9: memref<!tpu.dma_semaphore, #tpu.memory_space<semaphore_mem>>) attributes {dimension_semantics = [#tpu.dimension_semantics<core_parallel>, #tpu.dimension_semantics<subcore_parallel>], iteration_bounds = array<i64: 2, 16>, scalar_prefetch = 0 : i64, scratch_operands = 5 : i64, tpu.core_type = #tpu.core_type<sc_vector_subcore>, window_params = [{transform_indices = #map}, {transform_indices = #map1}, {transform_indices = #map}]} {
    %mul3A = arith.constant 2 : i32
    %mul3A_0 = arith.muli %arg1, %mul3A : i32
    %add3A = arith.addi %mul3A_0, %arg0 : i32
    %mul3A_1 = arith.constant 256 : i32
    %mul3A_2 = arith.muli %add3A, %mul3A_1 : i32
    "tpu.region"() ({
      %run_scoped3A = tpu.sem_alloc : memref<!tpu.dma_semaphore, #tpu.memory_space<semaphore_mem>>
      %dma_start3A_97 = tpu.memref_slice %arg3[%mul3A_2] : memref<8192xi32, #tpu.memory_space<hbm>> -> memref<256xi32, #tpu.memory_space<hbm>>
      %dma_start3A_98 = tpu.memref_slice %arg3[%mul3A_2] : memref<8192xi32, #tpu.memory_space<hbm>> -> memref<256xi32, #tpu.memory_space<hbm>>
      tpu.enqueue_dma source(%dma_start3A_98 : memref<256xi32, #tpu.memory_space<hbm>>) target(%arg5 : memref<256xi32, #tpu.memory_space<vmem>>) target_semaphore(%run_scoped3A : memref<!tpu.dma_semaphore, #tpu.memory_space<semaphore_mem>>)
      %dma_wait3A_99 = tpu.memref_slice %arg3[%mul3A_2] : memref<8192xi32, #tpu.memory_space<hbm>> -> memref<256xi32, #tpu.memory_space<hbm>>
      %dma_wait3A_100 = tpu.memref_slice %arg3[%mul3A_2] : memref<8192xi32, #tpu.memory_space<hbm>> -> memref<256xi32, #tpu.memory_space<hbm>>
      tpu.wait_dma2 semaphore(%run_scoped3A : memref<!tpu.dma_semaphore, #tpu.memory_space<semaphore_mem>>) src(%dma_wait3A_100 : memref<256xi32, #tpu.memory_space<hbm>>) dst(%arg5 : memref<256xi32, #tpu.memory_space<vmem>>)
      tpu.yield
    }) : () -> ()
    %dma_start3A = arith.constant 0 : i32
    %dma_start3A_3 = tpu.memref_slice %arg5[%dma_start3A] : memref<256xi32, #tpu.memory_space<vmem>> -> memref<32xi32, #tpu.memory_space<vmem>>
    %dma_start3A_4 = arith.constant 0 : i32
    %dma_start3A_5 = arith.constant 0 : i32
    %dma_start3A_6 = tpu.memref_slice %arg2[%dma_start3A_4, %dma_start3A_5] : memref<4096x1024xf32, #tpu.memory_space<hbm>> -> memref<4096x1024xf32, #tpu.memory_space<hbm>>
    tpu.enqueue_indirect_dma source(%dma_start3A_6 : memref<4096x1024xf32, #tpu.memory_space<hbm>>) target(%arg6 : memref<32x1024xf32, #tpu.memory_space<vmem>>) offsets(%dma_start3A_3 : memref<32xi32, #tpu.memory_space<vmem>>) semaphore(%arg8 : memref<!tpu.dma_semaphore, #tpu.memory_space<semaphore_mem>>)
    %dma_start3A_7 = arith.constant 32 : i32
    %dma_start3A_8 = tpu.memref_slice %arg5[%dma_start3A_7] : memref<256xi32, #tpu.memory_space<vmem>> -> memref<32xi32, #tpu.memory_space<vmem>>
    %dma_start3A_9 = arith.constant 0 : i32
    %dma_start3A_10 = arith.constant 0 : i32
    %dma_start3A_11 = tpu.memref_slice %arg2[%dma_start3A_9, %dma_start3A_10] : memref<4096x1024xf32, #tpu.memory_space<hbm>> -> memref<4096x1024xf32, #tpu.memory_space<hbm>>
    tpu.enqueue_indirect_dma source(%dma_start3A_11 : memref<4096x1024xf32, #tpu.memory_space<hbm>>) target(%arg7 : memref<32x1024xf32, #tpu.memory_space<vmem>>) offsets(%dma_start3A_8 : memref<32xi32, #tpu.memory_space<vmem>>) semaphore(%arg9 : memref<!tpu.dma_semaphore, #tpu.memory_space<semaphore_mem>>)
    %dma_wait3A = arith.constant 0 : i32
    %dma_wait3A_12 = tpu.memref_slice %arg5[%dma_wait3A] : memref<256xi32, #tpu.memory_space<vmem>> -> memref<32xi32, #tpu.memory_space<vmem>>
    %dma_wait3A_13 = arith.constant 0 : i32
    %dma_wait3A_14 = arith.constant 0 : i32
    %dma_wait3A_15 = tpu.memref_slice %arg2[%dma_wait3A_13, %dma_wait3A_14] : memref<4096x1024xf32, #tpu.memory_space<hbm>> -> memref<4096x1024xf32, #tpu.memory_space<hbm>>
    tpu.wait_indirect_dma semaphore(%arg8 : memref<!tpu.dma_semaphore, #tpu.memory_space<semaphore_mem>>) src(%dma_wait3A_15 : memref<4096x1024xf32, #tpu.memory_space<hbm>>) dst(%arg6 : memref<32x1024xf32, #tpu.memory_space<vmem>>)
    %add3A_16 = arith.constant 0 : i32
    %add3A_17 = arith.addi %mul3A_2, %add3A_16 : i32
    "tpu.region"() ({
      %run_scoped3A = tpu.sem_alloc : memref<!tpu.dma_semaphore, #tpu.memory_space<semaphore_mem>>
      %dma_start3A_97 = arith.constant 0 : i32
      %dma_start3A_98 = tpu.memref_slice %arg4[%add3A_17, %dma_start3A_97] : memref<8192x1024xf32, #tpu.memory_space<hbm>> -> memref<32x1024xf32, #tpu.memory_space<hbm>>
      %dma_start3A_99 = arith.constant 0 : i32
      %dma_start3A_100 = tpu.memref_slice %arg4[%add3A_17, %dma_start3A_99] : memref<8192x1024xf32, #tpu.memory_space<hbm>> -> memref<32x1024xf32, #tpu.memory_space<hbm>>
      tpu.enqueue_dma source(%arg6 : memref<32x1024xf32, #tpu.memory_space<vmem>>) target(%dma_start3A_100 : memref<32x1024xf32, #tpu.memory_space<hbm>>) target_semaphore(%run_scoped3A : memref<!tpu.dma_semaphore, #tpu.memory_space<semaphore_mem>>)
      %dma_wait3A_101 = arith.constant 0 : i32
      %dma_wait3A_102 = tpu.memref_slice %arg4[%add3A_17, %dma_wait3A_101] : memref<8192x1024xf32, #tpu.memory_space<hbm>> -> memref<32x1024xf32, #tpu.memory_space<hbm>>
      %dma_wait3A_103 = arith.constant 0 : i32
      %dma_wait3A_104 = tpu.memref_slice %arg4[%add3A_17, %dma_wait3A_103] : memref<8192x1024xf32, #tpu.memory_space<hbm>> -> memref<32x1024xf32, #tpu.memory_space<hbm>>
      tpu.wait_dma2 semaphore(%run_scoped3A : memref<!tpu.dma_semaphore, #tpu.memory_space<semaphore_mem>>) src(%arg6 : memref<32x1024xf32, #tpu.memory_space<vmem>>) dst(%dma_wait3A_104 : memref<32x1024xf32, #tpu.memory_space<hbm>>)
      tpu.yield
    }) : () -> ()
    %dma_start3A_18 = arith.constant 64 : i32
    %dma_start3A_19 = tpu.memref_slice %arg5[%dma_start3A_18] : memref<256xi32, #tpu.memory_space<vmem>> -> memref<32xi32, #tpu.memory_space<vmem>>
    %dma_start3A_20 = arith.constant 0 : i32
    %dma_start3A_21 = arith.constant 0 : i32
    %dma_start3A_22 = tpu.memref_slice %arg2[%dma_start3A_20, %dma_start3A_21] : memref<4096x1024xf32, #tpu.memory_space<hbm>> -> memref<4096x1024xf32, #tpu.memory_space<hbm>>
    tpu.enqueue_indirect_dma source(%dma_start3A_22 : memref<4096x1024xf32, #tpu.memory_space<hbm>>) target(%arg6 : memref<32x1024xf32, #tpu.memory_space<vmem>>) offsets(%dma_start3A_19 : memref<32xi32, #tpu.memory_space<vmem>>) semaphore(%arg8 : memref<!tpu.dma_semaphore, #tpu.memory_space<semaphore_mem>>)
    %dma_wait3A_23 = arith.constant 32 : i32
    %dma_wait3A_24 = tpu.memref_slice %arg5[%dma_wait3A_23] : memref<256xi32, #tpu.memory_space<vmem>> -> memref<32xi32, #tpu.memory_space<vmem>>
    %dma_wait3A_25 = arith.constant 0 : i32
    %dma_wait3A_26 = arith.constant 0 : i32
    %dma_wait3A_27 = tpu.memref_slice %arg2[%dma_wait3A_25, %dma_wait3A_26] : memref<4096x1024xf32, #tpu.memory_space<hbm>> -> memref<4096x1024xf32, #tpu.memory_space<hbm>>
    tpu.wait_indirect_dma semaphore(%arg9 : memref<!tpu.dma_semaphore, #tpu.memory_space<semaphore_mem>>) src(%dma_wait3A_27 : memref<4096x1024xf32, #tpu.memory_space<hbm>>) dst(%arg7 : memref<32x1024xf32, #tpu.memory_space<vmem>>)
    %add3A_28 = arith.constant 32 : i32
    %add3A_29 = arith.addi %mul3A_2, %add3A_28 : i32
    "tpu.region"() ({
      %run_scoped3A = tpu.sem_alloc : memref<!tpu.dma_semaphore, #tpu.memory_space<semaphore_mem>>
      %dma_start3A_97 = arith.constant 0 : i32
      %dma_start3A_98 = tpu.memref_slice %arg4[%add3A_29, %dma_start3A_97] : memref<8192x1024xf32, #tpu.memory_space<hbm>> -> memref<32x1024xf32, #tpu.memory_space<hbm>>
      %dma_start3A_99 = arith.constant 0 : i32
      %dma_start3A_100 = tpu.memref_slice %arg4[%add3A_29, %dma_start3A_99] : memref<8192x1024xf32, #tpu.memory_space<hbm>> -> memref<32x1024xf32, #tpu.memory_space<hbm>>
      tpu.enqueue_dma source(%arg7 : memref<32x1024xf32, #tpu.memory_space<vmem>>) target(%dma_start3A_100 : memref<32x1024xf32, #tpu.memory_space<hbm>>) target_semaphore(%run_scoped3A : memref<!tpu.dma_semaphore, #tpu.memory_space<semaphore_mem>>)
      %dma_wait3A_101 = arith.constant 0 : i32
      %dma_wait3A_102 = tpu.memref_slice %arg4[%add3A_29, %dma_wait3A_101] : memref<8192x1024xf32, #tpu.memory_space<hbm>> -> memref<32x1024xf32, #tpu.memory_space<hbm>>
      %dma_wait3A_103 = arith.constant 0 : i32
      %dma_wait3A_104 = tpu.memref_slice %arg4[%add3A_29, %dma_wait3A_103] : memref<8192x1024xf32, #tpu.memory_space<hbm>> -> memref<32x1024xf32, #tpu.memory_space<hbm>>
      tpu.wait_dma2 semaphore(%run_scoped3A : memref<!tpu.dma_semaphore, #tpu.memory_space<semaphore_mem>>) src(%arg7 : memref<32x1024xf32, #tpu.memory_space<vmem>>) dst(%dma_wait3A_104 : memref<32x1024xf32, #tpu.memory_space<hbm>>)
      tpu.yield
    }) : () -> ()
    %dma_start3A_30 = arith.constant 96 : i32
    %dma_start3A_31 = tpu.memref_slice %arg5[%dma_start3A_30] : memref<256xi32, #tpu.memory_space<vmem>> -> memref<32xi32, #tpu.memory_space<vmem>>
    %dma_start3A_32 = arith.constant 0 : i32
    %dma_start3A_33 = arith.constant 0 : i32
    %dma_start3A_34 = tpu.memref_slice %arg2[%dma_start3A_32, %dma_start3A_33] : memref<4096x1024xf32, #tpu.memory_space<hbm>> -> memref<4096x1024xf32, #tpu.memory_space<hbm>>
    tpu.enqueue_indirect_dma source(%dma_start3A_34 : memref<4096x1024xf32, #tpu.memory_space<hbm>>) target(%arg7 : memref<32x1024xf32, #tpu.memory_space<vmem>>) offsets(%dma_start3A_31 : memref<32xi32, #tpu.memory_space<vmem>>) semaphore(%arg9 : memref<!tpu.dma_semaphore, #tpu.memory_space<semaphore_mem>>)
    %dma_wait3A_35 = arith.constant 64 : i32
    %dma_wait3A_36 = tpu.memref_slice %arg5[%dma_wait3A_35] : memref<256xi32, #tpu.memory_space<vmem>> -> memref<32xi32, #tpu.memory_space<vmem>>
    %dma_wait3A_37 = arith.constant 0 : i32
    %dma_wait3A_38 = arith.constant 0 : i32
    %dma_wait3A_39 = tpu.memref_slice %arg2[%dma_wait3A_37, %dma_wait3A_38] : memref<4096x1024xf32, #tpu.memory_space<hbm>> -> memref<4096x1024xf32, #tpu.memory_space<hbm>>
    tpu.wait_indirect_dma semaphore(%arg8 : memref<!tpu.dma_semaphore, #tpu.memory_space<semaphore_mem>>) src(%dma_wait3A_39 : memref<4096x1024xf32, #tpu.memory_space<hbm>>) dst(%arg6 : memref<32x1024xf32, #tpu.memory_space<vmem>>)
    %add3A_40 = arith.constant 64 : i32
    %add3A_41 = arith.addi %mul3A_2, %add3A_40 : i32
    "tpu.region"() ({
      %run_scoped3A = tpu.sem_alloc : memref<!tpu.dma_semaphore, #tpu.memory_space<semaphore_mem>>
      %dma_start3A_97 = arith.constant 0 : i32
      %dma_start3A_98 = tpu.memref_slice %arg4[%add3A_41, %dma_start3A_97] : memref<8192x1024xf32, #tpu.memory_space<hbm>> -> memref<32x1024xf32, #tpu.memory_space<hbm>>
      %dma_start3A_99 = arith.constant 0 : i32
      %dma_start3A_100 = tpu.memref_slice %arg4[%add3A_41, %dma_start3A_99] : memref<8192x1024xf32, #tpu.memory_space<hbm>> -> memref<32x1024xf32, #tpu.memory_space<hbm>>
      tpu.enqueue_dma source(%arg6 : memref<32x1024xf32, #tpu.memory_space<vmem>>) target(%dma_start3A_100 : memref<32x1024xf32, #tpu.memory_space<hbm>>) target_semaphore(%run_scoped3A : memref<!tpu.dma_semaphore, #tpu.memory_space<semaphore_mem>>)
      %dma_wait3A_101 = arith.constant 0 : i32
      %dma_wait3A_102 = tpu.memref_slice %arg4[%add3A_41, %dma_wait3A_101] : memref<8192x1024xf32, #tpu.memory_space<hbm>> -> memref<32x1024xf32, #tpu.memory_space<hbm>>
      %dma_wait3A_103 = arith.constant 0 : i32
      %dma_wait3A_104 = tpu.memref_slice %arg4[%add3A_41, %dma_wait3A_103] : memref<8192x1024xf32, #tpu.memory_space<hbm>> -> memref<32x1024xf32, #tpu.memory_space<hbm>>
      tpu.wait_dma2 semaphore(%run_scoped3A : memref<!tpu.dma_semaphore, #tpu.memory_space<semaphore_mem>>) src(%arg6 : memref<32x1024xf32, #tpu.memory_space<vmem>>) dst(%dma_wait3A_104 : memref<32x1024xf32, #tpu.memory_space<hbm>>)
      tpu.yield
    }) : () -> ()
    %dma_start3A_42 = arith.constant 128 : i32
    %dma_start3A_43 = tpu.memref_slice %arg5[%dma_start3A_42] : memref<256xi32, #tpu.memory_space<vmem>> -> memref<32xi32, #tpu.memory_space<vmem>>
    %dma_start3A_44 = arith.constant 0 : i32
    %dma_start3A_45 = arith.constant 0 : i32
    %dma_start3A_46 = tpu.memref_slice %arg2[%dma_start3A_44, %dma_start3A_45] : memref<4096x1024xf32, #tpu.memory_space<hbm>> -> memref<4096x1024xf32, #tpu.memory_space<hbm>>
    tpu.enqueue_indirect_dma source(%dma_start3A_46 : memref<4096x1024xf32, #tpu.memory_space<hbm>>) target(%arg6 : memref<32x1024xf32, #tpu.memory_space<vmem>>) offsets(%dma_start3A_43 : memref<32xi32, #tpu.memory_space<vmem>>) semaphore(%arg8 : memref<!tpu.dma_semaphore, #tpu.memory_space<semaphore_mem>>)
    %dma_wait3A_47 = arith.constant 96 : i32
    %dma_wait3A_48 = tpu.memref_slice %arg5[%dma_wait3A_47] : memref<256xi32, #tpu.memory_space<vmem>> -> memref<32xi32, #tpu.memory_space<vmem>>
    %dma_wait3A_49 = arith.constant 0 : i32
    %dma_wait3A_50 = arith.constant 0 : i32
    %dma_wait3A_51 = tpu.memref_slice %arg2[%dma_wait3A_49, %dma_wait3A_50] : memref<4096x1024xf32, #tpu.memory_space<hbm>> -> memref<4096x1024xf32, #tpu.memory_space<hbm>>
    tpu.wait_indirect_dma semaphore(%arg9 : memref<!tpu.dma_semaphore, #tpu.memory_space<semaphore_mem>>) src(%dma_wait3A_51 : memref<4096x1024xf32, #tpu.memory_space<hbm>>) dst(%arg7 : memref<32x1024xf32, #tpu.memory_space<vmem>>)
    %add3A_52 = arith.constant 96 : i32
    %add3A_53 = arith.addi %mul3A_2, %add3A_52 : i32
    "tpu.region"() ({
      %run_scoped3A = tpu.sem_alloc : memref<!tpu.dma_semaphore, #tpu.memory_space<semaphore_mem>>
      %dma_start3A_97 = arith.constant 0 : i32
      %dma_start3A_98 = tpu.memref_slice %arg4[%add3A_53, %dma_start3A_97] : memref<8192x1024xf32, #tpu.memory_space<hbm>> -> memref<32x1024xf32, #tpu.memory_space<hbm>>
      %dma_start3A_99 = arith.constant 0 : i32
      %dma_start3A_100 = tpu.memref_slice %arg4[%add3A_53, %dma_start3A_99] : memref<8192x1024xf32, #tpu.memory_space<hbm>> -> memref<32x1024xf32, #tpu.memory_space<hbm>>
      tpu.enqueue_dma source(%arg7 : memref<32x1024xf32, #tpu.memory_space<vmem>>) target(%dma_start3A_100 : memref<32x1024xf32, #tpu.memory_space<hbm>>) target_semaphore(%run_scoped3A : memref<!tpu.dma_semaphore, #tpu.memory_space<semaphore_mem>>)
      %dma_wait3A_101 = arith.constant 0 : i32
      %dma_wait3A_102 = tpu.memref_slice %arg4[%add3A_53, %dma_wait3A_101] : memref<8192x1024xf32, #tpu.memory_space<hbm>> -> memref<32x1024xf32, #tpu.memory_space<hbm>>
      %dma_wait3A_103 = arith.constant 0 : i32
      %dma_wait3A_104 = tpu.memref_slice %arg4[%add3A_53, %dma_wait3A_103] : memref<8192x1024xf32, #tpu.memory_space<hbm>> -> memref<32x1024xf32, #tpu.memory_space<hbm>>
      tpu.wait_dma2 semaphore(%run_scoped3A : memref<!tpu.dma_semaphore, #tpu.memory_space<semaphore_mem>>) src(%arg7 : memref<32x1024xf32, #tpu.memory_space<vmem>>) dst(%dma_wait3A_104 : memref<32x1024xf32, #tpu.memory_space<hbm>>)
      tpu.yield
    }) : () -> ()
    %dma_start3A_54 = arith.constant 160 : i32
    %dma_start3A_55 = tpu.memref_slice %arg5[%dma_start3A_54] : memref<256xi32, #tpu.memory_space<vmem>> -> memref<32xi32, #tpu.memory_space<vmem>>
    %dma_start3A_56 = arith.constant 0 : i32
    %dma_start3A_57 = arith.constant 0 : i32
    %dma_start3A_58 = tpu.memref_slice %arg2[%dma_start3A_56, %dma_start3A_57] : memref<4096x1024xf32, #tpu.memory_space<hbm>> -> memref<4096x1024xf32, #tpu.memory_space<hbm>>
    tpu.enqueue_indirect_dma source(%dma_start3A_58 : memref<4096x1024xf32, #tpu.memory_space<hbm>>) target(%arg7 : memref<32x1024xf32, #tpu.memory_space<vmem>>) offsets(%dma_start3A_55 : memref<32xi32, #tpu.memory_space<vmem>>) semaphore(%arg9 : memref<!tpu.dma_semaphore, #tpu.memory_space<semaphore_mem>>)
    %dma_wait3A_59 = arith.constant 128 : i32
    %dma_wait3A_60 = tpu.memref_slice %arg5[%dma_wait3A_59] : memref<256xi32, #tpu.memory_space<vmem>> -> memref<32xi32, #tpu.memory_space<vmem>>
    %dma_wait3A_61 = arith.constant 0 : i32
    %dma_wait3A_62 = arith.constant 0 : i32
    %dma_wait3A_63 = tpu.memref_slice %arg2[%dma_wait3A_61, %dma_wait3A_62] : memref<4096x1024xf32, #tpu.memory_space<hbm>> -> memref<4096x1024xf32, #tpu.memory_space<hbm>>
    tpu.wait_indirect_dma semaphore(%arg8 : memref<!tpu.dma_semaphore, #tpu.memory_space<semaphore_mem>>) src(%dma_wait3A_63 : memref<4096x1024xf32, #tpu.memory_space<hbm>>) dst(%arg6 : memref<32x1024xf32, #tpu.memory_space<vmem>>)
    %add3A_64 = arith.constant 128 : i32
    %add3A_65 = arith.addi %mul3A_2, %add3A_64 : i32
    "tpu.region"() ({
      %run_scoped3A = tpu.sem_alloc : memref<!tpu.dma_semaphore, #tpu.memory_space<semaphore_mem>>
      %dma_start3A_97 = arith.constant 0 : i32
      %dma_start3A_98 = tpu.memref_slice %arg4[%add3A_65, %dma_start3A_97] : memref<8192x1024xf32, #tpu.memory_space<hbm>> -> memref<32x1024xf32, #tpu.memory_space<hbm>>
      %dma_start3A_99 = arith.constant 0 : i32
      %dma_start3A_100 = tpu.memref_slice %arg4[%add3A_65, %dma_start3A_99] : memref<8192x1024xf32, #tpu.memory_space<hbm>> -> memref<32x1024xf32, #tpu.memory_space<hbm>>
      tpu.enqueue_dma source(%arg6 : memref<32x1024xf32, #tpu.memory_space<vmem>>) target(%dma_start3A_100 : memref<32x1024xf32, #tpu.memory_space<hbm>>) target_semaphore(%run_scoped3A : memref<!tpu.dma_semaphore, #tpu.memory_space<semaphore_mem>>)
      %dma_wait3A_101 = arith.constant 0 : i32
      %dma_wait3A_102 = tpu.memref_slice %arg4[%add3A_65, %dma_wait3A_101] : memref<8192x1024xf32, #tpu.memory_space<hbm>> -> memref<32x1024xf32, #tpu.memory_space<hbm>>
      %dma_wait3A_103 = arith.constant 0 : i32
      %dma_wait3A_104 = tpu.memref_slice %arg4[%add3A_65, %dma_wait3A_103] : memref<8192x1024xf32, #tpu.memory_space<hbm>> -> memref<32x1024xf32, #tpu.memory_space<hbm>>
      tpu.wait_dma2 semaphore(%run_scoped3A : memref<!tpu.dma_semaphore, #tpu.memory_space<semaphore_mem>>) src(%arg6 : memref<32x1024xf32, #tpu.memory_space<vmem>>) dst(%dma_wait3A_104 : memref<32x1024xf32, #tpu.memory_space<hbm>>)
      tpu.yield
    }) : () -> ()
    %dma_start3A_66 = arith.constant 192 : i32
    %dma_start3A_67 = tpu.memref_slice %arg5[%dma_start3A_66] : memref<256xi32, #tpu.memory_space<vmem>> -> memref<32xi32, #tpu.memory_space<vmem>>
    %dma_start3A_68 = arith.constant 0 : i32
    %dma_start3A_69 = arith.constant 0 : i32
    %dma_start3A_70 = tpu.memref_slice %arg2[%dma_start3A_68, %dma_start3A_69] : memref<4096x1024xf32, #tpu.memory_space<hbm>> -> memref<4096x1024xf32, #tpu.memory_space<hbm>>
    tpu.enqueue_indirect_dma source(%dma_start3A_70 : memref<4096x1024xf32, #tpu.memory_space<hbm>>) target(%arg6 : memref<32x1024xf32, #tpu.memory_space<vmem>>) offsets(%dma_start3A_67 : memref<32xi32, #tpu.memory_space<vmem>>) semaphore(%arg8 : memref<!tpu.dma_semaphore, #tpu.memory_space<semaphore_mem>>)
    %dma_wait3A_71 = arith.constant 160 : i32
    %dma_wait3A_72 = tpu.memref_slice %arg5[%dma_wait3A_71] : memref<256xi32, #tpu.memory_space<vmem>> -> memref<32xi32, #tpu.memory_space<vmem>>
    %dma_wait3A_73 = arith.constant 0 : i32
    %dma_wait3A_74 = arith.constant 0 : i32
    %dma_wait3A_75 = tpu.memref_slice %arg2[%dma_wait3A_73, %dma_wait3A_74] : memref<4096x1024xf32, #tpu.memory_space<hbm>> -> memref<4096x1024xf32, #tpu.memory_space<hbm>>
    tpu.wait_indirect_dma semaphore(%arg9 : memref<!tpu.dma_semaphore, #tpu.memory_space<semaphore_mem>>) src(%dma_wait3A_75 : memref<4096x1024xf32, #tpu.memory_space<hbm>>) dst(%arg7 : memref<32x1024xf32, #tpu.memory_space<vmem>>)
    %add3A_76 = arith.constant 160 : i32
    %add3A_77 = arith.addi %mul3A_2, %add3A_76 : i32
    "tpu.region"() ({
      %run_scoped3A = tpu.sem_alloc : memref<!tpu.dma_semaphore, #tpu.memory_space<semaphore_mem>>
      %dma_start3A_97 = arith.constant 0 : i32
      %dma_start3A_98 = tpu.memref_slice %arg4[%add3A_77, %dma_start3A_97] : memref<8192x1024xf32, #tpu.memory_space<hbm>> -> memref<32x1024xf32, #tpu.memory_space<hbm>>
      %dma_start3A_99 = arith.constant 0 : i32
      %dma_start3A_100 = tpu.memref_slice %arg4[%add3A_77, %dma_start3A_99] : memref<8192x1024xf32, #tpu.memory_space<hbm>> -> memref<32x1024xf32, #tpu.memory_space<hbm>>
      tpu.enqueue_dma source(%arg7 : memref<32x1024xf32, #tpu.memory_space<vmem>>) target(%dma_start3A_100 : memref<32x1024xf32, #tpu.memory_space<hbm>>) target_semaphore(%run_scoped3A : memref<!tpu.dma_semaphore, #tpu.memory_space<semaphore_mem>>)
      %dma_wait3A_101 = arith.constant 0 : i32
      %dma_wait3A_102 = tpu.memref_slice %arg4[%add3A_77, %dma_wait3A_101] : memref<8192x1024xf32, #tpu.memory_space<hbm>> -> memref<32x1024xf32, #tpu.memory_space<hbm>>
      %dma_wait3A_103 = arith.constant 0 : i32
      %dma_wait3A_104 = tpu.memref_slice %arg4[%add3A_77, %dma_wait3A_103] : memref<8192x1024xf32, #tpu.memory_space<hbm>> -> memref<32x1024xf32, #tpu.memory_space<hbm>>
      tpu.wait_dma2 semaphore(%run_scoped3A : memref<!tpu.dma_semaphore, #tpu.memory_space<semaphore_mem>>) src(%arg7 : memref<32x1024xf32, #tpu.memory_space<vmem>>) dst(%dma_wait3A_104 : memref<32x1024xf32, #tpu.memory_space<hbm>>)
      tpu.yield
    }) : () -> ()
    %dma_start3A_78 = arith.constant 224 : i32
    %dma_start3A_79 = tpu.memref_slice %arg5[%dma_start3A_78] : memref<256xi32, #tpu.memory_space<vmem>> -> memref<32xi32, #tpu.memory_space<vmem>>
    %dma_start3A_80 = arith.constant 0 : i32
    %dma_start3A_81 = arith.constant 0 : i32
    %dma_start3A_82 = tpu.memref_slice %arg2[%dma_start3A_80, %dma_start3A_81] : memref<4096x1024xf32, #tpu.memory_space<hbm>> -> memref<4096x1024xf32, #tpu.memory_space<hbm>>
    tpu.enqueue_indirect_dma source(%dma_start3A_82 : memref<4096x1024xf32, #tpu.memory_space<hbm>>) target(%arg7 : memref<32x1024xf32, #tpu.memory_space<vmem>>) offsets(%dma_start3A_79 : memref<32xi32, #tpu.memory_space<vmem>>) semaphore(%arg9 : memref<!tpu.dma_semaphore, #tpu.memory_space<semaphore_mem>>)
    %dma_wait3A_83 = arith.constant 192 : i32
    %dma_wait3A_84 = tpu.memref_slice %arg5[%dma_wait3A_83] : memref<256xi32, #tpu.memory_space<vmem>> -> memref<32xi32, #tpu.memory_space<vmem>>
    %dma_wait3A_85 = arith.constant 0 : i32
    %dma_wait3A_86 = arith.constant 0 : i32
    %dma_wait3A_87 = tpu.memref_slice %arg2[%dma_wait3A_85, %dma_wait3A_86] : memref<4096x1024xf32, #tpu.memory_space<hbm>> -> memref<4096x1024xf32, #tpu.memory_space<hbm>>
    tpu.wait_indirect_dma semaphore(%arg8 : memref<!tpu.dma_semaphore, #tpu.memory_space<semaphore_mem>>) src(%dma_wait3A_87 : memref<4096x1024xf32, #tpu.memory_space<hbm>>) dst(%arg6 : memref<32x1024xf32, #tpu.memory_space<vmem>>)
    %add3A_88 = arith.constant 192 : i32
    %add3A_89 = arith.addi %mul3A_2, %add3A_88 : i32
    "tpu.region"() ({
      %run_scoped3A = tpu.sem_alloc : memref<!tpu.dma_semaphore, #tpu.memory_space<semaphore_mem>>
      %dma_start3A_97 = arith.constant 0 : i32
      %dma_start3A_98 = tpu.memref_slice %arg4[%add3A_89, %dma_start3A_97] : memref<8192x1024xf32, #tpu.memory_space<hbm>> -> memref<32x1024xf32, #tpu.memory_space<hbm>>
      %dma_start3A_99 = arith.constant 0 : i32
      %dma_start3A_100 = tpu.memref_slice %arg4[%add3A_89, %dma_start3A_99] : memref<8192x1024xf32, #tpu.memory_space<hbm>> -> memref<32x1024xf32, #tpu.memory_space<hbm>>
      tpu.enqueue_dma source(%arg6 : memref<32x1024xf32, #tpu.memory_space<vmem>>) target(%dma_start3A_100 : memref<32x1024xf32, #tpu.memory_space<hbm>>) target_semaphore(%run_scoped3A : memref<!tpu.dma_semaphore, #tpu.memory_space<semaphore_mem>>)
      %dma_wait3A_101 = arith.constant 0 : i32
      %dma_wait3A_102 = tpu.memref_slice %arg4[%add3A_89, %dma_wait3A_101] : memref<8192x1024xf32, #tpu.memory_space<hbm>> -> memref<32x1024xf32, #tpu.memory_space<hbm>>
      %dma_wait3A_103 = arith.constant 0 : i32
      %dma_wait3A_104 = tpu.memref_slice %arg4[%add3A_89, %dma_wait3A_103] : memref<8192x1024xf32, #tpu.memory_space<hbm>> -> memref<32x1024xf32, #tpu.memory_space<hbm>>
      tpu.wait_dma2 semaphore(%run_scoped3A : memref<!tpu.dma_semaphore, #tpu.memory_space<semaphore_mem>>) src(%arg6 : memref<32x1024xf32, #tpu.memory_space<vmem>>) dst(%dma_wait3A_104 : memref<32x1024xf32, #tpu.memory_space<hbm>>)
      tpu.yield
    }) : () -> ()
    %dma_wait3A_90 = arith.constant 224 : i32
    %dma_wait3A_91 = tpu.memref_slice %arg5[%dma_wait3A_90] : memref<256xi32, #tpu.memory_space<vmem>> -> memref<32xi32, #tpu.memory_space<vmem>>
    %dma_wait3A_92 = arith.constant 0 : i32
    %dma_wait3A_93 = arith.constant 0 : i32
    %dma_wait3A_94 = tpu.memref_slice %arg2[%dma_wait3A_92, %dma_wait3A_93] : memref<4096x1024xf32, #tpu.memory_space<hbm>> -> memref<4096x1024xf32, #tpu.memory_space<hbm>>
    tpu.wait_indirect_dma semaphore(%arg9 : memref<!tpu.dma_semaphore, #tpu.memory_space<semaphore_mem>>) src(%dma_wait3A_94 : memref<4096x1024xf32, #tpu.memory_space<hbm>>) dst(%arg7 : memref<32x1024xf32, #tpu.memory_space<vmem>>)
    %add3A_95 = arith.constant 224 : i32
    %add3A_96 = arith.addi %mul3A_2, %add3A_95 : i32
    "tpu.region"() ({
      %run_scoped3A = tpu.sem_alloc : memref<!tpu.dma_semaphore, #tpu.memory_space<semaphore_mem>>
      %dma_start3A_97 = arith.constant 0 : i32
      %dma_start3A_98 = tpu.memref_slice %arg4[%add3A_96, %dma_start3A_97] : memref<8192x1024xf32, #tpu.memory_space<hbm>> -> memref<32x1024xf32, #tpu.memory_space<hbm>>
      %dma_start3A_99 = arith.constant 0 : i32
      %dma_start3A_100 = tpu.memref_slice %arg4[%add3A_96, %dma_start3A_99] : memref<8192x1024xf32, #tpu.memory_space<hbm>> -> memref<32x1024xf32, #tpu.memory_space<hbm>>
      tpu.enqueue_dma source(%arg7 : memref<32x1024xf32, #tpu.memory_space<vmem>>) target(%dma_start3A_100 : memref<32x1024xf32, #tpu.memory_space<hbm>>) target_semaphore(%run_scoped3A : memref<!tpu.dma_semaphore, #tpu.memory_space<semaphore_mem>>)
      %dma_wait3A_101 = arith.constant 0 : i32
      %dma_wait3A_102 = tpu.memref_slice %arg4[%add3A_96, %dma_wait3A_101] : memref<8192x1024xf32, #tpu.memory_space<hbm>> -> memref<32x1024xf32, #tpu.memory_space<hbm>>
      %dma_wait3A_103 = arith.constant 0 : i32
      %dma_wait3A_104 = tpu.memref_slice %arg4[%add3A_96, %dma_wait3A_103] : memref<8192x1024xf32, #tpu.memory_space<hbm>> -> memref<32x1024xf32, #tpu.memory_space<hbm>>
      tpu.wait_dma2 semaphore(%run_scoped3A : memref<!tpu.dma_semaphore, #tpu.memory_space<semaphore_mem>>) src(%arg7 : memref<32x1024xf32, #tpu.memory_space<vmem>>) dst(%dma_wait3A_104 : memref<32x1024xf32, #tpu.memory_space<hbm>>)
      tpu.yield
    }) : () -> ()
    return
  }
}

#map = affine_map<(d0, d1) -> (0, 0)>
#map1 = affine_map<(d0, d1) -> (0)>
module attributes {stable_mosaic.version = 14 : i64} {
  func.func @body(%arg0: i32, %arg1: i32, %arg2: memref<16640x1024xf32, #tpu.memory_space<hbm>>, %arg3: memref<8192xi32, #tpu.memory_space<hbm>>, %arg4: memref<8192x1024xf32, #tpu.memory_space<hbm>>, %arg5: memref<256xi32, #tpu.memory_space<vmem>>, %arg6: memref<32x1024xf32, #tpu.memory_space<vmem>>, %arg7: memref<32x1024xf32, #tpu.memory_space<vmem>>, %arg8: memref<!tpu.dma_semaphore, #tpu.memory_space<semaphore_mem>>, %arg9: memref<!tpu.dma_semaphore, #tpu.memory_space<semaphore_mem>>) attributes {dimension_semantics = [#tpu.dimension_semantics<core_parallel>, #tpu.dimension_semantics<subcore_parallel>], iteration_bounds = array<i64: 2, 16>, scalar_prefetch = 0 : i64, scratch_operands = 5 : i64, tpu.core_type = #tpu.core_type<sc_vector_subcore>, window_params = [{transform_indices = #map}, {transform_indices = #map1}, {transform_indices = #map}]} {
    %mul3A = arith.constant 2 : i32
    %mul3A_0 = arith.muli %arg1, %mul3A : i32
    %add3A = arith.addi %mul3A_0, %arg0 : i32
    %mul3A_1 = arith.constant 256 : i32
    %mul3A_2 = arith.muli %add3A, %mul3A_1 : i32
    "tpu.region"() ({
      %run_scoped3A = tpu.sem_alloc : memref<!tpu.dma_semaphore, #tpu.memory_space<semaphore_mem>>
      %dma_start3A_97 = tpu.memref_slice %arg3[%mul3A_2] : memref<8192xi32, #tpu.memory_space<hbm>> -> memref<256xi32, #tpu.memory_space<hbm>>
      %dma_start3A_98 = tpu.memref_slice %arg3[%mul3A_2] : memref<8192xi32, #tpu.memory_space<hbm>> -> memref<256xi32, #tpu.memory_space<hbm>>
      tpu.enqueue_dma source(%dma_start3A_98 : memref<256xi32, #tpu.memory_space<hbm>>) target(%arg5 : memref<256xi32, #tpu.memory_space<vmem>>) target_semaphore(%run_scoped3A : memref<!tpu.dma_semaphore, #tpu.memory_space<semaphore_mem>>)
      %dma_wait3A_99 = tpu.memref_slice %arg3[%mul3A_2] : memref<8192xi32, #tpu.memory_space<hbm>> -> memref<256xi32, #tpu.memory_space<hbm>>
      %dma_wait3A_100 = tpu.memref_slice %arg3[%mul3A_2] : memref<8192xi32, #tpu.memory_space<hbm>> -> memref<256xi32, #tpu.memory_space<hbm>>
      tpu.wait_dma2 semaphore(%run_scoped3A : memref<!tpu.dma_semaphore, #tpu.memory_space<semaphore_mem>>) src(%dma_wait3A_100 : memref<256xi32, #tpu.memory_space<hbm>>) dst(%arg5 : memref<256xi32, #tpu.memory_space<vmem>>)
      tpu.yield
    }) : () -> ()
    %dma_start3A = arith.constant 0 : i32
    %dma_start3A_3 = tpu.memref_slice %arg5[%dma_start3A] : memref<256xi32, #tpu.memory_space<vmem>> -> memref<32xi32, #tpu.memory_space<vmem>>
    %dma_start3A_4 = arith.constant 0 : i32
    %dma_start3A_5 = arith.constant 0 : i32
    %dma_start3A_6 = tpu.memref_slice %arg2[%dma_start3A_4, %dma_start3A_5] : memref<16640x1024xf32, #tpu.memory_space<hbm>> -> memref<16640x1024xf32, #tpu.memory_space<hbm>>
    tpu.enqueue_indirect_dma source(%dma_start3A_6 : memref<16640x1024xf32, #tpu.memory_space<hbm>>) target(%arg6 : memref<32x1024xf32, #tpu.memory_space<vmem>>) offsets(%dma_start3A_3 : memref<32xi32, #tpu.memory_space<vmem>>) semaphore(%arg8 : memref<!tpu.dma_semaphore, #tpu.memory_space<semaphore_mem>>)
    %dma_start3A_7 = arith.constant 32 : i32
    %dma_start3A_8 = tpu.memref_slice %arg5[%dma_start3A_7] : memref<256xi32, #tpu.memory_space<vmem>> -> memref<32xi32, #tpu.memory_space<vmem>>
    %dma_start3A_9 = arith.constant 0 : i32
    %dma_start3A_10 = arith.constant 0 : i32
    %dma_start3A_11 = tpu.memref_slice %arg2[%dma_start3A_9, %dma_start3A_10] : memref<16640x1024xf32, #tpu.memory_space<hbm>> -> memref<16640x1024xf32, #tpu.memory_space<hbm>>
    tpu.enqueue_indirect_dma source(%dma_start3A_11 : memref<16640x1024xf32, #tpu.memory_space<hbm>>) target(%arg7 : memref<32x1024xf32, #tpu.memory_space<vmem>>) offsets(%dma_start3A_8 : memref<32xi32, #tpu.memory_space<vmem>>) semaphore(%arg9 : memref<!tpu.dma_semaphore, #tpu.memory_space<semaphore_mem>>)
    %dma_wait3A = arith.constant 0 : i32
    %dma_wait3A_12 = tpu.memref_slice %arg5[%dma_wait3A] : memref<256xi32, #tpu.memory_space<vmem>> -> memref<32xi32, #tpu.memory_space<vmem>>
    %dma_wait3A_13 = arith.constant 0 : i32
    %dma_wait3A_14 = arith.constant 0 : i32
    %dma_wait3A_15 = tpu.memref_slice %arg2[%dma_wait3A_13, %dma_wait3A_14] : memref<16640x1024xf32, #tpu.memory_space<hbm>> -> memref<16640x1024xf32, #tpu.memory_space<hbm>>
    tpu.wait_indirect_dma semaphore(%arg8 : memref<!tpu.dma_semaphore, #tpu.memory_space<semaphore_mem>>) src(%dma_wait3A_15 : memref<16640x1024xf32, #tpu.memory_space<hbm>>) dst(%arg6 : memref<32x1024xf32, #tpu.memory_space<vmem>>)
    %add3A_16 = arith.constant 0 : i32
    %add3A_17 = arith.addi %mul3A_2, %add3A_16 : i32
    "tpu.region"() ({
      %run_scoped3A = tpu.sem_alloc : memref<!tpu.dma_semaphore, #tpu.memory_space<semaphore_mem>>
      %dma_start3A_97 = arith.constant 0 : i32
      %dma_start3A_98 = tpu.memref_slice %arg4[%add3A_17, %dma_start3A_97] : memref<8192x1024xf32, #tpu.memory_space<hbm>> -> memref<32x1024xf32, #tpu.memory_space<hbm>>
      %dma_start3A_99 = arith.constant 0 : i32
      %dma_start3A_100 = tpu.memref_slice %arg4[%add3A_17, %dma_start3A_99] : memref<8192x1024xf32, #tpu.memory_space<hbm>> -> memref<32x1024xf32, #tpu.memory_space<hbm>>
      tpu.enqueue_dma source(%arg6 : memref<32x1024xf32, #tpu.memory_space<vmem>>) target(%dma_start3A_100 : memref<32x1024xf32, #tpu.memory_space<hbm>>) target_semaphore(%run_scoped3A : memref<!tpu.dma_semaphore, #tpu.memory_space<semaphore_mem>>)
      %dma_wait3A_101 = arith.constant 0 : i32
      %dma_wait3A_102 = tpu.memref_slice %arg4[%add3A_17, %dma_wait3A_101] : memref<8192x1024xf32, #tpu.memory_space<hbm>> -> memref<32x1024xf32, #tpu.memory_space<hbm>>
      %dma_wait3A_103 = arith.constant 0 : i32
      %dma_wait3A_104 = tpu.memref_slice %arg4[%add3A_17, %dma_wait3A_103] : memref<8192x1024xf32, #tpu.memory_space<hbm>> -> memref<32x1024xf32, #tpu.memory_space<hbm>>
      tpu.wait_dma2 semaphore(%run_scoped3A : memref<!tpu.dma_semaphore, #tpu.memory_space<semaphore_mem>>) src(%arg6 : memref<32x1024xf32, #tpu.memory_space<vmem>>) dst(%dma_wait3A_104 : memref<32x1024xf32, #tpu.memory_space<hbm>>)
      tpu.yield
    }) : () -> ()
    %dma_start3A_18 = arith.constant 64 : i32
    %dma_start3A_19 = tpu.memref_slice %arg5[%dma_start3A_18] : memref<256xi32, #tpu.memory_space<vmem>> -> memref<32xi32, #tpu.memory_space<vmem>>
    %dma_start3A_20 = arith.constant 0 : i32
    %dma_start3A_21 = arith.constant 0 : i32
    %dma_start3A_22 = tpu.memref_slice %arg2[%dma_start3A_20, %dma_start3A_21] : memref<16640x1024xf32, #tpu.memory_space<hbm>> -> memref<16640x1024xf32, #tpu.memory_space<hbm>>
    tpu.enqueue_indirect_dma source(%dma_start3A_22 : memref<16640x1024xf32, #tpu.memory_space<hbm>>) target(%arg6 : memref<32x1024xf32, #tpu.memory_space<vmem>>) offsets(%dma_start3A_19 : memref<32xi32, #tpu.memory_space<vmem>>) semaphore(%arg8 : memref<!tpu.dma_semaphore, #tpu.memory_space<semaphore_mem>>)
    %dma_wait3A_23 = arith.constant 32 : i32
    %dma_wait3A_24 = tpu.memref_slice %arg5[%dma_wait3A_23] : memref<256xi32, #tpu.memory_space<vmem>> -> memref<32xi32, #tpu.memory_space<vmem>>
    %dma_wait3A_25 = arith.constant 0 : i32
    %dma_wait3A_26 = arith.constant 0 : i32
    %dma_wait3A_27 = tpu.memref_slice %arg2[%dma_wait3A_25, %dma_wait3A_26] : memref<16640x1024xf32, #tpu.memory_space<hbm>> -> memref<16640x1024xf32, #tpu.memory_space<hbm>>
    tpu.wait_indirect_dma semaphore(%arg9 : memref<!tpu.dma_semaphore, #tpu.memory_space<semaphore_mem>>) src(%dma_wait3A_27 : memref<16640x1024xf32, #tpu.memory_space<hbm>>) dst(%arg7 : memref<32x1024xf32, #tpu.memory_space<vmem>>)
    %add3A_28 = arith.constant 32 : i32
    %add3A_29 = arith.addi %mul3A_2, %add3A_28 : i32
    "tpu.region"() ({
      %run_scoped3A = tpu.sem_alloc : memref<!tpu.dma_semaphore, #tpu.memory_space<semaphore_mem>>
      %dma_start3A_97 = arith.constant 0 : i32
      %dma_start3A_98 = tpu.memref_slice %arg4[%add3A_29, %dma_start3A_97] : memref<8192x1024xf32, #tpu.memory_space<hbm>> -> memref<32x1024xf32, #tpu.memory_space<hbm>>
      %dma_start3A_99 = arith.constant 0 : i32
      %dma_start3A_100 = tpu.memref_slice %arg4[%add3A_29, %dma_start3A_99] : memref<8192x1024xf32, #tpu.memory_space<hbm>> -> memref<32x1024xf32, #tpu.memory_space<hbm>>
      tpu.enqueue_dma source(%arg7 : memref<32x1024xf32, #tpu.memory_space<vmem>>) target(%dma_start3A_100 : memref<32x1024xf32, #tpu.memory_space<hbm>>) target_semaphore(%run_scoped3A : memref<!tpu.dma_semaphore, #tpu.memory_space<semaphore_mem>>)
      %dma_wait3A_101 = arith.constant 0 : i32
      %dma_wait3A_102 = tpu.memref_slice %arg4[%add3A_29, %dma_wait3A_101] : memref<8192x1024xf32, #tpu.memory_space<hbm>> -> memref<32x1024xf32, #tpu.memory_space<hbm>>
      %dma_wait3A_103 = arith.constant 0 : i32
      %dma_wait3A_104 = tpu.memref_slice %arg4[%add3A_29, %dma_wait3A_103] : memref<8192x1024xf32, #tpu.memory_space<hbm>> -> memref<32x1024xf32, #tpu.memory_space<hbm>>
      tpu.wait_dma2 semaphore(%run_scoped3A : memref<!tpu.dma_semaphore, #tpu.memory_space<semaphore_mem>>) src(%arg7 : memref<32x1024xf32, #tpu.memory_space<vmem>>) dst(%dma_wait3A_104 : memref<32x1024xf32, #tpu.memory_space<hbm>>)
      tpu.yield
    }) : () -> ()
    %dma_start3A_30 = arith.constant 96 : i32
    %dma_start3A_31 = tpu.memref_slice %arg5[%dma_start3A_30] : memref<256xi32, #tpu.memory_space<vmem>> -> memref<32xi32, #tpu.memory_space<vmem>>
    %dma_start3A_32 = arith.constant 0 : i32
    %dma_start3A_33 = arith.constant 0 : i32
    %dma_start3A_34 = tpu.memref_slice %arg2[%dma_start3A_32, %dma_start3A_33] : memref<16640x1024xf32, #tpu.memory_space<hbm>> -> memref<16640x1024xf32, #tpu.memory_space<hbm>>
    tpu.enqueue_indirect_dma source(%dma_start3A_34 : memref<16640x1024xf32, #tpu.memory_space<hbm>>) target(%arg7 : memref<32x1024xf32, #tpu.memory_space<vmem>>) offsets(%dma_start3A_31 : memref<32xi32, #tpu.memory_space<vmem>>) semaphore(%arg9 : memref<!tpu.dma_semaphore, #tpu.memory_space<semaphore_mem>>)
    %dma_wait3A_35 = arith.constant 64 : i32
    %dma_wait3A_36 = tpu.memref_slice %arg5[%dma_wait3A_35] : memref<256xi32, #tpu.memory_space<vmem>> -> memref<32xi32, #tpu.memory_space<vmem>>
    %dma_wait3A_37 = arith.constant 0 : i32
    %dma_wait3A_38 = arith.constant 0 : i32
    %dma_wait3A_39 = tpu.memref_slice %arg2[%dma_wait3A_37, %dma_wait3A_38] : memref<16640x1024xf32, #tpu.memory_space<hbm>> -> memref<16640x1024xf32, #tpu.memory_space<hbm>>
    tpu.wait_indirect_dma semaphore(%arg8 : memref<!tpu.dma_semaphore, #tpu.memory_space<semaphore_mem>>) src(%dma_wait3A_39 : memref<16640x1024xf32, #tpu.memory_space<hbm>>) dst(%arg6 : memref<32x1024xf32, #tpu.memory_space<vmem>>)
    %add3A_40 = arith.constant 64 : i32
    %add3A_41 = arith.addi %mul3A_2, %add3A_40 : i32
    "tpu.region"() ({
      %run_scoped3A = tpu.sem_alloc : memref<!tpu.dma_semaphore, #tpu.memory_space<semaphore_mem>>
      %dma_start3A_97 = arith.constant 0 : i32
      %dma_start3A_98 = tpu.memref_slice %arg4[%add3A_41, %dma_start3A_97] : memref<8192x1024xf32, #tpu.memory_space<hbm>> -> memref<32x1024xf32, #tpu.memory_space<hbm>>
      %dma_start3A_99 = arith.constant 0 : i32
      %dma_start3A_100 = tpu.memref_slice %arg4[%add3A_41, %dma_start3A_99] : memref<8192x1024xf32, #tpu.memory_space<hbm>> -> memref<32x1024xf32, #tpu.memory_space<hbm>>
      tpu.enqueue_dma source(%arg6 : memref<32x1024xf32, #tpu.memory_space<vmem>>) target(%dma_start3A_100 : memref<32x1024xf32, #tpu.memory_space<hbm>>) target_semaphore(%run_scoped3A : memref<!tpu.dma_semaphore, #tpu.memory_space<semaphore_mem>>)
      %dma_wait3A_101 = arith.constant 0 : i32
      %dma_wait3A_102 = tpu.memref_slice %arg4[%add3A_41, %dma_wait3A_101] : memref<8192x1024xf32, #tpu.memory_space<hbm>> -> memref<32x1024xf32, #tpu.memory_space<hbm>>
      %dma_wait3A_103 = arith.constant 0 : i32
      %dma_wait3A_104 = tpu.memref_slice %arg4[%add3A_41, %dma_wait3A_103] : memref<8192x1024xf32, #tpu.memory_space<hbm>> -> memref<32x1024xf32, #tpu.memory_space<hbm>>
      tpu.wait_dma2 semaphore(%run_scoped3A : memref<!tpu.dma_semaphore, #tpu.memory_space<semaphore_mem>>) src(%arg6 : memref<32x1024xf32, #tpu.memory_space<vmem>>) dst(%dma_wait3A_104 : memref<32x1024xf32, #tpu.memory_space<hbm>>)
      tpu.yield
    }) : () -> ()
    %dma_start3A_42 = arith.constant 128 : i32
    %dma_start3A_43 = tpu.memref_slice %arg5[%dma_start3A_42] : memref<256xi32, #tpu.memory_space<vmem>> -> memref<32xi32, #tpu.memory_space<vmem>>
    %dma_start3A_44 = arith.constant 0 : i32
    %dma_start3A_45 = arith.constant 0 : i32
    %dma_start3A_46 = tpu.memref_slice %arg2[%dma_start3A_44, %dma_start3A_45] : memref<16640x1024xf32, #tpu.memory_space<hbm>> -> memref<16640x1024xf32, #tpu.memory_space<hbm>>
    tpu.enqueue_indirect_dma source(%dma_start3A_46 : memref<16640x1024xf32, #tpu.memory_space<hbm>>) target(%arg6 : memref<32x1024xf32, #tpu.memory_space<vmem>>) offsets(%dma_start3A_43 : memref<32xi32, #tpu.memory_space<vmem>>) semaphore(%arg8 : memref<!tpu.dma_semaphore, #tpu.memory_space<semaphore_mem>>)
    %dma_wait3A_47 = arith.constant 96 : i32
    %dma_wait3A_48 = tpu.memref_slice %arg5[%dma_wait3A_47] : memref<256xi32, #tpu.memory_space<vmem>> -> memref<32xi32, #tpu.memory_space<vmem>>
    %dma_wait3A_49 = arith.constant 0 : i32
    %dma_wait3A_50 = arith.constant 0 : i32
    %dma_wait3A_51 = tpu.memref_slice %arg2[%dma_wait3A_49, %dma_wait3A_50] : memref<16640x1024xf32, #tpu.memory_space<hbm>> -> memref<16640x1024xf32, #tpu.memory_space<hbm>>
    tpu.wait_indirect_dma semaphore(%arg9 : memref<!tpu.dma_semaphore, #tpu.memory_space<semaphore_mem>>) src(%dma_wait3A_51 : memref<16640x1024xf32, #tpu.memory_space<hbm>>) dst(%arg7 : memref<32x1024xf32, #tpu.memory_space<vmem>>)
    %add3A_52 = arith.constant 96 : i32
    %add3A_53 = arith.addi %mul3A_2, %add3A_52 : i32
    "tpu.region"() ({
      %run_scoped3A = tpu.sem_alloc : memref<!tpu.dma_semaphore, #tpu.memory_space<semaphore_mem>>
      %dma_start3A_97 = arith.constant 0 : i32
      %dma_start3A_98 = tpu.memref_slice %arg4[%add3A_53, %dma_start3A_97] : memref<8192x1024xf32, #tpu.memory_space<hbm>> -> memref<32x1024xf32, #tpu.memory_space<hbm>>
      %dma_start3A_99 = arith.constant 0 : i32
      %dma_start3A_100 = tpu.memref_slice %arg4[%add3A_53, %dma_start3A_99] : memref<8192x1024xf32, #tpu.memory_space<hbm>> -> memref<32x1024xf32, #tpu.memory_space<hbm>>
      tpu.enqueue_dma source(%arg7 : memref<32x1024xf32, #tpu.memory_space<vmem>>) target(%dma_start3A_100 : memref<32x1024xf32, #tpu.memory_space<hbm>>) target_semaphore(%run_scoped3A : memref<!tpu.dma_semaphore, #tpu.memory_space<semaphore_mem>>)
      %dma_wait3A_101 = arith.constant 0 : i32
      %dma_wait3A_102 = tpu.memref_slice %arg4[%add3A_53, %dma_wait3A_101] : memref<8192x1024xf32, #tpu.memory_space<hbm>> -> memref<32x1024xf32, #tpu.memory_space<hbm>>
      %dma_wait3A_103 = arith.constant 0 : i32
      %dma_wait3A_104 = tpu.memref_slice %arg4[%add3A_53, %dma_wait3A_103] : memref<8192x1024xf32, #tpu.memory_space<hbm>> -> memref<32x1024xf32, #tpu.memory_space<hbm>>
      tpu.wait_dma2 semaphore(%run_scoped3A : memref<!tpu.dma_semaphore, #tpu.memory_space<semaphore_mem>>) src(%arg7 : memref<32x1024xf32, #tpu.memory_space<vmem>>) dst(%dma_wait3A_104 : memref<32x1024xf32, #tpu.memory_space<hbm>>)
      tpu.yield
    }) : () -> ()
    %dma_start3A_54 = arith.constant 160 : i32
    %dma_start3A_55 = tpu.memref_slice %arg5[%dma_start3A_54] : memref<256xi32, #tpu.memory_space<vmem>> -> memref<32xi32, #tpu.memory_space<vmem>>
    %dma_start3A_56 = arith.constant 0 : i32
    %dma_start3A_57 = arith.constant 0 : i32
    %dma_start3A_58 = tpu.memref_slice %arg2[%dma_start3A_56, %dma_start3A_57] : memref<16640x1024xf32, #tpu.memory_space<hbm>> -> memref<16640x1024xf32, #tpu.memory_space<hbm>>
    tpu.enqueue_indirect_dma source(%dma_start3A_58 : memref<16640x1024xf32, #tpu.memory_space<hbm>>) target(%arg7 : memref<32x1024xf32, #tpu.memory_space<vmem>>) offsets(%dma_start3A_55 : memref<32xi32, #tpu.memory_space<vmem>>) semaphore(%arg9 : memref<!tpu.dma_semaphore, #tpu.memory_space<semaphore_mem>>)
    %dma_wait3A_59 = arith.constant 128 : i32
    %dma_wait3A_60 = tpu.memref_slice %arg5[%dma_wait3A_59] : memref<256xi32, #tpu.memory_space<vmem>> -> memref<32xi32, #tpu.memory_space<vmem>>
    %dma_wait3A_61 = arith.constant 0 : i32
    %dma_wait3A_62 = arith.constant 0 : i32
    %dma_wait3A_63 = tpu.memref_slice %arg2[%dma_wait3A_61, %dma_wait3A_62] : memref<16640x1024xf32, #tpu.memory_space<hbm>> -> memref<16640x1024xf32, #tpu.memory_space<hbm>>
    tpu.wait_indirect_dma semaphore(%arg8 : memref<!tpu.dma_semaphore, #tpu.memory_space<semaphore_mem>>) src(%dma_wait3A_63 : memref<16640x1024xf32, #tpu.memory_space<hbm>>) dst(%arg6 : memref<32x1024xf32, #tpu.memory_space<vmem>>)
    %add3A_64 = arith.constant 128 : i32
    %add3A_65 = arith.addi %mul3A_2, %add3A_64 : i32
    "tpu.region"() ({
      %run_scoped3A = tpu.sem_alloc : memref<!tpu.dma_semaphore, #tpu.memory_space<semaphore_mem>>
      %dma_start3A_97 = arith.constant 0 : i32
      %dma_start3A_98 = tpu.memref_slice %arg4[%add3A_65, %dma_start3A_97] : memref<8192x1024xf32, #tpu.memory_space<hbm>> -> memref<32x1024xf32, #tpu.memory_space<hbm>>
      %dma_start3A_99 = arith.constant 0 : i32
      %dma_start3A_100 = tpu.memref_slice %arg4[%add3A_65, %dma_start3A_99] : memref<8192x1024xf32, #tpu.memory_space<hbm>> -> memref<32x1024xf32, #tpu.memory_space<hbm>>
      tpu.enqueue_dma source(%arg6 : memref<32x1024xf32, #tpu.memory_space<vmem>>) target(%dma_start3A_100 : memref<32x1024xf32, #tpu.memory_space<hbm>>) target_semaphore(%run_scoped3A : memref<!tpu.dma_semaphore, #tpu.memory_space<semaphore_mem>>)
      %dma_wait3A_101 = arith.constant 0 : i32
      %dma_wait3A_102 = tpu.memref_slice %arg4[%add3A_65, %dma_wait3A_101] : memref<8192x1024xf32, #tpu.memory_space<hbm>> -> memref<32x1024xf32, #tpu.memory_space<hbm>>
      %dma_wait3A_103 = arith.constant 0 : i32
      %dma_wait3A_104 = tpu.memref_slice %arg4[%add3A_65, %dma_wait3A_103] : memref<8192x1024xf32, #tpu.memory_space<hbm>> -> memref<32x1024xf32, #tpu.memory_space<hbm>>
      tpu.wait_dma2 semaphore(%run_scoped3A : memref<!tpu.dma_semaphore, #tpu.memory_space<semaphore_mem>>) src(%arg6 : memref<32x1024xf32, #tpu.memory_space<vmem>>) dst(%dma_wait3A_104 : memref<32x1024xf32, #tpu.memory_space<hbm>>)
      tpu.yield
    }) : () -> ()
    %dma_start3A_66 = arith.constant 192 : i32
    %dma_start3A_67 = tpu.memref_slice %arg5[%dma_start3A_66] : memref<256xi32, #tpu.memory_space<vmem>> -> memref<32xi32, #tpu.memory_space<vmem>>
    %dma_start3A_68 = arith.constant 0 : i32
    %dma_start3A_69 = arith.constant 0 : i32
    %dma_start3A_70 = tpu.memref_slice %arg2[%dma_start3A_68, %dma_start3A_69] : memref<16640x1024xf32, #tpu.memory_space<hbm>> -> memref<16640x1024xf32, #tpu.memory_space<hbm>>
    tpu.enqueue_indirect_dma source(%dma_start3A_70 : memref<16640x1024xf32, #tpu.memory_space<hbm>>) target(%arg6 : memref<32x1024xf32, #tpu.memory_space<vmem>>) offsets(%dma_start3A_67 : memref<32xi32, #tpu.memory_space<vmem>>) semaphore(%arg8 : memref<!tpu.dma_semaphore, #tpu.memory_space<semaphore_mem>>)
    %dma_wait3A_71 = arith.constant 160 : i32
    %dma_wait3A_72 = tpu.memref_slice %arg5[%dma_wait3A_71] : memref<256xi32, #tpu.memory_space<vmem>> -> memref<32xi32, #tpu.memory_space<vmem>>
    %dma_wait3A_73 = arith.constant 0 : i32
    %dma_wait3A_74 = arith.constant 0 : i32
    %dma_wait3A_75 = tpu.memref_slice %arg2[%dma_wait3A_73, %dma_wait3A_74] : memref<16640x1024xf32, #tpu.memory_space<hbm>> -> memref<16640x1024xf32, #tpu.memory_space<hbm>>
    tpu.wait_indirect_dma semaphore(%arg9 : memref<!tpu.dma_semaphore, #tpu.memory_space<semaphore_mem>>) src(%dma_wait3A_75 : memref<16640x1024xf32, #tpu.memory_space<hbm>>) dst(%arg7 : memref<32x1024xf32, #tpu.memory_space<vmem>>)
    %add3A_76 = arith.constant 160 : i32
    %add3A_77 = arith.addi %mul3A_2, %add3A_76 : i32
    "tpu.region"() ({
      %run_scoped3A = tpu.sem_alloc : memref<!tpu.dma_semaphore, #tpu.memory_space<semaphore_mem>>
      %dma_start3A_97 = arith.constant 0 : i32
      %dma_start3A_98 = tpu.memref_slice %arg4[%add3A_77, %dma_start3A_97] : memref<8192x1024xf32, #tpu.memory_space<hbm>> -> memref<32x1024xf32, #tpu.memory_space<hbm>>
      %dma_start3A_99 = arith.constant 0 : i32
      %dma_start3A_100 = tpu.memref_slice %arg4[%add3A_77, %dma_start3A_99] : memref<8192x1024xf32, #tpu.memory_space<hbm>> -> memref<32x1024xf32, #tpu.memory_space<hbm>>
      tpu.enqueue_dma source(%arg7 : memref<32x1024xf32, #tpu.memory_space<vmem>>) target(%dma_start3A_100 : memref<32x1024xf32, #tpu.memory_space<hbm>>) target_semaphore(%run_scoped3A : memref<!tpu.dma_semaphore, #tpu.memory_space<semaphore_mem>>)
      %dma_wait3A_101 = arith.constant 0 : i32
      %dma_wait3A_102 = tpu.memref_slice %arg4[%add3A_77, %dma_wait3A_101] : memref<8192x1024xf32, #tpu.memory_space<hbm>> -> memref<32x1024xf32, #tpu.memory_space<hbm>>
      %dma_wait3A_103 = arith.constant 0 : i32
      %dma_wait3A_104 = tpu.memref_slice %arg4[%add3A_77, %dma_wait3A_103] : memref<8192x1024xf32, #tpu.memory_space<hbm>> -> memref<32x1024xf32, #tpu.memory_space<hbm>>
      tpu.wait_dma2 semaphore(%run_scoped3A : memref<!tpu.dma_semaphore, #tpu.memory_space<semaphore_mem>>) src(%arg7 : memref<32x1024xf32, #tpu.memory_space<vmem>>) dst(%dma_wait3A_104 : memref<32x1024xf32, #tpu.memory_space<hbm>>)
      tpu.yield
    }) : () -> ()
    %dma_start3A_78 = arith.constant 224 : i32
    %dma_start3A_79 = tpu.memref_slice %arg5[%dma_start3A_78] : memref<256xi32, #tpu.memory_space<vmem>> -> memref<32xi32, #tpu.memory_space<vmem>>
    %dma_start3A_80 = arith.constant 0 : i32
    %dma_start3A_81 = arith.constant 0 : i32
    %dma_start3A_82 = tpu.memref_slice %arg2[%dma_start3A_80, %dma_start3A_81] : memref<16640x1024xf32, #tpu.memory_space<hbm>> -> memref<16640x1024xf32, #tpu.memory_space<hbm>>
    tpu.enqueue_indirect_dma source(%dma_start3A_82 : memref<16640x1024xf32, #tpu.memory_space<hbm>>) target(%arg7 : memref<32x1024xf32, #tpu.memory_space<vmem>>) offsets(%dma_start3A_79 : memref<32xi32, #tpu.memory_space<vmem>>) semaphore(%arg9 : memref<!tpu.dma_semaphore, #tpu.memory_space<semaphore_mem>>)
    %dma_wait3A_83 = arith.constant 192 : i32
    %dma_wait3A_84 = tpu.memref_slice %arg5[%dma_wait3A_83] : memref<256xi32, #tpu.memory_space<vmem>> -> memref<32xi32, #tpu.memory_space<vmem>>
    %dma_wait3A_85 = arith.constant 0 : i32
    %dma_wait3A_86 = arith.constant 0 : i32
    %dma_wait3A_87 = tpu.memref_slice %arg2[%dma_wait3A_85, %dma_wait3A_86] : memref<16640x1024xf32, #tpu.memory_space<hbm>> -> memref<16640x1024xf32, #tpu.memory_space<hbm>>
    tpu.wait_indirect_dma semaphore(%arg8 : memref<!tpu.dma_semaphore, #tpu.memory_space<semaphore_mem>>) src(%dma_wait3A_87 : memref<16640x1024xf32, #tpu.memory_space<hbm>>) dst(%arg6 : memref<32x1024xf32, #tpu.memory_space<vmem>>)
    %add3A_88 = arith.constant 192 : i32
    %add3A_89 = arith.addi %mul3A_2, %add3A_88 : i32
    "tpu.region"() ({
      %run_scoped3A = tpu.sem_alloc : memref<!tpu.dma_semaphore, #tpu.memory_space<semaphore_mem>>
      %dma_start3A_97 = arith.constant 0 : i32
      %dma_start3A_98 = tpu.memref_slice %arg4[%add3A_89, %dma_start3A_97] : memref<8192x1024xf32, #tpu.memory_space<hbm>> -> memref<32x1024xf32, #tpu.memory_space<hbm>>
      %dma_start3A_99 = arith.constant 0 : i32
      %dma_start3A_100 = tpu.memref_slice %arg4[%add3A_89, %dma_start3A_99] : memref<8192x1024xf32, #tpu.memory_space<hbm>> -> memref<32x1024xf32, #tpu.memory_space<hbm>>
      tpu.enqueue_dma source(%arg6 : memref<32x1024xf32, #tpu.memory_space<vmem>>) target(%dma_start3A_100 : memref<32x1024xf32, #tpu.memory_space<hbm>>) target_semaphore(%run_scoped3A : memref<!tpu.dma_semaphore, #tpu.memory_space<semaphore_mem>>)
      %dma_wait3A_101 = arith.constant 0 : i32
      %dma_wait3A_102 = tpu.memref_slice %arg4[%add3A_89, %dma_wait3A_101] : memref<8192x1024xf32, #tpu.memory_space<hbm>> -> memref<32x1024xf32, #tpu.memory_space<hbm>>
      %dma_wait3A_103 = arith.constant 0 : i32
      %dma_wait3A_104 = tpu.memref_slice %arg4[%add3A_89, %dma_wait3A_103] : memref<8192x1024xf32, #tpu.memory_space<hbm>> -> memref<32x1024xf32, #tpu.memory_space<hbm>>
      tpu.wait_dma2 semaphore(%run_scoped3A : memref<!tpu.dma_semaphore, #tpu.memory_space<semaphore_mem>>) src(%arg6 : memref<32x1024xf32, #tpu.memory_space<vmem>>) dst(%dma_wait3A_104 : memref<32x1024xf32, #tpu.memory_space<hbm>>)
      tpu.yield
    }) : () -> ()
    %dma_wait3A_90 = arith.constant 224 : i32
    %dma_wait3A_91 = tpu.memref_slice %arg5[%dma_wait3A_90] : memref<256xi32, #tpu.memory_space<vmem>> -> memref<32xi32, #tpu.memory_space<vmem>>
    %dma_wait3A_92 = arith.constant 0 : i32
    %dma_wait3A_93 = arith.constant 0 : i32
    %dma_wait3A_94 = tpu.memref_slice %arg2[%dma_wait3A_92, %dma_wait3A_93] : memref<16640x1024xf32, #tpu.memory_space<hbm>> -> memref<16640x1024xf32, #tpu.memory_space<hbm>>
    tpu.wait_indirect_dma semaphore(%arg9 : memref<!tpu.dma_semaphore, #tpu.memory_space<semaphore_mem>>) src(%dma_wait3A_94 : memref<16640x1024xf32, #tpu.memory_space<hbm>>) dst(%arg7 : memref<32x1024xf32, #tpu.memory_space<vmem>>)
    %add3A_95 = arith.constant 224 : i32
    %add3A_96 = arith.addi %mul3A_2, %add3A_95 : i32
    "tpu.region"() ({
      %run_scoped3A = tpu.sem_alloc : memref<!tpu.dma_semaphore, #tpu.memory_space<semaphore_mem>>
      %dma_start3A_97 = arith.constant 0 : i32
      %dma_start3A_98 = tpu.memref_slice %arg4[%add3A_96, %dma_start3A_97] : memref<8192x1024xf32, #tpu.memory_space<hbm>> -> memref<32x1024xf32, #tpu.memory_space<hbm>>
      %dma_start3A_99 = arith.constant 0 : i32
      %dma_start3A_100 = tpu.memref_slice %arg4[%add3A_96, %dma_start3A_99] : memref<8192x1024xf32, #tpu.memory_space<hbm>> -> memref<32x1024xf32, #tpu.memory_space<hbm>>
      tpu.enqueue_dma source(%arg7 : memref<32x1024xf32, #tpu.memory_space<vmem>>) target(%dma_start3A_100 : memref<32x1024xf32, #tpu.memory_space<hbm>>) target_semaphore(%run_scoped3A : memref<!tpu.dma_semaphore, #tpu.memory_space<semaphore_mem>>)
      %dma_wait3A_101 = arith.constant 0 : i32
      %dma_wait3A_102 = tpu.memref_slice %arg4[%add3A_96, %dma_wait3A_101] : memref<8192x1024xf32, #tpu.memory_space<hbm>> -> memref<32x1024xf32, #tpu.memory_space<hbm>>
      %dma_wait3A_103 = arith.constant 0 : i32
      %dma_wait3A_104 = tpu.memref_slice %arg4[%add3A_96, %dma_wait3A_103] : memref<8192x1024xf32, #tpu.memory_space<hbm>> -> memref<32x1024xf32, #tpu.memory_space<hbm>>
      tpu.wait_dma2 semaphore(%run_scoped3A : memref<!tpu.dma_semaphore, #tpu.memory_space<semaphore_mem>>) src(%arg7 : memref<32x1024xf32, #tpu.memory_space<vmem>>) dst(%dma_wait3A_104 : memref<32x1024xf32, #tpu.memory_space<hbm>>)
      tpu.yield
    }) : () -> ()
    return
  }
}

module attributes {stable_mosaic.version = 14 : i64} {
  func.func @_stage2_body(%arg0: memref<4096x8xf32, #tpu.memory_space<vmem>>, %arg1: memref<1x128xf32, #tpu.memory_space<vmem>>, %arg2: memref<64x256xi32, #tpu.memory_space<vmem>>, %arg3: memref<256x64xf32, #tpu.memory_space<vmem>>, %arg4: memref<8192x1xi32, #tpu.memory_space<vmem>>, %arg5: memref<1x1xf32, #tpu.memory_space<vmem>>, %arg6: memref<64x256xf32, #tpu.memory_space<vmem>>, %arg7: memref<64x256xf32, #tpu.memory_space<vmem>>, %arg8: memref<256x64xf32, #tpu.memory_space<vmem>>) attributes {dimension_semantics = [], scalar_prefetch = 0 : i64, scratch_operands = 3 : i64, tpu.core_type = #tpu.core_type<tc>} {
    %iota3A = tpu.iota {dimensions = array<i32: 0>} : vector<512x512xi32>
    %iota3A_0 = tpu.iota {dimensions = array<i32: 1>} : vector<512x512xi32>
    %ge3A = arith.cmpi sge, %iota3A, %iota3A_0 : vector<512x512xi32>
    %convert_element_type3A = arith.extui %ge3A : vector<512x512xi1> to vector<512x512xi32>
    %convert_element_type3A_1 = arith.sitofp %convert_element_type3A : vector<512x512xi32> to vector<512x512xf32>
    %iota3A_2 = tpu.iota {dimensions = array<i32: 1>} : vector<512x64xi32>
    %convert_element_type3A_3 = arith.sitofp %iota3A_2 : vector<512x64xi32> to vector<512x64xf32>
    %iota3A_4 = tpu.iota {dimensions = array<i32: 1>} : vector<512x256xi32>
    %convert_element_type3A_5 = arith.sitofp %iota3A_4 : vector<512x256xi32> to vector<512x256xf32>
    %broadcast_in_dim3A = arith.constant 0.000000e+00 : f32
    %broadcast_in_dim3A_6 = vector.broadcast %broadcast_in_dim3A : f32 to vector<64x256xf32>
    %swap3A = arith.constant 0 : index
    %swap3A_7 = arith.constant 0 : index
    %swap3A_8 = vector.load %arg6[%swap3A, %swap3A_7] : memref<64x256xf32, #tpu.memory_space<vmem>>, vector<64x256xf32>
    tpu.vector_store %arg6[%swap3A, %swap3A_7], %broadcast_in_dim3A_6 {strides = array<i32>} : memref<64x256xf32, #tpu.memory_space<vmem>>, vector<64x256xf32>,
    %broadcast_in_dim3A_9 = arith.constant 0.000000e+00 : f32
    %broadcast_in_dim3A_10 = vector.broadcast %broadcast_in_dim3A_9 : f32 to vector<64x256xf32>
    %swap3A_11 = arith.constant 0 : index
    %swap3A_12 = arith.constant 0 : index
    %swap3A_13 = vector.load %arg7[%swap3A_11, %swap3A_12] : memref<64x256xf32, #tpu.memory_space<vmem>>, vector<64x256xf32>
    tpu.vector_store %arg7[%swap3A_11, %swap3A_12], %broadcast_in_dim3A_10 {strides = array<i32>} : memref<64x256xf32, #tpu.memory_space<vmem>>, vector<64x256xf32>,
    %broadcast_in_dim3A_14 = arith.constant 0.000000e+00 : f32
    %broadcast_in_dim3A_15 = vector.broadcast %broadcast_in_dim3A_14 : f32 to vector<256x64xf32>
    %swap3A_16 = arith.constant 0 : index
    %swap3A_17 = arith.constant 0 : index
    %swap3A_18 = vector.load %arg8[%swap3A_16, %swap3A_17] : memref<256x64xf32, #tpu.memory_space<vmem>>, vector<256x64xf32>
    tpu.vector_store %arg8[%swap3A_16, %swap3A_17], %broadcast_in_dim3A_15 {strides = array<i32>} : memref<256x64xf32, #tpu.memory_space<vmem>>, vector<256x64xf32>,
    %broadcast_in_dim3A_19 = arith.constant 0.000000e+00 : f32
    %broadcast_in_dim3A_20 = vector.broadcast %broadcast_in_dim3A_19 : f32 to vector<1x64xf32>
    %scan3A = arith.constant 0 : i32
    %scan3A_21 = arith.constant 16 : i32
    %scan3A_22 = arith.addi %scan3A, %scan3A_21 : i32
    %scan3A_23 = arith.constant 1 : i32
    %scan3A_24 = scf.for %scan3A_83 = %scan3A to %scan3A_22 step %scan3A_23 iter_args(%scan3A_84 = %broadcast_in_dim3A_20) -> (vector<1x64xf32>)  : i32 {
      %jit3A = arith.constant 8 : i32
      %div3A = arith.divsi %scan3A_83, %jit3A : i32
      %sign3A = arith.constant 0 : i32
      %sign3A_85 = arith.cmpi sgt, %scan3A_83, %sign3A : i32
      %sign3A_86 = arith.extui %sign3A_85 : i1 to i32
      %sign3A_87 = arith.constant 0 : i32
      %sign3A_88 = arith.cmpi slt, %scan3A_83, %sign3A_87 : i32
      %sign3A_89 = arith.extui %sign3A_88 : i1 to i32
      %sign3A_90 = arith.subi %sign3A_86, %sign3A_89 : i32
      %sign3A_91 = arith.constant 0 : i32
      %sign3A_92 = arith.cmpi sgt, %jit3A, %sign3A_91 : i32
      %sign3A_93 = arith.extui %sign3A_92 : i1 to i32
      %sign3A_94 = arith.constant 0 : i32
      %sign3A_95 = arith.cmpi slt, %jit3A, %sign3A_94 : i32
      %sign3A_96 = arith.extui %sign3A_95 : i1 to i32
      %sign3A_97 = arith.subi %sign3A_93, %sign3A_96 : i32
      %ne3A = arith.cmpi ne, %sign3A_90, %sign3A_97 : i32
      %rem3A = arith.remsi %scan3A_83, %jit3A : i32
      %ne3A_98 = arith.constant 0 : i32
      %ne3A_99 = arith.cmpi ne, %rem3A, %ne3A_98 : i32
      %and3A_100 = arith.andi %ne3A, %ne3A_99 : i1
      %sub3A_101 = arith.constant 1 : i32
      %sub3A_102 = arith.subi %div3A, %sub3A_101 : i32
      %select_n3A_103 = arith.select %and3A_100, %sub3A_102, %div3A : i32
      %jit3A_104 = arith.constant 8 : i32
      %eq3A = arith.constant 0 : i32
      %eq3A_105 = arith.cmpi eq, %jit3A_104, %eq3A : i32
      %jit3A_106 = arith.constant 1 : i32
      %select_n3A_107 = arith.select %eq3A_105, %jit3A_106, %jit3A_104 : i32
      %rem3A_108 = arith.remsi %scan3A_83, %select_n3A_107 : i32
      %ne3A_109 = arith.constant 0 : i32
      %ne3A_110 = arith.cmpi ne, %rem3A_108, %ne3A_109 : i32
      %lt3A = arith.constant 0 : i32
      %lt3A_111 = arith.cmpi slt, %rem3A_108, %lt3A : i32
      %lt3A_112 = arith.constant 0 : i32
      %lt3A_113 = arith.cmpi slt, %select_n3A_107, %lt3A_112 : i32
      %ne3A_114 = arith.xori %lt3A_111, %lt3A_113 : i1
      %and3A_115 = arith.andi %ne3A_114, %ne3A_110 : i1
      %add3A_116 = arith.addi %rem3A_108, %select_n3A_107 : i32
      %select_n3A_117 = arith.select %and3A_115, %add3A_116, %rem3A_108 : i32
      %mul3A_118 = arith.constant 512 : i32
      %mul3A_119 = arith.muli %select_n3A_117, %mul3A_118 : i32
      %get3A_120 = arith.index_cast %mul3A_119 : i32 to index
      %get3A_121 = arith.constant 0 : index
      %get3A_122 = vector.load %arg0[%get3A_120, %get3A_121] : memref<4096x8xf32, #tpu.memory_space<vmem>>, vector<512x8xf32>
      %eq3A_123 = arith.constant 0 : i32
      %eq3A_124 = arith.cmpi eq, %select_n3A_103, %eq3A_123 : i32
      %slice3A = vector.extract_strided_slice %get3A_122 {offsets = [0, 0], sizes = [512, 1], strides = [1, 1]} : vector<512x8xf32> to vector<512x1xf32>
      %slice3A_125 = vector.extract_strided_slice %get3A_122 {offsets = [0, 1], sizes = [512, 1], strides = [1, 1]} : vector<512x8xf32> to vector<512x1xf32>
      %select_n3A_126 = arith.select %eq3A_124, %slice3A, %slice3A_125 : vector<512x1xf32>
      %eq3A_127 = arith.constant 0 : i32
      %eq3A_128 = arith.cmpi eq, %select_n3A_103, %eq3A_127 : i32
      %slice3A_129 = vector.extract_strided_slice %get3A_122 {offsets = [0, 2], sizes = [512, 1], strides = [1, 1]} : vector<512x8xf32> to vector<512x1xf32>
      %slice3A_130 = vector.extract_strided_slice %get3A_122 {offsets = [0, 3], sizes = [512, 1], strides = [1, 1]} : vector<512x8xf32> to vector<512x1xf32>
      %select_n3A_131 = arith.select %eq3A_128, %slice3A_129, %slice3A_130 : vector<512x1xf32>
      %eq3A_132 = vector.broadcast %select_n3A_126 : vector<512x1xf32> to vector<512x64xf32>
      %eq3A_133 = arith.cmpf oeq, %eq3A_132, %convert_element_type3A_3 : vector<512x64xf32>
      %convert_element_type3A_134 = arith.extui %eq3A_133 : vector<512x64xi1> to vector<512x64xi32>
      %convert_element_type3A_135 = arith.sitofp %convert_element_type3A_134 : vector<512x64xi32> to vector<512x64xf32>
      %dot_general3A = arith.constant dense<0.000000e+00> : vector<512x64xf32>
      %dot_general3A_136 = tpu.matmul %convert_element_type3A_1, %convert_element_type3A_135, %dot_general3A {dimension_numbers = #tpu.dot_dimension_numbers<[1], [0], [0], [1], [0, 0, 1, 1], [], []>, transpose_lhs_hint = false} : vector<512x512xf32>, vector<512x64xf32>, vector<512x64xf32> -> vector<512x64xf32>
      %add3A_137 = vector.broadcast %scan3A_84 : vector<1x64xf32> to vector<512x64xf32>
      %add3A_138 = arith.addf %dot_general3A_136, %add3A_137 : vector<512x64xf32>
      %mul3A_139 = arith.mulf %add3A_138, %convert_element_type3A_135 : vector<512x64xf32>
      %reduce_sum3A_140 = arith.constant dense<0.000000e+00> : vector<512xf32>
      %reduce_sum3A_141 = vector.multi_reduction <add>, %mul3A_139, %reduce_sum3A_140 [1] : vector<512x64xf32> to vector<512xf32>
      %broadcast_in_dim3A_142 = vector.shape_cast %reduce_sum3A_141 : vector<512xf32> to vector<512x1xf32>
      %sub3A_143 = arith.constant 1.000000e+00 : f32
      %sub3A_144 = vector.broadcast %sub3A_143 : f32 to vector<512x1xf32>
      %sub3A_145 = arith.subf %broadcast_in_dim3A_142, %sub3A_144 : vector<512x1xf32>
      %lt3A_146 = arith.constant 2.560000e+02 : f32
      %lt3A_147 = vector.broadcast %lt3A_146 : f32 to vector<512x1xf32>
      %lt3A_148 = arith.cmpf olt, %sub3A_145, %lt3A_147 : vector<512x1xf32>
      %eq3A_149 = vector.broadcast %sub3A_145 : vector<512x1xf32> to vector<512x256xf32>
      %eq3A_150 = arith.cmpf oeq, %eq3A_149, %convert_element_type3A_5 : vector<512x256xf32>
      %convert_element_type3A_151 = arith.extui %eq3A_150 : vector<512x256xi1> to vector<512x256xi32>
      %convert_element_type3A_152 = arith.sitofp %convert_element_type3A_151 : vector<512x256xi32> to vector<512x256xf32>
      %iota3A_153 = tpu.iota {dimensions = array<i32: 0>} : vector<512x1xi32>
      %convert_element_type3A_154 = arith.sitofp %iota3A_153 : vector<512x1xi32> to vector<512x1xf32>
      %convert_element_type3A_155 = arith.sitofp %mul3A_119 : i32 to f32
      %add3A_156 = vector.broadcast %convert_element_type3A_155 : f32 to vector<512x1xf32>
      %add3A_157 = arith.addf %convert_element_type3A_154, %add3A_156 : vector<512x1xf32>
      %mul3A_158 = arith.constant 1.562500e-02 : f32
      %mul3A_159 = vector.broadcast %mul3A_158 : f32 to vector<512x1xf32>
      %mul3A_160 = arith.mulf %add3A_157, %mul3A_159 : vector<512x1xf32>
      %floor3A = math.floor %mul3A_160 : vector<512x1xf32>
      %mul3A_161 = arith.constant 6.400000e+01 : f32
      %mul3A_162 = vector.broadcast %mul3A_161 : f32 to vector<512x1xf32>
      %mul3A_163 = arith.mulf %floor3A, %mul3A_162 : vector<512x1xf32>
      %sub3A_164 = arith.subf %add3A_157, %mul3A_163 : vector<512x1xf32>
      %get3A_165 = arith.constant 0 : index
      %get3A_166 = arith.constant 0 : index
      %get3A_167 = vector.load %arg6[%get3A_165, %get3A_166] : memref<64x256xf32, #tpu.memory_space<vmem>>, vector<64x256xf32>
      %add3A_168 = arith.constant 1.000000e+00 : f32
      %add3A_169 = vector.broadcast %add3A_168 : f32 to vector<512x1xf32>
      %add3A_170 = arith.addf %floor3A, %add3A_169 : vector<512x1xf32>
      %mul3A_171 = vector.broadcast %add3A_170 : vector<512x1xf32> to vector<512x64xf32>
      %mul3A_172 = arith.mulf %convert_element_type3A_135, %mul3A_171 : vector<512x64xf32>
      %dot_general3A_173 = arith.constant dense<0.000000e+00> : vector<64x256xf32>
      %dot_general3A_174 = tpu.matmul %mul3A_172, %convert_element_type3A_152, %dot_general3A_173 {dimension_numbers = #tpu.dot_dimension_numbers<[0], [0], [1], [1], [0, 1, 1, 1], [], []>, transpose_lhs_hint = false} : vector<512x64xf32>, vector<512x256xf32>, vector<64x256xf32> -> vector<64x256xf32>
      %add3A_175 = arith.addf %get3A_167, %dot_general3A_174 : vector<64x256xf32>
      %swap3A_176 = arith.constant 0 : index
      %swap3A_177 = arith.constant 0 : index
      %swap3A_178 = vector.load %arg6[%swap3A_176, %swap3A_177] : memref<64x256xf32, #tpu.memory_space<vmem>>, vector<64x256xf32>
      tpu.vector_store %arg6[%swap3A_176, %swap3A_177], %add3A_175 {strides = array<i32>} : memref<64x256xf32, #tpu.memory_space<vmem>>, vector<64x256xf32>,
      %get3A_179 = arith.constant 0 : index
      %get3A_180 = arith.constant 0 : index
      %get3A_181 = vector.load %arg7[%get3A_179, %get3A_180] : memref<64x256xf32, #tpu.memory_space<vmem>>, vector<64x256xf32>
      %add3A_182 = arith.constant 1.000000e+00 : f32
      %add3A_183 = vector.broadcast %add3A_182 : f32 to vector<512x1xf32>
      %add3A_184 = arith.addf %sub3A_164, %add3A_183 : vector<512x1xf32>
      %mul3A_185 = vector.broadcast %add3A_184 : vector<512x1xf32> to vector<512x64xf32>
      %mul3A_186 = arith.mulf %convert_element_type3A_135, %mul3A_185 : vector<512x64xf32>
      %dot_general3A_187 = arith.constant dense<0.000000e+00> : vector<64x256xf32>
      %dot_general3A_188 = tpu.matmul %mul3A_186, %convert_element_type3A_152, %dot_general3A_187 {dimension_numbers = #tpu.dot_dimension_numbers<[0], [0], [1], [1], [0, 1, 1, 1], [], []>, transpose_lhs_hint = false} : vector<512x64xf32>, vector<512x256xf32>, vector<64x256xf32> -> vector<64x256xf32>
      %add3A_189 = arith.addf %get3A_181, %dot_general3A_188 : vector<64x256xf32>
      %swap3A_190 = arith.constant 0 : index
      %swap3A_191 = arith.constant 0 : index
      %swap3A_192 = vector.load %arg7[%swap3A_190, %swap3A_191] : memref<64x256xf32, #tpu.memory_space<vmem>>, vector<64x256xf32>
      tpu.vector_store %arg7[%swap3A_190, %swap3A_191], %add3A_189 {strides = array<i32>} : memref<64x256xf32, #tpu.memory_space<vmem>>, vector<64x256xf32>,
      %get3A_193 = arith.constant 0 : index
      %get3A_194 = arith.constant 0 : index
      %get3A_195 = vector.load %arg8[%get3A_193, %get3A_194] : memref<256x64xf32, #tpu.memory_space<vmem>>, vector<256x64xf32>
      %mul3A_196 = vector.broadcast %select_n3A_131 : vector<512x1xf32> to vector<512x64xf32>
      %mul3A_197 = arith.mulf %convert_element_type3A_135, %mul3A_196 : vector<512x64xf32>
      %dot_general3A_198 = arith.constant dense<0.000000e+00> : vector<256x64xf32>
      %dot_general3A_199 = tpu.matmul %convert_element_type3A_152, %mul3A_197, %dot_general3A_198 {dimension_numbers = #tpu.dot_dimension_numbers<[0], [0], [1], [1], [0, 1, 1, 1], [], []>, transpose_lhs_hint = false} : vector<512x256xf32>, vector<512x64xf32>, vector<256x64xf32> -> vector<256x64xf32>
      %add3A_200 = arith.addf %get3A_195, %dot_general3A_199 : vector<256x64xf32>
      %swap3A_201 = arith.constant 0 : index
      %swap3A_202 = arith.constant 0 : index
      %swap3A_203 = vector.load %arg8[%swap3A_201, %swap3A_202] : memref<256x64xf32, #tpu.memory_space<vmem>>, vector<256x64xf32>
      tpu.vector_store %arg8[%swap3A_201, %swap3A_202], %add3A_200 {strides = array<i32>} : memref<256x64xf32, #tpu.memory_space<vmem>>, vector<256x64xf32>,
      %mul3A_204 = arith.constant 2.560000e+02 : f32
      %mul3A_205 = vector.broadcast %mul3A_204 : f32 to vector<512x1xf32>
      %mul3A_206 = arith.mulf %select_n3A_126, %mul3A_205 : vector<512x1xf32>
      %add3A_207 = arith.addf %mul3A_206, %sub3A_145 : vector<512x1xf32>
      %jit3A_208 = arith.constant 1.638400e+04 : f32
      %broadcast_in_dim3A_209 = vector.broadcast %jit3A_208 : f32 to vector<512x1xf32>
      %select_n3A_210 = arith.select %lt3A_148, %add3A_207, %broadcast_in_dim3A_209 : vector<512x1xi1>, vector<512x1xf32>
      %convert_element_type3A_211 = arith.fptosi %select_n3A_210 : vector<512x1xf32> to vector<512x1xi32>
      %mul3A_212 = arith.constant 512 : i32
      %mul3A_213 = arith.muli %scan3A_83, %mul3A_212 : i32
      %swap3A_214 = arith.index_cast %mul3A_213 : i32 to index
      %swap3A_215 = arith.constant 0 : index
      %swap3A_216 = vector.load %arg4[%swap3A_214, %swap3A_215] : memref<8192x1xi32, #tpu.memory_space<vmem>>, vector<512x1xi32>
      tpu.vector_store %arg4[%swap3A_214, %swap3A_215], %convert_element_type3A_211 {strides = array<i32>} : memref<8192x1xi32, #tpu.memory_space<vmem>>, vector<512x1xi32>,
      %slice3A_217 = vector.extract_strided_slice %add3A_138 {offsets = [511, 0], sizes = [1, 64], strides = [1, 1]} : vector<512x64xf32> to vector<1x64xf32>
      scf.yield %slice3A_217 : vector<1x64xf32>
    }
    %scan3A_25 = arith.constant 16 : i32
    %get3A = arith.constant 0 : index
    %get3A_26 = arith.constant 0 : index
    %get3A_27 = vector.load %arg6[%get3A, %get3A_26] : memref<64x256xf32, #tpu.memory_space<vmem>>, vector<64x256xf32>
    %ge3A_28 = arith.constant 5.000000e-01 : f32
    %ge3A_29 = vector.broadcast %ge3A_28 : f32 to vector<64x256xf32>
    %ge3A_30 = arith.cmpf oge, %get3A_27, %ge3A_29 : vector<64x256xf32>
    %get3A_31 = arith.constant 0 : index
    %get3A_32 = arith.constant 0 : index
    %get3A_33 = vector.load %arg6[%get3A_31, %get3A_32] : memref<64x256xf32, #tpu.memory_space<vmem>>, vector<64x256xf32>
    %sub3A = arith.constant 1.000000e+00 : f32
    %sub3A_34 = vector.broadcast %sub3A : f32 to vector<64x256xf32>
    %sub3A_35 = arith.subf %get3A_33, %sub3A_34 : vector<64x256xf32>
    %mul3A = arith.constant 6.400000e+01 : f32
    %mul3A_36 = vector.broadcast %mul3A : f32 to vector<64x256xf32>
    %mul3A_37 = arith.mulf %sub3A_35, %mul3A_36 : vector<64x256xf32>
    %get3A_38 = arith.constant 0 : index
    %get3A_39 = arith.constant 0 : index
    %get3A_40 = vector.load %arg7[%get3A_38, %get3A_39] : memref<64x256xf32, #tpu.memory_space<vmem>>, vector<64x256xf32>
    %sub3A_41 = arith.constant 1.000000e+00 : f32
    %sub3A_42 = vector.broadcast %sub3A_41 : f32 to vector<64x256xf32>
    %sub3A_43 = arith.subf %get3A_40, %sub3A_42 : vector<64x256xf32>
    %add3A = arith.addf %mul3A_37, %sub3A_43 : vector<64x256xf32>
    %iota3A_44 = tpu.iota {dimensions = array<i32: 0>} : vector<64x256xi32>
    %iota3A_45 = tpu.iota {dimensions = array<i32: 1>} : vector<64x256xi32>
    %mul3A_46 = arith.constant 256 : i32
    %mul3A_47 = vector.broadcast %mul3A_46 : i32 to vector<64x256xi32>
    %mul3A_48 = arith.muli %iota3A_44, %mul3A_47 : vector<64x256xi32>
    %add3A_49 = arith.addi %mul3A_48, %iota3A_45 : vector<64x256xi32>
    %and3A = arith.constant 4095 : i32
    %and3A_50 = vector.broadcast %and3A : i32 to vector<64x256xi32>
    %and3A_51 = arith.andi %add3A_49, %and3A_50 : vector<64x256xi32>
    %convert_element_type3A_52 = arith.fptosi %add3A : vector<64x256xf32> to vector<64x256xi32>
    %select_n3A = arith.select %ge3A_30, %convert_element_type3A_52, %and3A_51 : vector<64x256xi1>, vector<64x256xi32>
    %swap3A_53 = arith.constant 0 : index
    %swap3A_54 = arith.constant 0 : index
    %swap3A_55 = vector.load %arg2[%swap3A_53, %swap3A_54] : memref<64x256xi32, #tpu.memory_space<vmem>>, vector<64x256xi32>
    tpu.vector_store %arg2[%swap3A_53, %swap3A_54], %select_n3A {strides = array<i32>} : memref<64x256xi32, #tpu.memory_space<vmem>>, vector<64x256xi32>,
    %get3A_56 = arith.constant 0 : index
    %get3A_57 = arith.constant 0 : index
    %get3A_58 = vector.load %arg8[%get3A_56, %get3A_57] : memref<256x64xf32, #tpu.memory_space<vmem>>, vector<256x64xf32>
    %swap3A_59 = arith.constant 0 : index
    %swap3A_60 = arith.constant 0 : index
    %swap3A_61 = vector.load %arg3[%swap3A_59, %swap3A_60] : memref<256x64xf32, #tpu.memory_space<vmem>>, vector<256x64xf32>
    tpu.vector_store %arg3[%swap3A_59, %swap3A_60], %get3A_58 {strides = array<i32>} : memref<256x64xf32, #tpu.memory_space<vmem>>, vector<256x64xf32>,
    %get3A_62 = arith.constant 0 : index
    %get3A_63 = arith.constant 0 : index
    %get3A_64 = vector.load %arg1[%get3A_62, %get3A_63] : memref<1x128xf32, #tpu.memory_space<vmem>>, vector<1x64xf32>
    %mul3A_65 = arith.constant 2.44140625E-4 : f32
    %mul3A_66 = vector.broadcast %mul3A_65 : f32 to vector<1x64xf32>
    %mul3A_67 = arith.mulf %get3A_64, %mul3A_66 : vector<1x64xf32>
    %get3A_68 = arith.constant 0 : index
    %get3A_69 = arith.constant 64 : index
    %get3A_70 = vector.load %arg1[%get3A_68, %get3A_69] : memref<1x128xf32, #tpu.memory_space<vmem>>, vector<1x64xf32>
    %mul3A_71 = arith.constant 2.44140625E-4 : f32
    %mul3A_72 = vector.broadcast %mul3A_71 : f32 to vector<1x64xf32>
    %mul3A_73 = arith.mulf %get3A_70, %mul3A_72 : vector<1x64xf32>
    %mul3A_74 = arith.mulf %mul3A_67, %mul3A_73 : vector<1x64xf32>
    %reduce_sum3A = arith.constant dense<0.000000e+00> : vector<1xf32>
    %reduce_sum3A_75 = vector.multi_reduction <add>, %mul3A_74, %reduce_sum3A [1] : vector<1x64xf32> to vector<1xf32>
    %broadcast_in_dim3A_76 = vector.shape_cast %reduce_sum3A_75 : vector<1xf32> to vector<1x1xf32>
    %mul3A_77 = arith.constant 6.400000e+01 : f32
    %mul3A_78 = vector.broadcast %mul3A_77 : f32 to vector<1x1xf32>
    %mul3A_79 = arith.mulf %broadcast_in_dim3A_76, %mul3A_78 : vector<1x1xf32>
    %swap3A_80 = arith.constant 0 : index
    %swap3A_81 = arith.constant 0 : index
    %swap3A_82 = vector.load %arg5[%swap3A_80, %swap3A_81] : memref<1x1xf32, #tpu.memory_space<vmem>>, vector<1x1xf32>
    tpu.vector_store %arg5[%swap3A_80, %swap3A_81], %mul3A_79 {strides = array<i32>} : memref<1x1xf32, #tpu.memory_space<vmem>>, vector<1x1xf32>,
    return
  }
}

module attributes {stable_mosaic.version = 14 : i64} {
  func.func @_stage1_body(%arg0: i32, %arg1: memref<256x1024xf32, #tpu.memory_space<vmem>>, %arg2: memref<2x128x1024xf32, #tpu.memory_space<vmem>>, %arg3: memref<1024x2048xf32, #tpu.memory_space<vmem>>, %arg4: memref<1x2048xf32, #tpu.memory_space<vmem>>, %arg5: memref<2048x1024xf32, #tpu.memory_space<vmem>>, %arg6: memref<1x1024xf32, #tpu.memory_space<vmem>>, %arg7: memref<1x1024xf32, #tpu.memory_space<vmem>>, %arg8: memref<1x1024xf32, #tpu.memory_space<vmem>>, %arg9: memref<1024x64xf32, #tpu.memory_space<vmem>>, %arg10: memref<256x1024xf32, #tpu.memory_space<vmem>>, %arg11: memref<256x1024xf32, #tpu.memory_space<vmem>>, %arg12: memref<256x8xf32, #tpu.memory_space<vmem>>, %arg13: memref<1x128xf32, #tpu.memory_space<vmem>>) attributes {dimension_semantics = [#tpu.dimension_semantics<arbitrary>], iteration_bounds = array<i64: 16>, scalar_prefetch = 0 : i64, scratch_operands = 0 : i64, tpu.core_type = #tpu.core_type<tc>, window_params = [{transform_indices = @transform_0, window_bounds = array<i64: 256, 1024>}, {transform_indices = @transform_1, window_bounds = array<i64: 2, 128, 1024>}, {pipeline_mode = #tpu.pipeline_mode<synchronous>, transform_indices = @transform_2, window_bounds = array<i64: 1024, 2048>}, {pipeline_mode = #tpu.pipeline_mode<synchronous>, transform_indices = @transform_3, window_bounds = array<i64: 1, 2048>}, {pipeline_mode = #tpu.pipeline_mode<synchronous>, transform_indices = @transform_4, window_bounds = array<i64: 2048, 1024>}, {pipeline_mode = #tpu.pipeline_mode<synchronous>, transform_indices = @transform_5, window_bounds = array<i64: 1, 1024>}, {pipeline_mode = #tpu.pipeline_mode<synchronous>, transform_indices = @transform_6, window_bounds = array<i64: 1, 1024>}, {pipeline_mode = #tpu.pipeline_mode<synchronous>, transform_indices = @transform_7, window_bounds = array<i64: 1, 1024>}, {pipeline_mode = #tpu.pipeline_mode<synchronous>, transform_indices = @transform_8, window_bounds = array<i64: 1024, 64>}, {transform_indices = @transform_9, window_bounds = array<i64: 256, 1024>}, {transform_indices = @transform_10, window_bounds = array<i64: 256, 1024>}, {transform_indices = @transform_11, window_bounds = array<i64: 256, 8>}, {pipeline_mode = #tpu.pipeline_mode<synchronous>, transform_indices = @transform_12, window_bounds = array<i64: 1, 128>}]} {
    %get3A = arith.constant 0 : index
    %get3A_0 = arith.constant 0 : index
    %get3A_1 = vector.load %arg1[%get3A, %get3A_0] : memref<256x1024xf32, #tpu.memory_space<vmem>>, vector<256x1024xf32>
    %get3A_2 = arith.constant 0 : index
    %get3A_3 = arith.constant 0 : index
    %get3A_4 = vector.load %arg3[%get3A_2, %get3A_3] : memref<1024x2048xf32, #tpu.memory_space<vmem>>, vector<1024x2048xf32>
    %dot_general3A = arith.constant dense<0.000000e+00> : vector<256x2048xf32>
    %dot_general3A_5 = tpu.matmul %get3A_1, %get3A_4, %dot_general3A {dimension_numbers = #tpu.dot_dimension_numbers<[1], [0], [0], [1], [0, 0, 1, 1], [], []>, transpose_lhs_hint = false} : vector<256x1024xf32>, vector<1024x2048xf32>, vector<256x2048xf32> -> vector<256x2048xf32>
    %get3A_6 = arith.constant 0 : index
    %get3A_7 = arith.constant 0 : index
    %get3A_8 = vector.load %arg4[%get3A_6, %get3A_7] : memref<1x2048xf32, #tpu.memory_space<vmem>>, vector<1x2048xf32>
    %add3A = vector.broadcast %get3A_8 : vector<1x2048xf32> to vector<256x2048xf32>
    %add3A_9 = arith.addf %dot_general3A_5, %add3A : vector<256x2048xf32>
    %max3A = arith.constant 0.000000e+00 : f32
    %max3A_10 = vector.broadcast %max3A : f32 to vector<256x2048xf32>
    %max3A_11 = arith.maximumf %add3A_9, %max3A_10 : vector<256x2048xf32>
    %get3A_12 = arith.constant 0 : index
    %get3A_13 = arith.constant 0 : index
    %get3A_14 = vector.load %arg5[%get3A_12, %get3A_13] : memref<2048x1024xf32, #tpu.memory_space<vmem>>, vector<2048x1024xf32>
    %dot_general3A_15 = arith.constant dense<0.000000e+00> : vector<256x1024xf32>
    %dot_general3A_16 = tpu.matmul %max3A_11, %get3A_14, %dot_general3A_15 {dimension_numbers = #tpu.dot_dimension_numbers<[1], [0], [0], [1], [0, 0, 1, 1], [], []>, transpose_lhs_hint = false} : vector<256x2048xf32>, vector<2048x1024xf32>, vector<256x1024xf32> -> vector<256x1024xf32>
    %get3A_17 = arith.constant 0 : index
    %get3A_18 = arith.constant 0 : index
    %get3A_19 = vector.load %arg6[%get3A_17, %get3A_18] : memref<1x1024xf32, #tpu.memory_space<vmem>>, vector<1x1024xf32>
    %add3A_20 = vector.broadcast %get3A_19 : vector<1x1024xf32> to vector<256x1024xf32>
    %add3A_21 = arith.addf %dot_general3A_16, %add3A_20 : vector<256x1024xf32>
    %get3A_22 = arith.constant 0 : index
    %get3A_23 = arith.constant 0 : index
    %get3A_24 = arith.constant 0 : index
    %get3A_25 = vector.load %arg2[%get3A_22, %get3A_23, %get3A_24] : memref<2x128x1024xf32, #tpu.memory_space<vmem>>, vector<2x128x1024xf32>
    %transpose3A = tpu.transpose %get3A_25, [1, 0, 2] : vector<2x128x1024xf32> -> vector<128x2x1024xf32>
    %reshape3A = vector.shape_cast %transpose3A : vector<128x2x1024xf32> to vector<256x1024xf32>
    %add3A_26 = arith.addf %add3A_21, %reshape3A : vector<256x1024xf32>
    %swap3A = arith.constant 0 : index
    %swap3A_27 = arith.constant 0 : index
    %swap3A_28 = vector.load %arg10[%swap3A, %swap3A_27] : memref<256x1024xf32, #tpu.memory_space<vmem>>, vector<256x1024xf32>
    tpu.vector_store %arg10[%swap3A, %swap3A_27], %add3A_26 {strides = array<i32>} : memref<256x1024xf32, #tpu.memory_space<vmem>>, vector<256x1024xf32>,
    %reduce_sum3A = arith.constant dense<0.000000e+00> : vector<256xf32>
    %reduce_sum3A_29 = vector.multi_reduction <add>, %add3A_26, %reduce_sum3A [1] : vector<256x1024xf32> to vector<256xf32>
    %broadcast_in_dim3A = vector.shape_cast %reduce_sum3A_29 : vector<256xf32> to vector<256x1xf32>
    %div3A = arith.constant 1.024000e+03 : f32
    %div3A_30 = vector.broadcast %div3A : f32 to vector<256x1xf32>
    %div3A_31 = arith.divf %broadcast_in_dim3A, %div3A_30 : vector<256x1xf32>
    %sub3A = vector.broadcast %div3A_31 : vector<256x1xf32> to vector<256x1024xf32>
    %sub3A_32 = arith.subf %add3A_26, %sub3A : vector<256x1024xf32>
    %mul3A = arith.mulf %sub3A_32, %sub3A_32 : vector<256x1024xf32>
    %reduce_sum3A_33 = arith.constant dense<0.000000e+00> : vector<256xf32>
    %reduce_sum3A_34 = vector.multi_reduction <add>, %mul3A, %reduce_sum3A_33 [1] : vector<256x1024xf32> to vector<256xf32>
    %broadcast_in_dim3A_35 = vector.shape_cast %reduce_sum3A_34 : vector<256xf32> to vector<256x1xf32>
    %div3A_36 = arith.constant 1.024000e+03 : f32
    %div3A_37 = vector.broadcast %div3A_36 : f32 to vector<256x1xf32>
    %div3A_38 = arith.divf %broadcast_in_dim3A_35, %div3A_37 : vector<256x1xf32>
    %add3A_39 = arith.constant 9.99999974E-6 : f32
    %add3A_40 = vector.broadcast %add3A_39 : f32 to vector<256x1xf32>
    %add3A_41 = arith.addf %div3A_38, %add3A_40 : vector<256x1xf32>
    %sqrt3A = math.sqrt %add3A_41 : vector<256x1xf32>
    %div3A_42 = vector.broadcast %sqrt3A : vector<256x1xf32> to vector<256x1024xf32>
    %div3A_43 = arith.divf %sub3A_32, %div3A_42 : vector<256x1024xf32>
    %get3A_44 = arith.constant 0 : index
    %get3A_45 = arith.constant 0 : index
    %get3A_46 = vector.load %arg7[%get3A_44, %get3A_45] : memref<1x1024xf32, #tpu.memory_space<vmem>>, vector<1x1024xf32>
    %mul3A_47 = vector.broadcast %get3A_46 : vector<1x1024xf32> to vector<256x1024xf32>
    %mul3A_48 = arith.mulf %div3A_43, %mul3A_47 : vector<256x1024xf32>
    %get3A_49 = arith.constant 0 : index
    %get3A_50 = arith.constant 0 : index
    %get3A_51 = vector.load %arg8[%get3A_49, %get3A_50] : memref<1x1024xf32, #tpu.memory_space<vmem>>, vector<1x1024xf32>
    %add3A_52 = vector.broadcast %get3A_51 : vector<1x1024xf32> to vector<256x1024xf32>
    %add3A_53 = arith.addf %mul3A_48, %add3A_52 : vector<256x1024xf32>
    %swap3A_54 = arith.constant 0 : index
    %swap3A_55 = arith.constant 0 : index
    %swap3A_56 = vector.load %arg11[%swap3A_54, %swap3A_55] : memref<256x1024xf32, #tpu.memory_space<vmem>>, vector<256x1024xf32>
    tpu.vector_store %arg11[%swap3A_54, %swap3A_55], %add3A_53 {strides = array<i32>} : memref<256x1024xf32, #tpu.memory_space<vmem>>, vector<256x1024xf32>,
    %get3A_57 = arith.constant 0 : index
    %get3A_58 = arith.constant 0 : index
    %get3A_59 = vector.load %arg9[%get3A_57, %get3A_58] : memref<1024x64xf32, #tpu.memory_space<vmem>>, vector<1024x64xf32>
    %dot_general3A_60 = arith.constant dense<0.000000e+00> : vector<256x64xf32>
    %dot_general3A_61 = tpu.matmul %add3A_53, %get3A_59, %dot_general3A_60 {dimension_numbers = #tpu.dot_dimension_numbers<[1], [0], [0], [1], [0, 0, 1, 1], [], []>, transpose_lhs_hint = false} : vector<256x1024xf32>, vector<1024x64xf32>, vector<256x64xf32> -> vector<256x64xf32>
    %reduce_max3A = arith.constant dense<0xFF800000> : vector<256xf32>
    %reduce_max3A_62 = vector.multi_reduction <maximumf>, %dot_general3A_61, %reduce_max3A [1] : vector<256x64xf32> to vector<256xf32>
    %broadcast_in_dim3A_63 = vector.shape_cast %reduce_max3A_62 : vector<256xf32> to vector<256x1xf32>
    %sub3A_64 = vector.broadcast %broadcast_in_dim3A_63 : vector<256x1xf32> to vector<256x64xf32>
    %sub3A_65 = arith.subf %dot_general3A_61, %sub3A_64 : vector<256x64xf32>
    %exp3A = math.exp %sub3A_65 : vector<256x64xf32>
    %reduce_sum3A_66 = arith.constant dense<0.000000e+00> : vector<256xf32>
    %reduce_sum3A_67 = vector.multi_reduction <add>, %exp3A, %reduce_sum3A_66 [1] : vector<256x64xf32> to vector<256xf32>
    %broadcast_in_dim3A_68 = vector.shape_cast %reduce_sum3A_67 : vector<256xf32> to vector<256x1xf32>
    %div3A_69 = vector.broadcast %broadcast_in_dim3A_68 : vector<256x1xf32> to vector<256x64xf32>
    %div3A_70 = arith.divf %exp3A, %div3A_69 : vector<256x64xf32>
    %iota3A = tpu.iota {dimensions = array<i32: 1>} : vector<256x64xi32>
    %reduce_max3A_71 = arith.constant dense<0xFF800000> : vector<256xf32>
    %reduce_max3A_72 = vector.multi_reduction <maximumf>, %div3A_70, %reduce_max3A_71 [1] : vector<256x64xf32> to vector<256xf32>
    %broadcast_in_dim3A_73 = vector.shape_cast %reduce_max3A_72 : vector<256xf32> to vector<256x1xf32>
    %eq3A = vector.broadcast %broadcast_in_dim3A_73 : vector<256x1xf32> to vector<256x64xf32>
    %eq3A_74 = arith.cmpf oeq, %div3A_70, %eq3A : vector<256x64xf32>
    %jit3A = arith.constant 64 : i32
    %broadcast_in_dim3A_75 = vector.broadcast %jit3A : i32 to vector<256x64xi32>
    %select_n3A = arith.select %eq3A_74, %iota3A, %broadcast_in_dim3A_75 : vector<256x64xi1>, vector<256x64xi32>
    %reduce_min3A = arith.constant dense<2147483647> : vector<256xi32>
    %reduce_min3A_76 = vector.multi_reduction <minsi>, %select_n3A, %reduce_min3A [1] : vector<256x64xi32> to vector<256xi32>
    %broadcast_in_dim3A_77 = vector.shape_cast %reduce_min3A_76 : vector<256xi32> to vector<256x1xi32>
    %eq3A_78 = vector.broadcast %broadcast_in_dim3A_77 : vector<256x1xi32> to vector<256x64xi32>
    %eq3A_79 = arith.cmpi eq, %iota3A, %eq3A_78 : vector<256x64xi32>
    %jit3A_80 = arith.constant -1.000000e+00 : f32
    %broadcast_in_dim3A_81 = vector.broadcast %jit3A_80 : f32 to vector<256x64xf32>
    %select_n3A_82 = arith.select %eq3A_79, %broadcast_in_dim3A_81, %div3A_70 : vector<256x64xi1>, vector<256x64xf32>
    %reduce_max3A_83 = arith.constant dense<0xFF800000> : vector<256xf32>
    %reduce_max3A_84 = vector.multi_reduction <maximumf>, %select_n3A_82, %reduce_max3A_83 [1] : vector<256x64xf32> to vector<256xf32>
    %broadcast_in_dim3A_85 = vector.shape_cast %reduce_max3A_84 : vector<256xf32> to vector<256x1xf32>
    %eq3A_86 = vector.broadcast %broadcast_in_dim3A_85 : vector<256x1xf32> to vector<256x64xf32>
    %eq3A_87 = arith.cmpf oeq, %select_n3A_82, %eq3A_86 : vector<256x64xf32>
    %jit3A_88 = arith.constant 64 : i32
    %broadcast_in_dim3A_89 = vector.broadcast %jit3A_88 : i32 to vector<256x64xi32>
    %select_n3A_90 = arith.select %eq3A_87, %iota3A, %broadcast_in_dim3A_89 : vector<256x64xi1>, vector<256x64xi32>
    %reduce_min3A_91 = arith.constant dense<2147483647> : vector<256xi32>
    %reduce_min3A_92 = vector.multi_reduction <minsi>, %select_n3A_90, %reduce_min3A_91 [1] : vector<256x64xi32> to vector<256xi32>
    %broadcast_in_dim3A_93 = vector.shape_cast %reduce_min3A_92 : vector<256xi32> to vector<256x1xi32>
    %add3A_94 = arith.addf %broadcast_in_dim3A_73, %broadcast_in_dim3A_85 : vector<256x1xf32>
    %add3A_95 = arith.constant 9.99999971E-10 : f32
    %add3A_96 = vector.broadcast %add3A_95 : f32 to vector<256x1xf32>
    %add3A_97 = arith.addf %add3A_94, %add3A_96 : vector<256x1xf32>
    %div3A_98 = arith.divf %broadcast_in_dim3A_73, %add3A_97 : vector<256x1xf32>
    %div3A_99 = arith.divf %broadcast_in_dim3A_85, %add3A_97 : vector<256x1xf32>
    %convert_element_type3A = arith.sitofp %broadcast_in_dim3A_77 : vector<256x1xi32> to vector<256x1xf32>
    %convert_element_type3A_100 = arith.sitofp %broadcast_in_dim3A_93 : vector<256x1xi32> to vector<256x1xf32>
    %broadcast_in_dim3A_101 = arith.constant 0.000000e+00 : f32
    %broadcast_in_dim3A_102 = vector.broadcast %broadcast_in_dim3A_101 : f32 to vector<256x4xf32>
    %concatenate3A = tpu.concatenate %convert_element_type3A, %convert_element_type3A_100, %div3A_98, %div3A_99, %broadcast_in_dim3A_102 in 1 : vector<256x1xf32>, vector<256x1xf32>, vector<256x1xf32>, vector<256x1xf32>, vector<256x4xf32> -> vector<256x8xf32>
    %swap3A_103 = arith.constant 0 : index
    %swap3A_104 = arith.constant 0 : index
    %swap3A_105 = vector.load %arg12[%swap3A_103, %swap3A_104] : memref<256x8xf32, #tpu.memory_space<vmem>>, vector<256x8xf32>
    tpu.vector_store %arg12[%swap3A_103, %swap3A_104], %concatenate3A {strides = array<i32>} : memref<256x8xf32, #tpu.memory_space<vmem>>, vector<256x8xf32>,
    %reduce_sum3A_106 = arith.constant dense<0.000000e+00> : vector<64xf32>
    %reduce_sum3A_107 = vector.multi_reduction <add>, %div3A_70, %reduce_sum3A_106 [0] : vector<256x64xf32> to vector<64xf32>
    %broadcast_in_dim3A_108 = vector.shape_cast %reduce_sum3A_107 : vector<64xf32> to vector<1x64xf32>
    %convert_element_type3A_109 = arith.extui %eq3A_79 : vector<256x64xi1> to vector<256x64xi32>
    %convert_element_type3A_110 = arith.sitofp %convert_element_type3A_109 : vector<256x64xi32> to vector<256x64xf32>
    %reduce_sum3A_111 = arith.constant dense<0.000000e+00> : vector<64xf32>
    %reduce_sum3A_112 = vector.multi_reduction <add>, %convert_element_type3A_110, %reduce_sum3A_111 [0] : vector<256x64xf32> to vector<64xf32>
    %broadcast_in_dim3A_113 = vector.shape_cast %reduce_sum3A_112 : vector<64xf32> to vector<1x64xf32>
    %concatenate3A_114 = tpu.concatenate %broadcast_in_dim3A_108, %broadcast_in_dim3A_113 in 1 : vector<1x64xf32>, vector<1x64xf32> -> vector<1x128xf32>
    %eq3A_115 = arith.constant 0 : i32
    %eq3A_116 = arith.cmpi eq, %arg0, %eq3A_115 : i32
    %convert_element_type3A_117 = arith.extui %eq3A_116 : i1 to i32
    %cond3A = arith.constant 0 : i32
    %cond3A_118 = arith.cmpi ne, %convert_element_type3A_117, %cond3A : i32
    scf.if %cond3A_118 {
      %broadcast_in_dim3A_126 = arith.constant 0.000000e+00 : f32
      %broadcast_in_dim3A_127 = vector.broadcast %broadcast_in_dim3A_126 : f32 to vector<1x128xf32>
      %swap3A_128 = arith.constant 0 : index
      %swap3A_129 = arith.constant 0 : index
      %swap3A_130 = vector.load %arg13[%swap3A_128, %swap3A_129] : memref<1x128xf32, #tpu.memory_space<vmem>>, vector<1x128xf32>
      tpu.vector_store %arg13[%swap3A_128, %swap3A_129], %broadcast_in_dim3A_127 {strides = array<i32>} : memref<1x128xf32, #tpu.memory_space<vmem>>, vector<1x128xf32>,
    } else {
    }
    %get3A_119 = arith.constant 0 : index
    %get3A_120 = arith.constant 0 : index
    %get3A_121 = vector.load %arg13[%get3A_119, %get3A_120] : memref<1x128xf32, #tpu.memory_space<vmem>>, vector<1x128xf32>
    %add3A_122 = arith.addf %get3A_121, %concatenate3A_114 : vector<1x128xf32>
    %swap3A_123 = arith.constant 0 : index
    %swap3A_124 = arith.constant 0 : index
    %swap3A_125 = vector.load %arg13[%swap3A_123, %swap3A_124] : memref<1x128xf32, #tpu.memory_space<vmem>>, vector<1x128xf32>
    tpu.vector_store %arg13[%swap3A_123, %swap3A_124], %add3A_122 {strides = array<i32>} : memref<1x128xf32, #tpu.memory_space<vmem>>, vector<1x128xf32>,
    return
  }
  func.func @transform_0(%arg0: i32) -> (i32, i32) {
    %c0_i32 = arith.constant 0 : i32
    %c0_i32_0 = arith.constant 0 : i32
    return %arg0, %c0_i32 : i32, i32
  }
  func.func @transform_1(%arg0: i32) -> (i32, i32, i32) {
    %c0_i32 = arith.constant 0 : i32
    %c0_i32_0 = arith.constant 0 : i32
    %c0_i32_1 = arith.constant 0 : i32
    return %c0_i32, %arg0, %c0_i32_0 : i32, i32, i32
  }
  func.func @transform_2(%arg0: i32) -> (i32, i32) {
    %c0_i32 = arith.constant 0 : i32
    %c0_i32_0 = arith.constant 0 : i32
    %c0_i32_1 = arith.constant 0 : i32
    return %c0_i32, %c0_i32_0 : i32, i32
  }
  func.func @transform_3(%arg0: i32) -> (i32, i32) {
    %c0_i32 = arith.constant 0 : i32
    %c0_i32_0 = arith.constant 0 : i32
    %c0_i32_1 = arith.constant 0 : i32
    return %c0_i32, %c0_i32_0 : i32, i32
  }
  func.func @transform_4(%arg0: i32) -> (i32, i32) {
    %c0_i32 = arith.constant 0 : i32
    %c0_i32_0 = arith.constant 0 : i32
    %c0_i32_1 = arith.constant 0 : i32
    return %c0_i32, %c0_i32_0 : i32, i32
  }
  func.func @transform_5(%arg0: i32) -> (i32, i32) {
    %c0_i32 = arith.constant 0 : i32
    %c0_i32_0 = arith.constant 0 : i32
    %c0_i32_1 = arith.constant 0 : i32
    return %c0_i32, %c0_i32_0 : i32, i32
  }
  func.func @transform_6(%arg0: i32) -> (i32, i32) {
    %c0_i32 = arith.constant 0 : i32
    %c0_i32_0 = arith.constant 0 : i32
    %c0_i32_1 = arith.constant 0 : i32
    return %c0_i32, %c0_i32_0 : i32, i32
  }
  func.func @transform_7(%arg0: i32) -> (i32, i32) {
    %c0_i32 = arith.constant 0 : i32
    %c0_i32_0 = arith.constant 0 : i32
    %c0_i32_1 = arith.constant 0 : i32
    return %c0_i32, %c0_i32_0 : i32, i32
  }
  func.func @transform_8(%arg0: i32) -> (i32, i32) {
    %c0_i32 = arith.constant 0 : i32
    %c0_i32_0 = arith.constant 0 : i32
    %c0_i32_1 = arith.constant 0 : i32
    return %c0_i32, %c0_i32_0 : i32, i32
  }
  func.func @transform_9(%arg0: i32) -> (i32, i32) {
    %c0_i32 = arith.constant 0 : i32
    %c0_i32_0 = arith.constant 0 : i32
    return %arg0, %c0_i32 : i32, i32
  }
  func.func @transform_10(%arg0: i32) -> (i32, i32) {
    %c0_i32 = arith.constant 0 : i32
    %c0_i32_0 = arith.constant 0 : i32
    return %arg0, %c0_i32 : i32, i32
  }
  func.func @transform_11(%arg0: i32) -> (i32, i32) {
    %c0_i32 = arith.constant 0 : i32
    %c0_i32_0 = arith.constant 0 : i32
    return %arg0, %c0_i32 : i32, i32
  }
  func.func @transform_12(%arg0: i32) -> (i32, i32) {
    %c0_i32 = arith.constant 0 : i32
    %c0_i32_0 = arith.constant 0 : i32
    %c0_i32_1 = arith.constant 0 : i32
    return %c0_i32, %c0_i32_0 : i32, i32
  }
}

module attributes {stable_mosaic.version = 14 : i64} {
  func.func @_stage4a_body(%arg0: i32, %arg1: memref<256x1024xf32, #tpu.memory_space<vmem>>, %arg2: memref<1x1024x512xf32, #tpu.memory_space<vmem>>, %arg3: memref<1x1x512xf32, #tpu.memory_space<vmem>>, %arg4: memref<1x512x1024xf32, #tpu.memory_space<vmem>>, %arg5: memref<1x1x1024xf32, #tpu.memory_space<vmem>>, %arg6: memref<256x64xf32, #tpu.memory_space<vmem>>, %arg7: memref<256x1024xf32, #tpu.memory_space<vmem>>) attributes {dimension_semantics = [#tpu.dimension_semantics<arbitrary>], iteration_bounds = array<i64: 32>, scalar_prefetch = 0 : i64, scratch_operands = 0 : i64, tpu.core_type = #tpu.core_type<tc>, window_params = [{transform_indices = @transform_0, window_bounds = array<i64: 256, 1024>}, {transform_indices = @transform_1, window_bounds = array<i64: 1, 1024, 512>}, {transform_indices = @transform_2, window_bounds = array<i64: 1, 1, 512>}, {transform_indices = @transform_3, window_bounds = array<i64: 1, 512, 1024>}, {transform_indices = @transform_4, window_bounds = array<i64: 1, 1, 1024>}, {pipeline_mode = #tpu.pipeline_mode<synchronous>, transform_indices = @transform_5, window_bounds = array<i64: 256, 64>}, {transform_indices = @transform_6, window_bounds = array<i64: 256, 1024>}]} {
    %get3A = arith.constant 0 : index
    %get3A_0 = arith.constant 0 : index
    %get3A_1 = vector.load %arg1[%get3A, %get3A_0] : memref<256x1024xf32, #tpu.memory_space<vmem>>, vector<256x1024xf32>
    %convert_element_type3A = arith.truncf %get3A_1 : vector<256x1024xf32> to vector<256x1024xbf16>
    %get3A_2 = arith.constant 0 : index
    %get3A_3 = arith.constant 0 : index
    %get3A_4 = arith.constant 0 : index
    %get3A_5 = vector.load %arg2[%get3A_2, %get3A_3, %get3A_4] : memref<1x1024x512xf32, #tpu.memory_space<vmem>>, vector<1x1024x512xf32>
    %get3A_6 = vector.shape_cast %get3A_5 : vector<1x1024x512xf32> to vector<1024x512xf32>
    %convert_element_type3A_7 = arith.truncf %get3A_6 : vector<1024x512xf32> to vector<1024x512xbf16>
    %dot_general3A = arith.constant dense<0.000000e+00> : vector<256x512xf32>
    %dot_general3A_8 = tpu.matmul %convert_element_type3A, %convert_element_type3A_7, %dot_general3A {dimension_numbers = #tpu.dot_dimension_numbers<[1], [0], [0], [1], [0, 0, 1, 1], [], []>, transpose_lhs_hint = false} : vector<256x1024xbf16>, vector<1024x512xbf16>, vector<256x512xf32> -> vector<256x512xf32>
    %get3A_9 = arith.constant 0 : index
    %get3A_10 = arith.constant 0 : index
    %get3A_11 = arith.constant 0 : index
    %get3A_12 = vector.load %arg3[%get3A_9, %get3A_10, %get3A_11] : memref<1x1x512xf32, #tpu.memory_space<vmem>>, vector<1x1x512xf32>
    %get3A_13 = vector.shape_cast %get3A_12 : vector<1x1x512xf32> to vector<1x512xf32>
    %add3A = vector.broadcast %get3A_13 : vector<1x512xf32> to vector<256x512xf32>
    %add3A_14 = arith.addf %dot_general3A_8, %add3A : vector<256x512xf32>
    %max3A = arith.constant 0.000000e+00 : f32
    %max3A_15 = vector.broadcast %max3A : f32 to vector<256x512xf32>
    %max3A_16 = arith.maximumf %add3A_14, %max3A_15 : vector<256x512xf32>
    %get3A_17 = arith.constant 0 : index
    %get3A_18 = arith.constant 0 : index
    %get3A_19 = arith.constant 0 : index
    %get3A_20 = vector.load %arg4[%get3A_17, %get3A_18, %get3A_19] : memref<1x512x1024xf32, #tpu.memory_space<vmem>>, vector<1x512x1024xf32>
    %get3A_21 = vector.shape_cast %get3A_20 : vector<1x512x1024xf32> to vector<512x1024xf32>
    %convert_element_type3A_22 = arith.truncf %get3A_21 : vector<512x1024xf32> to vector<512x1024xbf16>
    %convert_element_type3A_23 = arith.truncf %max3A_16 : vector<256x512xf32> to vector<256x512xbf16>
    %dot_general3A_24 = arith.constant dense<0.000000e+00> : vector<256x1024xf32>
    %dot_general3A_25 = tpu.matmul %convert_element_type3A_23, %convert_element_type3A_22, %dot_general3A_24 {dimension_numbers = #tpu.dot_dimension_numbers<[1], [0], [0], [1], [0, 0, 1, 1], [], []>, transpose_lhs_hint = false} : vector<256x512xbf16>, vector<512x1024xbf16>, vector<256x1024xf32> -> vector<256x1024xf32>
    %get3A_26 = arith.constant 0 : index
    %get3A_27 = arith.constant 0 : index
    %get3A_28 = arith.constant 0 : index
    %get3A_29 = vector.load %arg5[%get3A_26, %get3A_27, %get3A_28] : memref<1x1x1024xf32, #tpu.memory_space<vmem>>, vector<1x1x1024xf32>
    %get3A_30 = vector.shape_cast %get3A_29 : vector<1x1x1024xf32> to vector<1x1024xf32>
    %add3A_31 = vector.broadcast %get3A_30 : vector<1x1024xf32> to vector<256x1024xf32>
    %add3A_32 = arith.addf %dot_general3A_25, %add3A_31 : vector<256x1024xf32>
    %iota3A = tpu.iota {dimensions = array<i32: 1>} : vector<256x64xi32>
    %eq3A = vector.broadcast %arg0 : i32 to vector<256x64xi32>
    %eq3A_33 = arith.cmpi eq, %iota3A, %eq3A : vector<256x64xi32>
    %get3A_34 = arith.constant 0 : index
    %get3A_35 = arith.constant 0 : index
    %get3A_36 = vector.load %arg6[%get3A_34, %get3A_35] : memref<256x64xf32, #tpu.memory_space<vmem>>, vector<256x64xf32>
    %jit3A = arith.constant 0.000000e+00 : f32
    %broadcast_in_dim3A = vector.broadcast %jit3A : f32 to vector<256x64xf32>
    %select_n3A = arith.select %eq3A_33, %get3A_36, %broadcast_in_dim3A : vector<256x64xi1>, vector<256x64xf32>
    %reduce_sum3A = arith.constant dense<0.000000e+00> : vector<256xf32>
    %reduce_sum3A_37 = vector.multi_reduction <add>, %select_n3A, %reduce_sum3A [1] : vector<256x64xf32> to vector<256xf32>
    %broadcast_in_dim3A_38 = vector.shape_cast %reduce_sum3A_37 : vector<256xf32> to vector<256x1xf32>
    %mul3A = vector.broadcast %broadcast_in_dim3A_38 : vector<256x1xf32> to vector<256x1024xf32>
    %mul3A_39 = arith.mulf %add3A_32, %mul3A : vector<256x1024xf32>
    %swap3A = arith.constant 0 : index
    %swap3A_40 = arith.constant 0 : index
    %swap3A_41 = vector.load %arg7[%swap3A, %swap3A_40] : memref<256x1024xf32, #tpu.memory_space<vmem>>, vector<256x1024xf32>
    tpu.vector_store %arg7[%swap3A, %swap3A_40], %mul3A_39 {strides = array<i32>} : memref<256x1024xf32, #tpu.memory_space<vmem>>, vector<256x1024xf32>,
    return
  }
  func.func @transform_0(%arg0: i32) -> (i32, i32) {
    %min3A = arith.constant 31 : i32
    %min3A_0 = arith.minsi %arg0, %min3A : i32
    %c0_i32 = arith.constant 0 : i32
    %c0_i32_1 = arith.constant 0 : i32
    return %min3A_0, %c0_i32 : i32, i32
  }
  func.func @transform_1(%arg0: i32) -> (i32, i32, i32) {
    %add3A = arith.constant 0 : i32
    %add3A_0 = arith.addi %arg0, %add3A : i32
    %min3A = arith.constant 63 : i32
    %min3A_1 = arith.minsi %add3A_0, %min3A : i32
    %c0_i32 = arith.constant 0 : i32
    %c0_i32_2 = arith.constant 0 : i32
    %c0_i32_3 = arith.constant 0 : i32
    return %min3A_1, %c0_i32, %c0_i32_2 : i32, i32, i32
  }
  func.func @transform_2(%arg0: i32) -> (i32, i32, i32) {
    %add3A = arith.constant 0 : i32
    %add3A_0 = arith.addi %arg0, %add3A : i32
    %min3A = arith.constant 63 : i32
    %min3A_1 = arith.minsi %add3A_0, %min3A : i32
    %c0_i32 = arith.constant 0 : i32
    %c0_i32_2 = arith.constant 0 : i32
    %c0_i32_3 = arith.constant 0 : i32
    return %min3A_1, %c0_i32, %c0_i32_2 : i32, i32, i32
  }
  func.func @transform_3(%arg0: i32) -> (i32, i32, i32) {
    %add3A = arith.constant 0 : i32
    %add3A_0 = arith.addi %arg0, %add3A : i32
    %min3A = arith.constant 63 : i32
    %min3A_1 = arith.minsi %add3A_0, %min3A : i32
    %c0_i32 = arith.constant 0 : i32
    %c0_i32_2 = arith.constant 0 : i32
    %c0_i32_3 = arith.constant 0 : i32
    return %min3A_1, %c0_i32, %c0_i32_2 : i32, i32, i32
  }
  func.func @transform_4(%arg0: i32) -> (i32, i32, i32) {
    %add3A = arith.constant 0 : i32
    %add3A_0 = arith.addi %arg0, %add3A : i32
    %min3A = arith.constant 63 : i32
    %min3A_1 = arith.minsi %add3A_0, %min3A : i32
    %c0_i32 = arith.constant 0 : i32
    %c0_i32_2 = arith.constant 0 : i32
    %c0_i32_3 = arith.constant 0 : i32
    return %min3A_1, %c0_i32, %c0_i32_2 : i32, i32, i32
  }
  func.func @transform_5(%arg0: i32) -> (i32, i32) {
    %c0_i32 = arith.constant 0 : i32
    %c0_i32_0 = arith.constant 0 : i32
    %c0_i32_1 = arith.constant 0 : i32
    return %c0_i32, %c0_i32_0 : i32, i32
  }
  func.func @transform_6(%arg0: i32) -> (i32, i32) {
    %c0_i32 = arith.constant 0 : i32
    %c0_i32_0 = arith.constant 0 : i32
    return %arg0, %c0_i32 : i32, i32
  }
}

module attributes {stable_mosaic.version = 14 : i64} {
  func.func @_stage4b_body(%arg0: i32, %arg1: memref<16640x1024xf32, #tpu.memory_space<any>>, %arg2: memref<256x1024xf32, #tpu.memory_space<vmem>>, %arg3: memref<1x1024x512xf32, #tpu.memory_space<vmem>>, %arg4: memref<1x1x512xf32, #tpu.memory_space<vmem>>, %arg5: memref<1x512x1024xf32, #tpu.memory_space<vmem>>, %arg6: memref<1x1x1024xf32, #tpu.memory_space<vmem>>, %arg7: memref<256x64xf32, #tpu.memory_space<vmem>>, %arg8: memref<256x1024xf32, #tpu.memory_space<vmem>>) attributes {dimension_semantics = [#tpu.dimension_semantics<arbitrary>], iteration_bounds = array<i64: 33>, scalar_prefetch = 0 : i64, scratch_operands = 0 : i64, tpu.core_type = #tpu.core_type<tc>, window_params = [{}, {transform_indices = @transform_1, window_bounds = array<i64: 256, 1024>}, {transform_indices = @transform_2, window_bounds = array<i64: 1, 1024, 512>}, {transform_indices = @transform_3, window_bounds = array<i64: 1, 1, 512>}, {transform_indices = @transform_4, window_bounds = array<i64: 1, 512, 1024>}, {transform_indices = @transform_5, window_bounds = array<i64: 1, 1, 1024>}, {pipeline_mode = #tpu.pipeline_mode<synchronous>, transform_indices = @transform_6, window_bounds = array<i64: 256, 64>}, {transform_indices = @transform_7, window_bounds = array<i64: 256, 1024>}]} {
    %lt3A = arith.constant 32 : i32
    %lt3A_0 = arith.cmpi slt, %arg0, %lt3A : i32
    %convert_element_type3A = arith.extui %lt3A_0 : i1 to i32
    %cond3A = arith.constant 0 : i32
    %cond3A_1 = arith.cmpi ne, %convert_element_type3A, %cond3A : i32
    scf.if %cond3A_1 {
      %add3A = arith.constant 32 : i32
      %add3A_6 = arith.addi %arg0, %add3A : i32
      %get3A = arith.constant 0 : index
      %get3A_7 = arith.constant 0 : index
      %get3A_8 = vector.load %arg2[%get3A, %get3A_7] : memref<256x1024xf32, #tpu.memory_space<vmem>>, vector<256x1024xf32>
      %convert_element_type3A_9 = arith.truncf %get3A_8 : vector<256x1024xf32> to vector<256x1024xbf16>
      %get3A_10 = arith.constant 0 : index
      %get3A_11 = arith.constant 0 : index
      %get3A_12 = arith.constant 0 : index
      %get3A_13 = vector.load %arg3[%get3A_10, %get3A_11, %get3A_12] : memref<1x1024x512xf32, #tpu.memory_space<vmem>>, vector<1x1024x512xf32>
      %get3A_14 = vector.shape_cast %get3A_13 : vector<1x1024x512xf32> to vector<1024x512xf32>
      %convert_element_type3A_15 = arith.truncf %get3A_14 : vector<1024x512xf32> to vector<1024x512xbf16>
      %dot_general3A = arith.constant dense<0.000000e+00> : vector<256x512xf32>
      %dot_general3A_16 = tpu.matmul %convert_element_type3A_9, %convert_element_type3A_15, %dot_general3A {dimension_numbers = #tpu.dot_dimension_numbers<[1], [0], [0], [1], [0, 0, 1, 1], [], []>, transpose_lhs_hint = false} : vector<256x1024xbf16>, vector<1024x512xbf16>, vector<256x512xf32> -> vector<256x512xf32>
      %get3A_17 = arith.constant 0 : index
      %get3A_18 = arith.constant 0 : index
      %get3A_19 = arith.constant 0 : index
      %get3A_20 = vector.load %arg4[%get3A_17, %get3A_18, %get3A_19] : memref<1x1x512xf32, #tpu.memory_space<vmem>>, vector<1x1x512xf32>
      %get3A_21 = vector.shape_cast %get3A_20 : vector<1x1x512xf32> to vector<1x512xf32>
      %add3A_22 = vector.broadcast %get3A_21 : vector<1x512xf32> to vector<256x512xf32>
      %add3A_23 = arith.addf %dot_general3A_16, %add3A_22 : vector<256x512xf32>
      %max3A = arith.constant 0.000000e+00 : f32
      %max3A_24 = vector.broadcast %max3A : f32 to vector<256x512xf32>
      %max3A_25 = arith.maximumf %add3A_23, %max3A_24 : vector<256x512xf32>
      %get3A_26 = arith.constant 0 : index
      %get3A_27 = arith.constant 0 : index
      %get3A_28 = arith.constant 0 : index
      %get3A_29 = vector.load %arg5[%get3A_26, %get3A_27, %get3A_28] : memref<1x512x1024xf32, #tpu.memory_space<vmem>>, vector<1x512x1024xf32>
      %get3A_30 = vector.shape_cast %get3A_29 : vector<1x512x1024xf32> to vector<512x1024xf32>
      %convert_element_type3A_31 = arith.truncf %get3A_30 : vector<512x1024xf32> to vector<512x1024xbf16>
      %convert_element_type3A_32 = arith.truncf %max3A_25 : vector<256x512xf32> to vector<256x512xbf16>
      %dot_general3A_33 = arith.constant dense<0.000000e+00> : vector<256x1024xf32>
      %dot_general3A_34 = tpu.matmul %convert_element_type3A_32, %convert_element_type3A_31, %dot_general3A_33 {dimension_numbers = #tpu.dot_dimension_numbers<[1], [0], [0], [1], [0, 0, 1, 1], [], []>, transpose_lhs_hint = false} : vector<256x512xbf16>, vector<512x1024xbf16>, vector<256x1024xf32> -> vector<256x1024xf32>
      %get3A_35 = arith.constant 0 : index
      %get3A_36 = arith.constant 0 : index
      %get3A_37 = arith.constant 0 : index
      %get3A_38 = vector.load %arg6[%get3A_35, %get3A_36, %get3A_37] : memref<1x1x1024xf32, #tpu.memory_space<vmem>>, vector<1x1x1024xf32>
      %get3A_39 = vector.shape_cast %get3A_38 : vector<1x1x1024xf32> to vector<1x1024xf32>
      %add3A_40 = vector.broadcast %get3A_39 : vector<1x1024xf32> to vector<256x1024xf32>
      %add3A_41 = arith.addf %dot_general3A_34, %add3A_40 : vector<256x1024xf32>
      %iota3A = tpu.iota {dimensions = array<i32: 1>} : vector<256x64xi32>
      %eq3A_42 = vector.broadcast %add3A_6 : i32 to vector<256x64xi32>
      %eq3A_43 = arith.cmpi eq, %iota3A, %eq3A_42 : vector<256x64xi32>
      %get3A_44 = arith.constant 0 : index
      %get3A_45 = arith.constant 0 : index
      %get3A_46 = vector.load %arg7[%get3A_44, %get3A_45] : memref<256x64xf32, #tpu.memory_space<vmem>>, vector<256x64xf32>
      %jit3A = arith.constant 0.000000e+00 : f32
      %broadcast_in_dim3A = vector.broadcast %jit3A : f32 to vector<256x64xf32>
      %select_n3A = arith.select %eq3A_43, %get3A_46, %broadcast_in_dim3A : vector<256x64xi1>, vector<256x64xf32>
      %reduce_sum3A = arith.constant dense<0.000000e+00> : vector<256xf32>
      %reduce_sum3A_47 = vector.multi_reduction <add>, %select_n3A, %reduce_sum3A [1] : vector<256x64xf32> to vector<256xf32>
      %broadcast_in_dim3A_48 = vector.shape_cast %reduce_sum3A_47 : vector<256xf32> to vector<256x1xf32>
      %mul3A = vector.broadcast %broadcast_in_dim3A_48 : vector<256x1xf32> to vector<256x1024xf32>
      %mul3A_49 = arith.mulf %add3A_41, %mul3A : vector<256x1024xf32>
      %swap3A = arith.constant 0 : index
      %swap3A_50 = arith.constant 0 : index
      %swap3A_51 = vector.load %arg8[%swap3A, %swap3A_50] : memref<256x1024xf32, #tpu.memory_space<vmem>>, vector<256x1024xf32>
      tpu.vector_store %arg8[%swap3A, %swap3A_50], %mul3A_49 {strides = array<i32>} : memref<256x1024xf32, #tpu.memory_space<vmem>>, vector<256x1024xf32>,
    } else {
    }
    %eq3A = arith.constant 32 : i32
    %eq3A_2 = arith.cmpi eq, %arg0, %eq3A : i32
    %convert_element_type3A_3 = arith.extui %eq3A_2 : i1 to i32
    %cond3A_4 = arith.constant 0 : i32
    %cond3A_5 = arith.cmpi ne, %convert_element_type3A_3, %cond3A_4 : i32
    scf.if %cond3A_5 {
      %broadcast_in_dim3A = arith.constant 0.000000e+00 : f32
      %broadcast_in_dim3A_6 = vector.broadcast %broadcast_in_dim3A : f32 to vector<256x1024xf32>
      %swap3A = arith.constant 0 : index
      %swap3A_7 = arith.constant 0 : index
      %swap3A_8 = vector.load %arg8[%swap3A, %swap3A_7] : memref<256x1024xf32, #tpu.memory_space<vmem>>, vector<256x1024xf32>
      tpu.vector_store %arg8[%swap3A, %swap3A_7], %broadcast_in_dim3A_6 {strides = array<i32>} : memref<256x1024xf32, #tpu.memory_space<vmem>>, vector<256x1024xf32>,
    } else {
    }
    return
  }
  func.func @transform_1(%arg0: i32) -> (i32, i32) {
    %min3A = arith.constant 31 : i32
    %min3A_0 = arith.minsi %arg0, %min3A : i32
    %c0_i32 = arith.constant 0 : i32
    %c0_i32_1 = arith.constant 0 : i32
    return %min3A_0, %c0_i32 : i32, i32
  }
  func.func @transform_2(%arg0: i32) -> (i32, i32, i32) {
    %add3A = arith.constant 32 : i32
    %add3A_0 = arith.addi %arg0, %add3A : i32
    %min3A = arith.constant 63 : i32
    %min3A_1 = arith.minsi %add3A_0, %min3A : i32
    %c0_i32 = arith.constant 0 : i32
    %c0_i32_2 = arith.constant 0 : i32
    %c0_i32_3 = arith.constant 0 : i32
    return %min3A_1, %c0_i32, %c0_i32_2 : i32, i32, i32
  }
  func.func @transform_3(%arg0: i32) -> (i32, i32, i32) {
    %add3A = arith.constant 32 : i32
    %add3A_0 = arith.addi %arg0, %add3A : i32
    %min3A = arith.constant 63 : i32
    %min3A_1 = arith.minsi %add3A_0, %min3A : i32
    %c0_i32 = arith.constant 0 : i32
    %c0_i32_2 = arith.constant 0 : i32
    %c0_i32_3 = arith.constant 0 : i32
    return %min3A_1, %c0_i32, %c0_i32_2 : i32, i32, i32
  }
  func.func @transform_4(%arg0: i32) -> (i32, i32, i32) {
    %add3A = arith.constant 32 : i32
    %add3A_0 = arith.addi %arg0, %add3A : i32
    %min3A = arith.constant 63 : i32
    %min3A_1 = arith.minsi %add3A_0, %min3A : i32
    %c0_i32 = arith.constant 0 : i32
    %c0_i32_2 = arith.constant 0 : i32
    %c0_i32_3 = arith.constant 0 : i32
    return %min3A_1, %c0_i32, %c0_i32_2 : i32, i32, i32
  }
  func.func @transform_5(%arg0: i32) -> (i32, i32, i32) {
    %add3A = arith.constant 32 : i32
    %add3A_0 = arith.addi %arg0, %add3A : i32
    %min3A = arith.constant 63 : i32
    %min3A_1 = arith.minsi %add3A_0, %min3A : i32
    %c0_i32 = arith.constant 0 : i32
    %c0_i32_2 = arith.constant 0 : i32
    %c0_i32_3 = arith.constant 0 : i32
    return %min3A_1, %c0_i32, %c0_i32_2 : i32, i32, i32
  }
  func.func @transform_6(%arg0: i32) -> (i32, i32) {
    %c0_i32 = arith.constant 0 : i32
    %c0_i32_0 = arith.constant 0 : i32
    %c0_i32_1 = arith.constant 0 : i32
    return %c0_i32, %c0_i32_0 : i32, i32
  }
  func.func @transform_7(%arg0: i32) -> (i32, i32) {
    %add3A = arith.constant 32 : i32
    %add3A_0 = arith.addi %arg0, %add3A : i32
    %c0_i32 = arith.constant 0 : i32
    %c0_i32_1 = arith.constant 0 : i32
    return %add3A_0, %c0_i32 : i32, i32
  }
}

module attributes {stable_mosaic.version = 14 : i64} {
  func.func @_combine_body(%arg0: i32, %arg1: memref<256x1024xf32, #tpu.memory_space<vmem>>, %arg2: memref<256x1024xf32, #tpu.memory_space<vmem>>, %arg3: memref<256x1024xf32, #tpu.memory_space<vmem>>, %arg4: memref<256x1024xf32, #tpu.memory_space<vmem>>) attributes {dimension_semantics = [#tpu.dimension_semantics<arbitrary>], iteration_bounds = array<i64: 16>, scalar_prefetch = 0 : i64, scratch_operands = 0 : i64, tpu.core_type = #tpu.core_type<tc>, window_params = [{transform_indices = @transform_0, window_bounds = array<i64: 256, 1024>}, {transform_indices = @transform_1, window_bounds = array<i64: 256, 1024>}, {transform_indices = @transform_2, window_bounds = array<i64: 256, 1024>}, {transform_indices = @transform_3, window_bounds = array<i64: 256, 1024>}]} {
    %get3A = arith.constant 0 : index
    %get3A_0 = arith.constant 0 : index
    %get3A_1 = vector.load %arg1[%get3A, %get3A_0] : memref<256x1024xf32, #tpu.memory_space<vmem>>, vector<256x1024xf32>
    %get3A_2 = arith.constant 0 : index
    %get3A_3 = arith.constant 0 : index
    %get3A_4 = vector.load %arg2[%get3A_2, %get3A_3] : memref<256x1024xf32, #tpu.memory_space<vmem>>, vector<256x1024xf32>
    %add3A = arith.addf %get3A_1, %get3A_4 : vector<256x1024xf32>
    %get3A_5 = arith.constant 0 : index
    %get3A_6 = arith.constant 0 : index
    %get3A_7 = vector.load %arg3[%get3A_5, %get3A_6] : memref<256x1024xf32, #tpu.memory_space<vmem>>, vector<256x1024xf32>
    %add3A_8 = arith.addf %add3A, %get3A_7 : vector<256x1024xf32>
    %swap3A = arith.constant 0 : index
    %swap3A_9 = arith.constant 0 : index
    %swap3A_10 = vector.load %arg4[%swap3A, %swap3A_9] : memref<256x1024xf32, #tpu.memory_space<vmem>>, vector<256x1024xf32>
    tpu.vector_store %arg4[%swap3A, %swap3A_9], %add3A_8 {strides = array<i32>} : memref<256x1024xf32, #tpu.memory_space<vmem>>, vector<256x1024xf32>,
    return
  }
  func.func @transform_0(%arg0: i32) -> (i32, i32) {
    %c0_i32 = arith.constant 0 : i32
    %c0_i32_0 = arith.constant 0 : i32
    return %arg0, %c0_i32 : i32, i32
  }
  func.func @transform_1(%arg0: i32) -> (i32, i32) {
    %add3A = arith.constant 16 : i32
    %add3A_0 = arith.addi %arg0, %add3A : i32
    %c0_i32 = arith.constant 0 : i32
    %c0_i32_1 = arith.constant 0 : i32
    return %add3A_0, %c0_i32 : i32, i32
  }
  func.func @transform_2(%arg0: i32) -> (i32, i32) {
    %c0_i32 = arith.constant 0 : i32
    %c0_i32_0 = arith.constant 0 : i32
    return %arg0, %c0_i32 : i32, i32
  }
  func.func @transform_3(%arg0: i32) -> (i32, i32) {
    %c0_i32 = arith.constant 0 : i32
    %c0_i32_0 = arith.constant 0 : i32
    return %arg0, %c0_i32 : i32, i32
  }
}

</mosaic_0001>

<sc_bundles>
// kernel: kernel.10.cloned.1.call-start
scs
__scs_entry_jumppad:
0x0: {  	(pc) =	sbr.rel $0x88, $3  }
0x1: {  	(tag) =	ssettag $0x0;
	lr =	simm.s32 $0x1  }
0x2: {  	[smem:$0x3F94] =	sst lr;
	_ =	strace $0xD0000000  }
0x3: {  	_ = 	snop  }
0x4: {  	_ = 	snop  }
0x5: {  	_ = 	snop  }
0x6: {  	_ = 	snop  }
0x7: {  	_ = 	snop  }
__scs_overlays_trampoline_lowered:
0x8: {  	[smem:$0x3FA3] =	sst s0  }
0x9: {  	[smem:$0x3FA4] =	sst s1  }
0xa: {  	[smem:$0x3FA5] =	sst s2  }
0xb: {  	[smem:$0x3FA6] =	sst s3  }
0xc: {  	[smem:$0x3FA7] =	sst s4  }
0xd: {  	[smem:$0x3FA8] =	sst s5  }
0xe: {  	[smem:$0x3FA9] =	sst s6  }
0xf: {  	[smem:$0x3FAA] =	sst s7  }
0x10: {  	[smem:$0x3FAB] =	sst s8  }
0x11: {  	[smem:$0x3FAC] =	sst s9;
	s0 =	simm.s32 @!p0 $0x0  }
0x12: {  	s1 =	sld [smem:$0x3F92];
	s0 =	simm.s32 @p0 $0x1  }
0x13: {  	[smem:$0x3FAD] =	sst s0;
	s0 =	simm.s32 @!p1 $0x0  }
0x14: {  	s2 =	sld [smem:$0x3F91];
	s0 =	simm.s32 @p1 $0x1  }
0x15: {  	[smem:$0x3FAE] =	sst s0;
	s0 =	simm.s32 @!p2 $0x0  }
0x16: {  	s3 =	sld [smem:$0x3FDB];
	s0 =	simm.s32 @p2 $0x1  }
0x17: {  	s4 =	simm.s32 $0x1BF5;
	[smem:$0x3FB0] =	sst s0  }
0x18: {  	s0 =	sld [smem:$0x3F93];
	_ =	swait.ge [sflag:s4], $0x0  }
0x19: {  	s7 =	sld [smem:$0x3F94]  }
0x1a: {  	s8 =	sadd.s32 $0xFFFFE003, lr  }
0x1b: {  	s9 =	sadd.s32 $0xFFFFFEF7, lr;
	s5 =	simm.s32 $0xFFFFFFFF;
	p2 =	slt.u32 s8, $0xFFFFF086  }
0x1c: {  	p1 =	slt.u32 s9, $0xF7A;
	s5 =	simm.s32 @!p2 $0x0  }
0x1d: {  	s5 =	simm.s32 @p1 $0x1;
	p0 =	seq.s32 s7, s2  }
0x1e: {  	s7 =	smul.u32 @!p0 $0xF7A, s2;
	p2 =	seq.s32 @!p0 s5, $0x0  }
0x1f: {  	s9 =	smul.u32 $0xF7A, s1;
	s8 =	simm.s32 @!p0 $0x1BF5;
	p2 =	por !p2, p0  }
0x20: {  	[sflag:s8] =	ssyncset.s32 @!p0 $0xFFFFF086;
	s6 =	sadd.s32 @!p0 s3, s7;
	s7 =	simm.s32 @!p0 $0x108  }
0x21: {  	s3 =	sadd.s32 s3, s9;
	s6 =	sadd.s32 @!p0 $0x88, s6;
	s7 =	simm.s32 @p2 $0x1082  }
0x22: {  	[simem:s7], [sflag:s8] =	dma.local @!p0 [hbm:s6], $0xF7A  }
0x23: {  	s9 =	sor.u32 $0xD0000000, s2;
	s6 =	simm.s32 $0x108;
	_ =	swait.ge @!p0 [sflag:s8], $0x0  }
0x24: {  	s3 =	sadd.s32 $0x88, s3;
	s6 =	simm.s32 @!p1 $0x1082;
	[sflag:s4] =	ssyncset.s32 $0xFFFFF086  }
0x25: {  	[simem:s6], [sflag:s4] =	dma.local [hbm:s3], $0xF7A  }
0x26: {  	[smem:$0x3F94] =	sst s1;
	(tag) =	ssettag s2;
	_ =	strace s9  }
0x27: {  	s1 =	sld [smem:$0x3FA4]  }
0x28: {  	s2 =	sld [smem:$0x3FA5]  }
0x29: {  	s4 =	sld [smem:$0x3FA7]  }
0x2a: {  	p0 =	seq.s32 s5, $0x0;
	s5 =	sld [smem:$0x3FA8]  }
0x2b: {  	s6 =	sld [smem:$0x3FA9]  }
0x2c: {  	s7 =	sld [smem:$0x3FAA]  }
0x2d: {  	s3 =	simm.s32 $0x108;
	s8 =	sld [smem:$0x3FAB]  }
0x2e: {  	s3 =	simm.s32 @!p0 $0x1082;
	s9 =	sld [smem:$0x3FAC]  }
0x2f: {  	lr =	sadd.s32 s0, s3;
	s0 =	sld [smem:$0x3FA3]  }
0x30: {  	s3 =	sld [smem:$0x3FA6]  }
0x31: {  	[smem:$0x3FAF] =	sst s10  }
0x32: {  	s10 =	sld [smem:$0x3FAD];
	_ =	sdelay $0x3  }
0x33: {  	p0 =	seq.s32 s10, $0x1;
	s10 =	sld [smem:$0x3FAF];
	_ =	sdelay $0x3  }
0x34: {  	[smem:$0x3FAF] =	sst s10  }
0x35: {  	s10 =	sld [smem:$0x3FAE];
	_ =	sdelay $0x3  }
0x36: {  	p1 =	seq.s32 s10, $0x1;
	s10 =	sld [smem:$0x3FAF];
	_ =	sdelay $0x3  }
0x37: {  	[smem:$0x3FAF] =	sst s10  }
0x38: {  	s10 =	sld [smem:$0x3FB0]  }
0x39: {  	_ = 	snop;
	(pc) =	sbr.ind lr, $3  }
0x3a: {  	_ = 	snop  }
0x3b: {  	_ = 	snop  }
0x3c: {  	p2 =	seq.s32 s10, $0x1;
	s10 =	sld [smem:$0x3FAF]  }
0x3d: {  	_ =	shalt  }
0x3e: {  	_ =	shalt  }
0x3f: {  	_ =	shalt  }
0x40: {  	_ =	shalt  }
0x41: {  	_ =	shalt  }
0x42: {  	_ =	shalt  }
0x43: {  	_ =	shalt  }
0x44: {  	_ =	shalt  }
0x45: {  	_ =	shalt  }
0x46: {  	_ =	shalt  }
0x47: {  	_ =	shalt  }
0x48: {  	_ =	shalt  }
0x49: {  	_ =	shalt  }
0x4a: {  	_ =	shalt  }
0x4b: {  	_ =	shalt  }
0x4c: {  	_ =	shalt  }
0x4d: {  	_ =	shalt  }
0x4e: {  	_ =	shalt  }
0x4f: {  	_ =	shalt  }
0x50: {  	_ =	shalt  }
0x51: {  	_ =	shalt  }
0x52: {  	_ =	shalt  }
0x53: {  	_ =	shalt  }
0x54: {  	_ =	shalt  }
0x55: {  	_ =	shalt  }
0x56: {  	_ =	shalt  }
0x57: {  	_ =	shalt  }
0x58: {  	_ =	shalt  }
0x59: {  	_ =	shalt  }
0x5a: {  	_ =	shalt  }
0x5b: {  	_ =	shalt  }
0x5c: {  	_ =	shalt  }
0x5d: {  	_ =	shalt  }
0x5e: {  	_ =	shalt  }
0x5f: {  	_ =	shalt  }
0x60: {  	_ =	shalt  }
0x61: {  	_ =	shalt  }
0x62: {  	_ =	shalt  }
0x63: {  	_ =	shalt  }
0x64: {  	_ =	shalt  }
0x65: {  	_ =	shalt  }
0x66: {  	_ =	shalt  }
0x67: {  	_ =	shalt  }
0x68: {  	_ =	shalt  }
0x69: {  	_ =	shalt  }
0x6a: {  	_ =	shalt  }
0x6b: {  	_ =	shalt  }
0x6c: {  	_ =	shalt  }
0x6d: {  	_ =	shalt  }
0x6e: {  	_ =	shalt  }
0x6f: {  	_ =	shalt  }
0x70: {  	_ =	shalt  }
0x71: {  	_ =	shalt  }
0x72: {  	_ =	shalt  }
0x73: {  	_ =	shalt  }
0x74: {  	_ =	shalt  }
0x75: {  	_ =	shalt  }
0x76: {  	_ =	shalt  }
0x77: {  	_ =	shalt  }
0x78: {  	_ =	shalt  }
0x79: {  	_ =	shalt  }
0x7a: {  	_ =	shalt  }
0x7b: {  	_ =	shalt  }
0x7c: {  	_ =	shalt  }
0x7d: {  	_ =	shalt  }
0x7e: {  	_ =	shalt  }
0x7f: {  	_ =	shalt  }
0x80: {  	_ =	shalt  }
0x81: {  	_ =	shalt  }
0x82: {  	_ =	shalt  }
0x83: {  	_ =	shalt  }
0x84: {  	_ =	shalt  }
0x85: {  	_ =	shalt  }
0x86: {  	_ =	shalt  }
0x87: {  	_ =	shalt  }
.Lfunc_end0:
.L_simem_size_0:
called_computation_lowered:
.L_overlay_start_0:
0x88: {  	s2 =	sld [smem:$0x3FD9]  }
0x89: {  	s3 =	sld [smem:$0x3FFE];
	_ =	sdelay $0x1  }
0x8a: {  	s1 =	srdreg.scid  }
0x8b: {  	s0 =	sand.u32 $0x1, s1  }
0x8c: {  	s14 =	sshll.u32 s0, $0xA;
	s2 =	sadd.s32 s3, s2  }
0x8d: {  	s2 =	sadd.s32 s2, s14  }
0x8e: {  	[smem:$0x3FBB] =	sst s2  }
0x8f: {  	_ = 	snop  }
0x90: {  	s2 =	sld [smem:$0x3FD0];
	_ =	sdelay $0x2  }
0x91: {  	s15 =	simm.s32 $0xB;
	s4 =	simm.s32 $0x10  }
0x92: {  	[smem:s4], [sflag:s15] =	dma.local [hbm:s2], $0x1  }
0x93: {  	_ =	swait.eq [sflag:s15], $0x1  }
0x94: {  	[sflag:s15] =	ssyncset.done $0x0  }
0x95: {  	[sflag:s15] =	ssyncadd.s32 $0xFFFFFFFF  }
0x96: {  	s16 =	sld [smem:$0x10];
	(tm) =	ssettm $0x1  }
0x97: {  	s17 =	sld [smem:$0x3FFB];
	_ =	sdelay $0x3  }
0x98: {  	_ =	strace s17  }
0x99: {  	s3 =	sld [smem:$0x3FFC];
	_ =	sdelay $0x3  }
0x9a: {  	_ =	strace s3  }
0x9b: {  	s3 =	sld [smem:$0x3FFD];
	_ =	sdelay $0x3  }
0x9c: {  	_ =	strace s3  }
0x9d: {  	_ =	strace $0x8FFFFFFF  }
0x9e: {  	s18 =	sld [smem:$0x3FDB];
	_ =	sdelay $0x1  }
0x9f: {  	s19 =	simm.s32 $_scs_section_size  }
0xa0: {  	s5 =	simm.s32 $_size__tile_overlayer_lowered;
	s6 =	simm.s32 $_tile_overlayer_lowered  }
0xa1: {  	s22 =	simm.s32 $0x1BFF;
	s21 =	sshll.u32 s6, $0x1;
	s3 =	sadd.s32 s19, s18  }
0xa2: {  	s7 =	simm.s32 $0x0;
	s20 =	sshll.u32 s5, $0x1;
	s5 =	sadd.s32 s21, s3  }
0xa3: {  	[timem:s7], [sflag:s22] =	dma.local [hbm:s5], s20  }
0xa4: {  	_ =	swait.ge [sflag:s22], s20  }
0xa5: {  	s4 =	ssub.s32 $0x0, s20;
	[sflag:s22] =	ssyncset.done $0x0  }
0xa6: {  	[sflag:s22] =	ssyncadd.s32 s4;
	_ =	sdelay $0x1  }
0xa7: {  	s23 =	simm.s32 $0x1B8B  }
0xa8: {  	_ =	swait.ge [sflag:s23], $0x1  }
0xa9: {  	[sflag:s23] =	ssyncset.done $0x0  }
0xaa: {  	s25 =	simm.s32 $0x1B8E;
	s24 =	sld [smem:$0x3FFE];
	[sflag:s23] =	ssyncadd.s32 $0xFFFFFFFF  }
0xab: {  	s26 =	simm.s32 $execute0_lowered;
	[smem:$0x3FD2] =	sst s25  }
0xac: {  	s5 =	sshll.u32 s26, $0x1;
	_ =	strace $0x80000046;
	[dreg:$0x1] =	wrdreg $0xFFFFFFFF  }
0xad: {  	s28 =	simm.s32 $_size_execute0_lowered;
	s3 =	sadd.s32 s3, s5;
	[dreg:$0x0] =	wrdreg $0x0  }
0xae: {  	s5 =	sshll.u32 s28, $0x1;
	[dreg:$0x2] =	wrdreg s3  }
0xaf: {  	[dreg:$0x3] =	wrdreg s5  }
0xb0: {  	[dreg:$0x4] =	wrdreg $0xC0  }
0xb1: {  	_ =	task [dreg:s7], $0x5FFFF  }
0xb2: {  	[dreg:$0x1] =	wrdreg $0xFFFFFFFF  }
0xb3: {  	[dreg:$0x0] =	wrdreg $0x60  }
0xb4: {  	[dreg:$0x2] =	wrdreg s24  }
0xb5: {  	[dreg:$0x3] =	wrdreg s16  }
0xb6: {  	[dreg:$0x4] =	wrdreg $0x9  }
0xb7: {  	_ =	task.clear_ibuf [dreg:s7], $0x5FFFF;
	_ =	strace $0x90000046  }
0xb8: {  	s29 =	simm.s32 $0x9;
	_ =	strace $0x80000048  }
0xb9: {  	_ =	swait.ge [sflag:s29], $0x1  }
0xba: {  	[sflag:s29] =	ssyncadd.s32 $0xFFFFFFFF  }
0xbb: {  	_ =	strace $0x90000048  }
0xbc: {  	_ =	sfence  }
0xbd: {  	s30 =	sld [smem:$0x0];
	_ =	sdelay $0x2  }
0xbe: {  	s31 =	sshll.u32 s1, $0xD;
	s1 =	sshrl.u32 s1, $0x2  }
0xbf: {  	s3 =	sand.u32 $0x4000, s31;
	s1 =	sadd.s32 s1, s30  }
0xc0: {  	s0 =	sor.u32 s3, s0;
	s1 =	sshll.u32 s1, $0x11  }
0xc1: {  	s0 =	sor.u32 s1, s0  }
0xc2: {  	s0 =	sadd.s32 $0x8F2B, s0  }
0xc3: {  	[sflag:s0] =	ssyncadd.remote.s32 $0x1  }
0xc4: {  	_ =	sfence.sel $0xFFFF  }
0xc5: {  	[dreg:$0x0] =	wrdreg $0xFFFFFFFF;
	(pc) =	sbr.abs _section_cstart, $3  }
0xc6: {  	[dreg:$0x1] =	wrdreg $0xFFFFFFFF  }
0xc7: {  	_ =	task.clear_ibuf [dreg:s7], $0x2FFFF;
	_ =	strace $0x9FFFFFFF  }
0xc8: {  	(tm) =	ssettm $0x7FFFFFFF  }
0xc9: {  	_ =	shalt  }
tec
execute0_lowered:
.L_overlay_start_1:
0x0: {  	(tag) =	ssettag $0x1  }
0x1: {  	s0 =	srdreg.scid;
	s1 =	rddreg [dreg:$0x0]  }
0x2: {  	s2 =	stileid.u32;
	s3 =	rddreg [dreg:$0x1];
	s8 =	simm.s32 $0x3  }
0x3: {  	s9 =	simm.s32 $0x100;
	s18 =	simm.s32 $0x1;
	s19 =	simm.s32 $0x2  }
0x4: {  	s28 =	simm.s32 $0x3100;
	s29 =	simm.s32 $0x3900;
	s30 =	simm.s32 $0x4100  }
0x5: {  	s31 =	simm.s32 $0x4900;
	s16 =	simm.s32 $0x5100;
	s0 =	sand.u32 $0x1, s0  }
0x6: {  	s15 =	simm.s32 $0x5900;
	s4 =	sshll.u32 s2, $0x9;
	s5 =	sshll.u32 s0, $0x8  }
0x7: {  	s11 =	simm.s32 $0x6900;
	s12 =	simm.s32 $0x7100;
	s4 =	sor.u32 s5, s4  }
0x8: {  	s2 =	simm.s32 $0x0;
	s5 =	sshll.u32 s4, $0x7;
	s4 =	sshrl.u32 s4, $0x3  }
0x9: {  	[smem:$0x7FF] =	sst s2;
	s5 =	sadd.s32 s5, s1;
	s3 =	sadd.s32 s3, s4  }
0xa: {  	_ =	strace $0x80000047;
	[dreg:$0x3] =	wrdreg s3;
	s20 =	sadd.s32 $0x102800, s5  }
0xb: {  	s13 =	simm.s32 $0x7900;
	s21 =	sadd.s32 $0x103800, s5;
	[dreg:$0x4] =	wrdreg s20  }
0xc: {  	s0 =	ssub.s32 $0x2, s0;
	s22 =	sadd.s32 $0x104800, s5;
	[dreg:$0x5] =	wrdreg s21  }
0xd: {  	s6 =	sshrl.u32 s0, $0x1;
	s23 =	sadd.s32 $0x105800, s5;
	[dreg:$0x6] =	wrdreg s22  }
0xe: {  	s0 =	ssub.s32 s0, s6;
	s24 =	sadd.s32 $0x106800, s5;
	[dreg:$0x7] =	wrdreg s23  }
0xf: {  	s6 =	sadd.s32 $0x2B00, s1;
	s25 =	sadd.s32 $0x107800, s5;
	[dreg:$0x8] =	wrdreg s24  }
0x10: {  	s4 =	sadd.s32 $0x2900, s1;
	s26 =	sadd.s32 $0x108800, s5;
	[dreg:$0x9] =	wrdreg s25  }
0x11: {  	s3 =	sadd.s32 $0x2800, s1;
	s7 =	sadd.s32 $0x109800, s5;
	[dreg:$0xa] =	wrdreg s26  }
0x12: {  	v2 =	vlaneseq.u32;
	s5 =	sadd.s32 $0x2A00, s1;
	[dreg:$0xb] =	wrdreg s7;
	s7 =	smax.u32 s0, $0x1  }
0x13: {  	vm0 =	vmmov $0xffff;
	v1 =	vshrl.u32 v2, $0x3;
	s25 =	simm.s32 $0x8100;
	s21 =	simm.s32 $0x900;
	s22 =	simm.s32 $0x1100  }
0x14: {  	v0 =	vand.u32 $0x7, v2;
	v2 =	vor.u32 $0x8, v2;
	v1 =	vmul.u32 $0x8, v1;
	s23 =	simm.s32 $0x1900;
	s24 =	simm.s32 $0x2100;
	s26 =	simm.s32 $0x2900  }
.LBB2_1:
0x15: {  	s20 =	rddreg [dreg:$0x3]  }
0x16: {  	[tilespmem:s2], [sflag:$0x3] =	stream.linear.gather [hbm4b:s20+s2], $0x100, $0x38;
	[tilespmem:$0x10100] =	vst v63  }
0x17: {  	_ =	swait.ge [sflag:s8], $0x100  }
0x18: {  	[sflag:s8] =	ssyncset.done $0x0  }
0x19: {  	[sflag:s8] =	ssyncadd.s32 $0xFFFFFF00  }
0x1a: {  	v3 =	vld [tilespmem:$0x0];
	_ =	sdelay $0x4  }
0x1b: {  	v4 =	vshll.u32 v3, $0x3  }
0x1c: {  	v3 =	vand.u32 $0x7, v3;
	v4 =	vand.u32 $0xFFFFFFC0, v4  }
0x1d: {  	v3 =	vor.u32 v3, v4  }
0x1e: {  	v4 =	vperm.xlane v3, v0;
	_ =	sdelay $0x1  }
0x1f: {  	v4 =	vadd.s32 v1, v4;
	_ =	sdelay $0x4  }
0x20: {  	[tilespmem:s9], [sflag:$0x1] =	stream.indirect_vreg.gather [hbm4b:s3+s2], $0x80, v4, vm0, $0xb8;
	[tilespmem:$0x10100] =	vst v63  }
0x21: {  	v3 =	vperm.xlane v3, v2  }
0x22: {  	[tilespmem:s21], [sflag:$0x1] =	stream.indirect_vreg.gather [hbm4b:s4+s2], $0x80, v4, vm0, $0xb8;
	[tilespmem:$0x10100] =	vst v63  }
0x23: {  	v3 =	vadd.s32 v1, v3  }
0x24: {  	[tilespmem:s22], [sflag:$0x1] =	stream.indirect_vreg.gather [hbm4b:s5+s2], $0x80, v4, vm0, $0xb8;
	[tilespmem:$0x10100] =	vst v63  }
0x25: {  	_ = 	snop  }
0x26: {  	[tilespmem:s23], [sflag:$0x1] =	stream.indirect_vreg.gather [hbm4b:s6+s2], $0x80, v4, vm0, $0xb8;
	[tilespmem:$0x10100] =	vst v63  }
0x27: {  	_ = 	snop  }
0x28: {  	[tilespmem:s24], [sflag:$0x1] =	stream.indirect_vreg.gather [hbm4b:s3+s2], $0x80, v3, vm0, $0xb8;
	[tilespmem:$0x10100] =	vst v63  }
0x29: {  	_ = 	snop  }
0x2a: {  	[tilespmem:s26], [sflag:$0x1] =	stream.indirect_vreg.gather [hbm4b:s4+s2], $0x80, v3, vm0, $0xb8;
	[tilespmem:$0x10100] =	vst v63  }
0x2b: {  	_ = 	snop  }
0x2c: {  	[tilespmem:s28], [sflag:$0x1] =	stream.indirect_vreg.gather [hbm4b:s5+s2], $0x80, v3, vm0, $0xb8;
	[tilespmem:$0x10100] =	vst v63  }
0x2d: {  	_ = 	snop  }
0x2e: {  	[tilespmem:s29], [sflag:$0x1] =	stream.indirect_vreg.gather [hbm4b:s6+s2], $0x80, v3, vm0, $0xb8;
	[tilespmem:$0x10100] =	vst v63  }
0x2f: {  	v3 =	vld [tilespmem:$0x10];
	_ =	sdelay $0x4  }
0x30: {  	v49 =	vshll.u32 v3, $0x3  }
0x31: {  	v3 =	vand.u32 $0x7, v3;
	v4 =	vand.u32 $0xFFFFFFC0, v49  }
0x32: {  	v3 =	vor.u32 v3, v4  }
0x33: {  	v4 =	vperm.xlane v3, v0;
	_ =	sdelay $0x1  }
0x34: {  	v4 =	vadd.s32 v1, v4;
	_ =	sdelay $0x4  }
0x35: {  	[tilespmem:s30], [sflag:$0x1] =	stream.indirect_vreg.gather [hbm4b:s3+s2], $0x80, v4, vm0, $0xb8;
	[tilespmem:$0x10100] =	vst v63  }
0x36: {  	v3 =	vperm.xlane v3, v2  }
0x37: {  	[tilespmem:s31], [sflag:$0x1] =	stream.indirect_vreg.gather [hbm4b:s4+s2], $0x80, v4, vm0, $0xb8;
	[tilespmem:$0x10100] =	vst v63  }
0x38: {  	v3 =	vadd.s32 v1, v3  }
0x39: {  	[tilespmem:s16], [sflag:$0x1] =	stream.indirect_vreg.gather [hbm4b:s5+s2], $0x80, v4, vm0, $0xb8;
	[tilespmem:$0x10100] =	vst v63  }
0x3a: {  	_ = 	snop  }
0x3b: {  	[tilespmem:s15], [sflag:$0x1] =	stream.indirect_vreg.gather [hbm4b:s6+s2], $0x80, v4, vm0, $0xb8;
	[tilespmem:$0x10100] =	vst v63  }
0x3c: {  	s10 =	simm.s32 $0x6100  }
0x3d: {  	[tilespmem:s10], [sflag:$0x1] =	stream.indirect_vreg.gather [hbm4b:s3+s2], $0x80, v3, vm0, $0xb8;
	[tilespmem:$0x10100] =	vst v63  }
0x3e: {  	_ = 	snop  }
0x3f: {  	[tilespmem:s11], [sflag:$0x1] =	stream.indirect_vreg.gather [hbm4b:s4+s2], $0x80, v3, vm0, $0xb8;
	[tilespmem:$0x10100] =	vst v63  }
0x40: {  	_ = 	snop  }
0x41: {  	[tilespmem:s12], [sflag:$0x1] =	stream.indirect_vreg.gather [hbm4b:s5+s2], $0x80, v3, vm0, $0xb8;
	[tilespmem:$0x10100] =	vst v63  }
0x42: {  	_ = 	snop  }
0x43: {  	[tilespmem:s13], [sflag:$0x1] =	stream.indirect_vreg.gather [hbm4b:s6+s2], $0x80, v3, vm0, $0xb8;
	[tilespmem:$0x10100] =	vst v63  }
0x44: {  	v3 =	vld [tilespmem:$0x20];
	_ =	sdelay $0x4  }
0x45: {  	v50 =	vshll.u32 v3, $0x3  }
0x46: {  	v3 =	vand.u32 $0x7, v3;
	v4 =	vand.u32 $0xFFFFFFC0, v50  }
0x47: {  	v3 =	vor.u32 v3, v4  }
0x48: {  	v4 =	vperm.xlane v3, v0;
	_ =	sdelay $0x1  }
0x49: {  	v4 =	vadd.s32 v1, v4;
	_ =	sdelay $0x4  }
0x4a: {  	[tilespmem:s25], [sflag:$0x2] =	stream.indirect_vreg.gather [hbm4b:s3+s2], $0x80, v4, vm0, $0xb8;
	[tilespmem:$0x10100] =	vst v63  }
0x4b: {  	s14 =	simm.s32 $0x8900;
	v3 =	vperm.xlane v3, v2  }
0x4c: {  	[tilespmem:s14], [sflag:$0x2] =	stream.indirect_vreg.gather [hbm4b:s4+s2], $0x80, v4, vm0, $0xb8;
	[tilespmem:$0x10100] =	vst v63  }
0x4d: {  	s17 =	simm.s32 $0x9100;
	v3 =	vadd.s32 v1, v3  }
0x4e: {  	[tilespmem:s17], [sflag:$0x2] =	stream.indirect_vreg.gather [hbm4b:s5+s2], $0x80, v4, vm0, $0xb8;
	[tilespmem:$0x10100] =	vst v63  }
0x4f: {  	s20 =	simm.s32 $0x9900  }
0x50: {  	[tilespmem:s20], [sflag:$0x2] =	stream.indirect_vreg.gather [hbm4b:s6+s2], $0x80, v4, vm0, $0xb8;
	[tilespmem:$0x10100] =	vst v63  }
0x51: {  	s1 =	simm.s32 $0xA100  }
0x52: {  	[tilespmem:s1], [sflag:$0x2] =	stream.indirect_vreg.gather [hbm4b:s3+s2], $0x80, v3, vm0, $0xb8;
	[tilespmem:$0x10100] =	vst v63  }
0x53: {  	s17 =	simm.s32 $0xA900  }
0x54: {  	[tilespmem:s17], [sflag:$0x2] =	stream.indirect_vreg.gather [hbm4b:s4+s2], $0x80, v3, vm0, $0xb8;
	[tilespmem:$0x10100] =	vst v63  }
0x55: {  	s1 =	simm.s32 $0xB100  }
0x56: {  	[tilespmem:s1], [sflag:$0x2] =	stream.indirect_vreg.gather [hbm4b:s5+s2], $0x80, v3, vm0, $0xb8;
	[tilespmem:$0x10100] =	vst v63  }
0x57: {  	s14 =	simm.s32 $0xB900  }
0x58: {  	[tilespmem:s14], [sflag:$0x2] =	stream.indirect_vreg.gather [hbm4b:s6+s2], $0x80, v3, vm0, $0xb8;
	[tilespmem:$0x10100] =	vst v63  }
0x59: {  	v3 =	vld [tilespmem:$0x30];
	_ =	sdelay $0x4  }
0x5a: {  	v51 =	vshll.u32 v3, $0x3  }
0x5b: {  	v3 =	vand.u32 $0x7, v3;
	v4 =	vand.u32 $0xFFFFFFC0, v51  }
0x5c: {  	v3 =	vor.u32 v3, v4  }
0x5d: {  	v4 =	vperm.xlane v3, v0;
	_ =	sdelay $0x1  }
0x5e: {  	v4 =	vadd.s32 v1, v4;
	_ =	sdelay $0x3  }
0x5f: {  	s17 =	simm.s32 $0xC100  }
0x60: {  	[tilespmem:s17], [sflag:$0x2] =	stream.indirect_vreg.gather [hbm4b:s3+s2], $0x80, v4, vm0, $0xb8;
	[tilespmem:$0x10100] =	vst v63  }
0x61: {  	s1 =	simm.s32 $0xC900;
	v3 =	vperm.xlane v3, v2  }
0x62: {  	[tilespmem:s1], [sflag:$0x2] =	stream.indirect_vreg.gather [hbm4b:s4+s2], $0x80, v4, vm0, $0xb8;
	[tilespmem:$0x10100] =	vst v63  }
0x63: {  	v3 =	vadd.s32 v1, v3;
	s1 =	simm.s32 $0xD100  }
0x64: {  	[tilespmem:s1], [sflag:$0x2] =	stream.indirect_vreg.gather [hbm4b:s5+s2], $0x80, v4, vm0, $0xb8;
	[tilespmem:$0x10100] =	vst v63  }
0x65: {  	s1 =	simm.s32 $0xD900  }
0x66: {  	[tilespmem:s1], [sflag:$0x2] =	stream.indirect_vreg.gather [hbm4b:s6+s2], $0x80, v4, vm0, $0xb8;
	[tilespmem:$0x10100] =	vst v63  }
0x67: {  	s1 =	simm.s32 $0xE100  }
0x68: {  	[tilespmem:s1], [sflag:$0x2] =	stream.indirect_vreg.gather [hbm4b:s3+s2], $0x80, v3, vm0, $0xb8;
	[tilespmem:$0x10100] =	vst v63  }
0x69: {  	s1 =	simm.s32 $0xE900  }
0x6a: {  	[tilespmem:s1], [sflag:$0x2] =	stream.indirect_vreg.gather [hbm4b:s4+s2], $0x80, v3, vm0, $0xb8;
	[tilespmem:$0x10100] =	vst v63  }
0x6b: {  	s1 =	simm.s32 $0xF100  }
0x6c: {  	[tilespmem:s1], [sflag:$0x2] =	stream.indirect_vreg.gather [hbm4b:s5+s2], $0x80, v3, vm0, $0xb8;
	[tilespmem:$0x10100] =	vst v63  }
0x6d: {  	s1 =	simm.s32 $0xF900  }
0x6e: {  	[tilespmem:s1], [sflag:$0x2] =	stream.indirect_vreg.gather [hbm4b:s6+s2], $0x80, v3, vm0, $0xb8;
	[tilespmem:$0x10100] =	vst v63  }
0x6f: {  	_ =	swait.ge [sflag:s18], $0x8000  }
0x70: {  	[sflag:s18] =	ssyncset.done $0x0  }
0x71: {  	s1 =	rddreg [dreg:$0x4];
	[sflag:s18] =	ssyncadd.s32 $0xFFFF8000  }
0x72: {  	[hbm4b:s1+s2] =	stream.linear.scatter [tilespmem:s9], [sflag:$0x3], $0x8000, $0x38;
	[tilespmem:$0x10100] =	vst v63  }
0x73: {  	_ =	swait.ge [sflag:s8], $0x8000  }
0x74: {  	[sflag:s8] =	ssyncset.done $0x0  }
0x75: {  	[sflag:s8] =	ssyncadd.s32 $0xFFFF8000  }
0x76: {  	v3 =	vld [tilespmem:$0x40];
	_ =	sdelay $0x4  }
0x77: {  	v52 =	vshll.u32 v3, $0x3  }
0x78: {  	v3 =	vand.u32 $0x7, v3;
	v4 =	vand.u32 $0xFFFFFFC0, v52  }
0x79: {  	v3 =	vor.u32 v3, v4  }
0x7a: {  	v4 =	vperm.xlane v3, v0;
	_ =	sdelay $0x1  }
0x7b: {  	v4 =	vadd.s32 v1, v4;
	_ =	sdelay $0x4  }
0x7c: {  	[tilespmem:s9], [sflag:$0x1] =	stream.indirect_vreg.gather [hbm4b:s3+s2], $0x80, v4, vm0, $0xb8;
	[tilespmem:$0x10100] =	vst v63  }
0x7d: {  	v3 =	vperm.xlane v3, v2  }
0x7e: {  	[tilespmem:s21], [sflag:$0x1] =	stream.indirect_vreg.gather [hbm4b:s4+s2], $0x80, v4, vm0, $0xb8;
	[tilespmem:$0x10100] =	vst v63  }
0x7f: {  	v3 =	vadd.s32 v1, v3  }
0x80: {  	[tilespmem:s22], [sflag:$0x1] =	stream.indirect_vreg.gather [hbm4b:s5+s2], $0x80, v4, vm0, $0xb8;
	[tilespmem:$0x10100] =	vst v63  }
0x81: {  	_ = 	snop  }
0x82: {  	[tilespmem:s23], [sflag:$0x1] =	stream.indirect_vreg.gather [hbm4b:s6+s2], $0x80, v4, vm0, $0xb8;
	[tilespmem:$0x10100] =	vst v63  }
0x83: {  	_ = 	snop  }
0x84: {  	[tilespmem:s24], [sflag:$0x1] =	stream.indirect_vreg.gather [hbm4b:s3+s2], $0x80, v3, vm0, $0xb8;
	[tilespmem:$0x10100] =	vst v63  }
0x85: {  	_ = 	snop  }
0x86: {  	[tilespmem:s26], [sflag:$0x1] =	stream.indirect_vreg.gather [hbm4b:s4+s2], $0x80, v3, vm0, $0xb8;
	[tilespmem:$0x10100] =	vst v63  }
0x87: {  	_ = 	snop  }
0x88: {  	[tilespmem:s28], [sflag:$0x1] =	stream.indirect_vreg.gather [hbm4b:s5+s2], $0x80, v3, vm0, $0xb8;
	[tilespmem:$0x10100] =	vst v63  }
0x89: {  	_ = 	snop  }
0x8a: {  	[tilespmem:s29], [sflag:$0x1] =	stream.indirect_vreg.gather [hbm4b:s6+s2], $0x80, v3, vm0, $0xb8;
	[tilespmem:$0x10100] =	vst v63  }
0x8b: {  	v3 =	vld [tilespmem:$0x50];
	_ =	sdelay $0x4  }
0x8c: {  	v53 =	vshll.u32 v3, $0x3  }
0x8d: {  	v3 =	vand.u32 $0x7, v3;
	v4 =	vand.u32 $0xFFFFFFC0, v53  }
0x8e: {  	v3 =	vor.u32 v3, v4  }
0x8f: {  	v4 =	vperm.xlane v3, v0;
	_ =	sdelay $0x1  }
0x90: {  	v4 =	vadd.s32 v1, v4;
	_ =	sdelay $0x4  }
0x91: {  	[tilespmem:s30], [sflag:$0x1] =	stream.indirect_vreg.gather [hbm4b:s3+s2], $0x80, v4, vm0, $0xb8;
	[tilespmem:$0x10100] =	vst v63  }
0x92: {  	v3 =	vperm.xlane v3, v2  }
0x93: {  	[tilespmem:s31], [sflag:$0x1] =	stream.indirect_vreg.gather [hbm4b:s4+s2], $0x80, v4, vm0, $0xb8;
	[tilespmem:$0x10100] =	vst v63  }
0x94: {  	v3 =	vadd.s32 v1, v3  }
0x95: {  	[tilespmem:s16], [sflag:$0x1] =	stream.indirect_vreg.gather [hbm4b:s5+s2], $0x80, v4, vm0, $0xb8;
	[tilespmem:$0x10100] =	vst v63  }
0x96: {  	_ = 	snop  }
0x97: {  	[tilespmem:s15], [sflag:$0x1] =	stream.indirect_vreg.gather [hbm4b:s6+s2], $0x80, v4, vm0, $0xb8;
	[tilespmem:$0x10100] =	vst v63  }
0x98: {  	_ = 	snop  }
0x99: {  	[tilespmem:s10], [sflag:$0x1] =	stream.indirect_vreg.gather [hbm4b:s3+s2], $0x80, v3, vm0, $0xb8;
	[tilespmem:$0x10100] =	vst v63  }
0x9a: {  	_ = 	snop  }
0x9b: {  	[tilespmem:s11], [sflag:$0x1] =	stream.indirect_vreg.gather [hbm4b:s4+s2], $0x80, v3, vm0, $0xb8;
	[tilespmem:$0x10100] =	vst v63  }
0x9c: {  	_ = 	snop  }
0x9d: {  	[tilespmem:s12], [sflag:$0x1] =	stream.indirect_vreg.gather [hbm4b:s5+s2], $0x80, v3, vm0, $0xb8;
	[tilespmem:$0x10100] =	vst v63  }
0x9e: {  	_ = 	snop  }
0x9f: {  	[tilespmem:s13], [sflag:$0x1] =	stream.indirect_vreg.gather [hbm4b:s6+s2], $0x80, v3, vm0, $0xb8;
	[tilespmem:$0x10100] =	vst v63  }
0xa0: {  	_ =	swait.ge [sflag:s19], $0x8000  }
0xa1: {  	[sflag:s19] =	ssyncset.done $0x0  }
0xa2: {  	s1 =	rddreg [dreg:$0x5];
	[sflag:s19] =	ssyncadd.s32 $0xFFFF8000  }
0xa3: {  	[hbm4b:s1+s2] =	stream.linear.scatter [tilespmem:s25], [sflag:$0x3], $0x8000, $0x38;
	[tilespmem:$0x10100] =	vst v63  }
0xa4: {  	_ =	swait.ge [sflag:s8], $0x8000  }
0xa5: {  	[sflag:s8] =	ssyncset.done $0x0  }
0xa6: {  	[sflag:s8] =	ssyncadd.s32 $0xFFFF8000  }
0xa7: {  	v3 =	vld [tilespmem:$0x60];
	_ =	sdelay $0x4  }
0xa8: {  	v54 =	vshll.u32 v3, $0x3  }
0xa9: {  	v3 =	vand.u32 $0x7, v3;
	v4 =	vand.u32 $0xFFFFFFC0, v54  }
0xaa: {  	v3 =	vor.u32 v3, v4  }
0xab: {  	v4 =	vperm.xlane v3, v0;
	_ =	sdelay $0x1  }
0xac: {  	v4 =	vadd.s32 v1, v4;
	_ =	sdelay $0x4  }
0xad: {  	[tilespmem:s25], [sflag:$0x2] =	stream.indirect_vreg.gather [hbm4b:s3+s2], $0x80, v4, vm0, $0xb8;
	[tilespmem:$0x10100] =	vst v63  }
0xae: {  	s0 =	simm.s32 $0x8900;
	v3 =	vperm.xlane v3, v2  }
0xaf: {  	[tilespmem:s0], [sflag:$0x2] =	stream.indirect_vreg.gather [hbm4b:s4+s2], $0x80, v4, vm0, $0xb8;
	[tilespmem:$0x10100] =	vst v63  }
0xb0: {  	v3 =	vadd.s32 v1, v3;
	s0 =	simm.s32 $0x9100  }
0xb1: {  	[tilespmem:s0], [sflag:$0x2] =	stream.indirect_vreg.gather [hbm4b:s5+s2], $0x80, v4, vm0, $0xb8;
	[tilespmem:$0x10100] =	vst v63  }
0xb2: {  	s1 =	simm.s32 $0x9900  }
0xb3: {  	[tilespmem:s1], [sflag:$0x2] =	stream.indirect_vreg.gather [hbm4b:s6+s2], $0x80, v4, vm0, $0xb8;
	[tilespmem:$0x10100] =	vst v63  }
0xb4: {  	s20 =	simm.s32 $0xA100  }
0xb5: {  	[tilespmem:s20], [sflag:$0x2] =	stream.indirect_vreg.gather [hbm4b:s3+s2], $0x80, v3, vm0, $0xb8;
	[tilespmem:$0x10100] =	vst v63  }
0xb6: {  	s20 =	simm.s32 $0xA900  }
0xb7: {  	[tilespmem:s20], [sflag:$0x2] =	stream.indirect_vreg.gather [hbm4b:s4+s2], $0x80, v3, vm0, $0xb8;
	[tilespmem:$0x10100] =	vst v63  }
0xb8: {  	s20 =	simm.s32 $0xB100  }
0xb9: {  	[tilespmem:s20], [sflag:$0x2] =	stream.indirect_vreg.gather [hbm4b:s5+s2], $0x80, v3, vm0, $0xb8;
	[tilespmem:$0x10100] =	vst v63  }
0xba: {  	s14 =	simm.s32 $0xB900  }
0xbb: {  	[tilespmem:s14], [sflag:$0x2] =	stream.indirect_vreg.gather [hbm4b:s6+s2], $0x80, v3, vm0, $0xb8;
	[tilespmem:$0x10100] =	vst v63  }
0xbc: {  	v3 =	vld [tilespmem:$0x70];
	_ =	sdelay $0x4  }
0xbd: {  	v55 =	vshll.u32 v3, $0x3  }
0xbe: {  	v3 =	vand.u32 $0x7, v3;
	v4 =	vand.u32 $0xFFFFFFC0, v55  }
0xbf: {  	v3 =	vor.u32 v3, v4  }
0xc0: {  	v4 =	vperm.xlane v3, v0;
	_ =	sdelay $0x1  }
0xc1: {  	v4 =	vadd.s32 v1, v4;
	_ =	sdelay $0x3  }
0xc2: {  	s17 =	simm.s32 $0xC100  }
0xc3: {  	[tilespmem:s17], [sflag:$0x2] =	stream.indirect_vreg.gather [hbm4b:s3+s2], $0x80, v4, vm0, $0xb8;
	[tilespmem:$0x10100] =	vst v63  }
0xc4: {  	s20 =	simm.s32 $0xC900;
	v3 =	vperm.xlane v3, v2  }
0xc5: {  	[tilespmem:s20], [sflag:$0x2] =	stream.indirect_vreg.gather [hbm4b:s4+s2], $0x80, v4, vm0, $0xb8;
	[tilespmem:$0x10100] =	vst v63  }
0xc6: {  	v3 =	vadd.s32 v1, v3;
	s17 =	simm.s32 $0xD100  }
0xc7: {  	[tilespmem:s17], [sflag:$0x2] =	stream.indirect_vreg.gather [hbm4b:s5+s2], $0x80, v4, vm0, $0xb8;
	[tilespmem:$0x10100] =	vst v63  }
0xc8: {  	s20 =	simm.s32 $0xD900  }
0xc9: {  	[tilespmem:s20], [sflag:$0x2] =	stream.indirect_vreg.gather [hbm4b:s6+s2], $0x80, v4, vm0, $0xb8;
	[tilespmem:$0x10100] =	vst v63  }
0xca: {  	s17 =	simm.s32 $0xE100  }
0xcb: {  	[tilespmem:s17], [sflag:$0x2] =	stream.indirect_vreg.gather [hbm4b:s3+s2], $0x80, v3, vm0, $0xb8;
	[tilespmem:$0x10100] =	vst v63  }
0xcc: {  	s20 =	simm.s32 $0xE900  }
0xcd: {  	[tilespmem:s20], [sflag:$0x2] =	stream.indirect_vreg.gather [hbm4b:s4+s2], $0x80, v3, vm0, $0xb8;
	[tilespmem:$0x10100] =	vst v63  }
0xce: {  	s17 =	simm.s32 $0xF100  }
0xcf: {  	[tilespmem:s17], [sflag:$0x2] =	stream.indirect_vreg.gather [hbm4b:s5+s2], $0x80, v3, vm0, $0xb8;
	[tilespmem:$0x10100] =	vst v63  }
0xd0: {  	s20 =	simm.s32 $0xF900  }
0xd1: {  	[tilespmem:s20], [sflag:$0x2] =	stream.indirect_vreg.gather [hbm4b:s6+s2], $0x80, v3, vm0, $0xb8;
	[tilespmem:$0x10100] =	vst v63  }
0xd2: {  	_ =	swait.ge [sflag:s18], $0x8000  }
0xd3: {  	[sflag:s18] =	ssyncset.done $0x0  }
0xd4: {  	s17 =	rddreg [dreg:$0x6];
	[sflag:s18] =	ssyncadd.s32 $0xFFFF8000  }
0xd5: {  	[hbm4b:s17+s2] =	stream.linear.scatter [tilespmem:s9], [sflag:$0x3], $0x8000, $0x38;
	[tilespmem:$0x10100] =	vst v63  }
0xd6: {  	_ =	swait.ge [sflag:s8], $0x8000  }
0xd7: {  	[sflag:s8] =	ssyncset.done $0x0  }
0xd8: {  	[sflag:s8] =	ssyncadd.s32 $0xFFFF8000  }
0xd9: {  	v3 =	vld [tilespmem:$0x80];
	_ =	sdelay $0x4  }
0xda: {  	v56 =	vshll.u32 v3, $0x3  }
0xdb: {  	v3 =	vand.u32 $0x7, v3;
	v4 =	vand.u32 $0xFFFFFFC0, v56  }
0xdc: {  	v3 =	vor.u32 v3, v4  }
0xdd: {  	v4 =	vperm.xlane v3, v0;
	_ =	sdelay $0x1  }
0xde: {  	v4 =	vadd.s32 v1, v4;
	_ =	sdelay $0x4  }
0xdf: {  	[tilespmem:s9], [sflag:$0x1] =	stream.indirect_vreg.gather [hbm4b:s3+s2], $0x80, v4, vm0, $0xb8;
	[tilespmem:$0x10100] =	vst v63  }
0xe0: {  	v3 =	vperm.xlane v3, v2  }
0xe1: {  	[tilespmem:s21], [sflag:$0x1] =	stream.indirect_vreg.gather [hbm4b:s4+s2], $0x80, v4, vm0, $0xb8;
	[tilespmem:$0x10100] =	vst v63  }
0xe2: {  	v3 =	vadd.s32 v1, v3  }
0xe3: {  	[tilespmem:s22], [sflag:$0x1] =	stream.indirect_vreg.gather [hbm4b:s5+s2], $0x80, v4, vm0, $0xb8;
	[tilespmem:$0x10100] =	vst v63  }
0xe4: {  	_ = 	snop  }
0xe5: {  	[tilespmem:s23], [sflag:$0x1] =	stream.indirect_vreg.gather [hbm4b:s6+s2], $0x80, v4, vm0, $0xb8;
	[tilespmem:$0x10100] =	vst v63  }
0xe6: {  	_ = 	snop  }
0xe7: {  	[tilespmem:s24], [sflag:$0x1] =	stream.indirect_vreg.gather [hbm4b:s3+s2], $0x80, v3, vm0, $0xb8;
	[tilespmem:$0x10100] =	vst v63  }
0xe8: {  	_ = 	snop  }
0xe9: {  	[tilespmem:s26], [sflag:$0x1] =	stream.indirect_vreg.gather [hbm4b:s4+s2], $0x80, v3, vm0, $0xb8;
	[tilespmem:$0x10100] =	vst v63  }
0xea: {  	_ = 	snop  }
0xeb: {  	[tilespmem:s28], [sflag:$0x1] =	stream.indirect_vreg.gather [hbm4b:s5+s2], $0x80, v3, vm0, $0xb8;
	[tilespmem:$0x10100] =	vst v63  }
0xec: {  	_ = 	snop  }
0xed: {  	[tilespmem:s29], [sflag:$0x1] =	stream.indirect_vreg.gather [hbm4b:s6+s2], $0x80, v3, vm0, $0xb8;
	[tilespmem:$0x10100] =	vst v63  }
0xee: {  	v3 =	vld [tilespmem:$0x90];
	_ =	sdelay $0x4  }
0xef: {  	v57 =	vshll.u32 v3, $0x3  }
0xf0: {  	v3 =	vand.u32 $0x7, v3;
	v4 =	vand.u32 $0xFFFFFFC0, v57  }
0xf1: {  	v3 =	vor.u32 v3, v4  }
0xf2: {  	v4 =	vperm.xlane v3, v0;
	_ =	sdelay $0x1  }
0xf3: {  	v4 =	vadd.s32 v1, v4;
	_ =	sdelay $0x4  }
0xf4: {  	[tilespmem:s30], [sflag:$0x1] =	stream.indirect_vreg.gather [hbm4b:s3+s2], $0x80, v4, vm0, $0xb8;
	[tilespmem:$0x10100] =	vst v63  }
0xf5: {  	v3 =	vperm.xlane v3, v2  }
0xf6: {  	[tilespmem:s31], [sflag:$0x1] =	stream.indirect_vreg.gather [hbm4b:s4+s2], $0x80, v4, vm0, $0xb8;
	[tilespmem:$0x10100] =	vst v63  }
0xf7: {  	v3 =	vadd.s32 v1, v3  }
0xf8: {  	[tilespmem:s16], [sflag:$0x1] =	stream.indirect_vreg.gather [hbm4b:s5+s2], $0x80, v4, vm0, $0xb8;
	[tilespmem:$0x10100] =	vst v63  }
0xf9: {  	_ = 	snop  }
0xfa: {  	[tilespmem:s15], [sflag:$0x1] =	stream.indirect_vreg.gather [hbm4b:s6+s2], $0x80, v4, vm0, $0xb8;
	[tilespmem:$0x10100] =	vst v63  }
0xfb: {  	_ = 	snop  }
0xfc: {  	[tilespmem:s10], [sflag:$0x1] =	stream.indirect_vreg.gather [hbm4b:s3+s2], $0x80, v3, vm0, $0xb8;
	[tilespmem:$0x10100] =	vst v63  }
0xfd: {  	_ = 	snop  }
0xfe: {  	[tilespmem:s11], [sflag:$0x1] =	stream.indirect_vreg.gather [hbm4b:s4+s2], $0x80, v3, vm0, $0xb8;
	[tilespmem:$0x10100] =	vst v63  }
0xff: {  	_ = 	snop  }
0x100: {  	[tilespmem:s12], [sflag:$0x1] =	stream.indirect_vreg.gather [hbm4b:s5+s2], $0x80, v3, vm0, $0xb8;
	[tilespmem:$0x10100] =	vst v63  }
0x101: {  	_ = 	snop  }
0x102: {  	[tilespmem:s13], [sflag:$0x1] =	stream.indirect_vreg.gather [hbm4b:s6+s2], $0x80, v3, vm0, $0xb8;
	[tilespmem:$0x10100] =	vst v63  }
0x103: {  	_ =	swait.ge [sflag:s19], $0x8000  }
0x104: {  	[sflag:s19] =	ssyncset.done $0x0  }
0x105: {  	s14 =	rddreg [dreg:$0x7];
	[sflag:s19] =	ssyncadd.s32 $0xFFFF8000  }
0x106: {  	[hbm4b:s14+s2] =	stream.linear.scatter [tilespmem:s25], [sflag:$0x3], $0x8000, $0x38;
	[tilespmem:$0x10100] =	vst v63  }
0x107: {  	_ =	swait.ge [sflag:s8], $0x8000  }
0x108: {  	[sflag:s8] =	ssyncset.done $0x0  }
0x109: {  	[sflag:s8] =	ssyncadd.s32 $0xFFFF8000  }
0x10a: {  	v3 =	vld [tilespmem:$0xA0];
	_ =	sdelay $0x4  }
0x10b: {  	v58 =	vshll.u32 v3, $0x3  }
0x10c: {  	v3 =	vand.u32 $0x7, v3;
	v4 =	vand.u32 $0xFFFFFFC0, v58  }
0x10d: {  	v3 =	vor.u32 v3, v4  }
0x10e: {  	v4 =	vperm.xlane v3, v0;
	_ =	sdelay $0x1  }
0x10f: {  	v4 =	vadd.s32 v1, v4;
	_ =	sdelay $0x4  }
0x110: {  	[tilespmem:s25], [sflag:$0x2] =	stream.indirect_vreg.gather [hbm4b:s3+s2], $0x80, v4, vm0, $0xb8;
	[tilespmem:$0x10100] =	vst v63  }
0x111: {  	s17 =	simm.s32 $0x8900;
	v3 =	vperm.xlane v3, v2  }
0x112: {  	[tilespmem:s17], [sflag:$0x2] =	stream.indirect_vreg.gather [hbm4b:s4+s2], $0x80, v4, vm0, $0xb8;
	[tilespmem:$0x10100] =	vst v63  }
0x113: {  	v3 =	vadd.s32 v1, v3  }
0x114: {  	[tilespmem:s0], [sflag:$0x2] =	stream.indirect_vreg.gather [hbm4b:s5+s2], $0x80, v4, vm0, $0xb8;
	[tilespmem:$0x10100] =	vst v63  }
0x115: {  	_ = 	snop  }
0x116: {  	[tilespmem:s1], [sflag:$0x2] =	stream.indirect_vreg.gather [hbm4b:s6+s2], $0x80, v4, vm0, $0xb8;
	[tilespmem:$0x10100] =	vst v63  }
0x117: {  	s20 =	simm.s32 $0xA100  }
0x118: {  	[tilespmem:s20], [sflag:$0x2] =	stream.indirect_vreg.gather [hbm4b:s3+s2], $0x80, v3, vm0, $0xb8;
	[tilespmem:$0x10100] =	vst v63  }
0x119: {  	s17 =	simm.s32 $0xA900  }
0x11a: {  	[tilespmem:s17], [sflag:$0x2] =	stream.indirect_vreg.gather [hbm4b:s4+s2], $0x80, v3, vm0, $0xb8;
	[tilespmem:$0x10100] =	vst v63  }
0x11b: {  	s20 =	simm.s32 $0xB100  }
0x11c: {  	[tilespmem:s20], [sflag:$0x2] =	stream.indirect_vreg.gather [hbm4b:s5+s2], $0x80, v3, vm0, $0xb8;
	[tilespmem:$0x10100] =	vst v63  }
0x11d: {  	s20 =	simm.s32 $0xB900  }
0x11e: {  	[tilespmem:s20], [sflag:$0x2] =	stream.indirect_vreg.gather [hbm4b:s6+s2], $0x80, v3, vm0, $0xb8;
	[tilespmem:$0x10100] =	vst v63  }
0x11f: {  	v3 =	vld [tilespmem:$0xB0];
	_ =	sdelay $0x4  }
0x120: {  	v59 =	vshll.u32 v3, $0x3  }
0x121: {  	v3 =	vand.u32 $0x7, v3;
	v4 =	vand.u32 $0xFFFFFFC0, v59  }
0x122: {  	v3 =	vor.u32 v3, v4  }
0x123: {  	v4 =	vperm.xlane v3, v0;
	_ =	sdelay $0x1  }
0x124: {  	v4 =	vadd.s32 v1, v4;
	_ =	sdelay $0x3  }
0x125: {  	s20 =	simm.s32 $0xC100  }
0x126: {  	[tilespmem:s20], [sflag:$0x2] =	stream.indirect_vreg.gather [hbm4b:s3+s2], $0x80, v4, vm0, $0xb8;
	[tilespmem:$0x10100] =	vst v63  }
0x127: {  	v3 =	vperm.xlane v3, v2;
	s20 =	simm.s32 $0xC900  }
0x128: {  	[tilespmem:s20], [sflag:$0x2] =	stream.indirect_vreg.gather [hbm4b:s4+s2], $0x80, v4, vm0, $0xb8;
	[tilespmem:$0x10100] =	vst v63  }
0x129: {  	v3 =	vadd.s32 v1, v3;
	s20 =	simm.s32 $0xD100  }
0x12a: {  	[tilespmem:s20], [sflag:$0x2] =	stream.indirect_vreg.gather [hbm4b:s5+s2], $0x80, v4, vm0, $0xb8;
	[tilespmem:$0x10100] =	vst v63  }
0x12b: {  	s20 =	simm.s32 $0xD900  }
0x12c: {  	[tilespmem:s20], [sflag:$0x2] =	stream.indirect_vreg.gather [hbm4b:s6+s2], $0x80, v4, vm0, $0xb8;
	[tilespmem:$0x10100] =	vst v63  }
0x12d: {  	s20 =	simm.s32 $0xE100  }
0x12e: {  	[tilespmem:s20], [sflag:$0x2] =	stream.indirect_vreg.gather [hbm4b:s3+s2], $0x80, v3, vm0, $0xb8;
	[tilespmem:$0x10100] =	vst v63  }
0x12f: {  	s20 =	simm.s32 $0xE900  }
0x130: {  	[tilespmem:s20], [sflag:$0x2] =	stream.indirect_vreg.gather [hbm4b:s4+s2], $0x80, v3, vm0, $0xb8;
	[tilespmem:$0x10100] =	vst v63  }
0x131: {  	s20 =	simm.s32 $0xF100  }
0x132: {  	[tilespmem:s20], [sflag:$0x2] =	stream.indirect_vreg.gather [hbm4b:s5+s2], $0x80, v3, vm0, $0xb8;
	[tilespmem:$0x10100] =	vst v63  }
0x133: {  	s20 =	simm.s32 $0xF900  }
0x134: {  	[tilespmem:s20], [sflag:$0x2] =	stream.indirect_vreg.gather [hbm4b:s6+s2], $0x80, v3, vm0, $0xb8;
	[tilespmem:$0x10100] =	vst v63  }
0x135: {  	_ =	swait.ge [sflag:s18], $0x8000  }
0x136: {  	[sflag:s18] =	ssyncset.done $0x0  }
0x137: {  	s20 =	rddreg [dreg:$0x8];
	[sflag:s18] =	ssyncadd.s32 $0xFFFF8000  }
0x138: {  	[hbm4b:s20+s2] =	stream.linear.scatter [tilespmem:s9], [sflag:$0x3], $0x8000, $0x38;
	[tilespmem:$0x10100] =	vst v63  }
0x139: {  	_ =	swait.ge [sflag:s8], $0x8000  }
0x13a: {  	[sflag:s8] =	ssyncset.done $0x0  }
0x13b: {  	[sflag:s8] =	ssyncadd.s32 $0xFFFF8000  }
0x13c: {  	v3 =	vld [tilespmem:$0xC0];
	_ =	sdelay $0x4  }
0x13d: {  	v60 =	vshll.u32 v3, $0x3  }
0x13e: {  	v3 =	vand.u32 $0x7, v3;
	v4 =	vand.u32 $0xFFFFFFC0, v60  }
0x13f: {  	v3 =	vor.u32 v3, v4  }
0x140: {  	v4 =	vperm.xlane v3, v0;
	_ =	sdelay $0x1  }
0x141: {  	v4 =	vadd.s32 v1, v4;
	_ =	sdelay $0x4  }
0x142: {  	[tilespmem:s9], [sflag:$0x1] =	stream.indirect_vreg.gather [hbm4b:s3+s2], $0x80, v4, vm0, $0xb8;
	[tilespmem:$0x10100] =	vst v63  }
0x143: {  	v3 =	vperm.xlane v3, v2  }
0x144: {  	[tilespmem:s21], [sflag:$0x1] =	stream.indirect_vreg.gather [hbm4b:s4+s2], $0x80, v4, vm0, $0xb8;
	[tilespmem:$0x10100] =	vst v63  }
0x145: {  	v3 =	vadd.s32 v1, v3  }
0x146: {  	[tilespmem:s22], [sflag:$0x1] =	stream.indirect_vreg.gather [hbm4b:s5+s2], $0x80, v4, vm0, $0xb8;
	[tilespmem:$0x10100] =	vst v63  }
0x147: {  	_ = 	snop  }
0x148: {  	[tilespmem:s23], [sflag:$0x1] =	stream.indirect_vreg.gather [hbm4b:s6+s2], $0x80, v4, vm0, $0xb8;
	[tilespmem:$0x10100] =	vst v63  }
0x149: {  	_ = 	snop  }
0x14a: {  	[tilespmem:s24], [sflag:$0x1] =	stream.indirect_vreg.gather [hbm4b:s3+s2], $0x80, v3, vm0, $0xb8;
	[tilespmem:$0x10100] =	vst v63  }
0x14b: {  	_ = 	snop  }
0x14c: {  	[tilespmem:s26], [sflag:$0x1] =	stream.indirect_vreg.gather [hbm4b:s4+s2], $0x80, v3, vm0, $0xb8;
	[tilespmem:$0x10100] =	vst v63  }
0x14d: {  	_ = 	snop  }
0x14e: {  	[tilespmem:s28], [sflag:$0x1] =	stream.indirect_vreg.gather [hbm4b:s5+s2], $0x80, v3, vm0, $0xb8;
	[tilespmem:$0x10100] =	vst v63  }
0x14f: {  	_ = 	snop  }
0x150: {  	[tilespmem:s29], [sflag:$0x1] =	stream.indirect_vreg.gather [hbm4b:s6+s2], $0x80, v3, vm0, $0xb8;
	[tilespmem:$0x10100] =	vst v63  }
0x151: {  	v3 =	vld [tilespmem:$0xD0];
	_ =	sdelay $0x4  }
0x152: {  	v61 =	vshll.u32 v3, $0x3  }
0x153: {  	v3 =	vand.u32 $0x7, v3;
	v4 =	vand.u32 $0xFFFFFFC0, v61  }
0x154: {  	v3 =	vor.u32 v3, v4  }
0x155: {  	v4 =	vperm.xlane v3, v0;
	_ =	sdelay $0x1  }
0x156: {  	v4 =	vadd.s32 v1, v4;
	_ =	sdelay $0x4  }
0x157: {  	[tilespmem:s30], [sflag:$0x1] =	stream.indirect_vreg.gather [hbm4b:s3+s2], $0x80, v4, vm0, $0xb8;
	[tilespmem:$0x10100] =	vst v63  }
0x158: {  	v3 =	vperm.xlane v3, v2  }
0x159: {  	[tilespmem:s31], [sflag:$0x1] =	stream.indirect_vreg.gather [hbm4b:s4+s2], $0x80, v4, vm0, $0xb8;
	[tilespmem:$0x10100] =	vst v63  }
0x15a: {  	v3 =	vadd.s32 v1, v3  }
0x15b: {  	[tilespmem:s16], [sflag:$0x1] =	stream.indirect_vreg.gather [hbm4b:s5+s2], $0x80, v4, vm0, $0xb8;
	[tilespmem:$0x10100] =	vst v63  }
0x15c: {  	_ = 	snop  }
0x15d: {  	[tilespmem:s15], [sflag:$0x1] =	stream.indirect_vreg.gather [hbm4b:s6+s2], $0x80, v4, vm0, $0xb8;
	[tilespmem:$0x10100] =	vst v63  }
0x15e: {  	_ = 	snop  }
0x15f: {  	[tilespmem:s10], [sflag:$0x1] =	stream.indirect_vreg.gather [hbm4b:s3+s2], $0x80, v3, vm0, $0xb8;
	[tilespmem:$0x10100] =	vst v63  }
0x160: {  	_ = 	snop  }
0x161: {  	[tilespmem:s11], [sflag:$0x1] =	stream.indirect_vreg.gather [hbm4b:s4+s2], $0x80, v3, vm0, $0xb8;
	[tilespmem:$0x10100] =	vst v63  }
0x162: {  	_ = 	snop  }
0x163: {  	[tilespmem:s12], [sflag:$0x1] =	stream.indirect_vreg.gather [hbm4b:s5+s2], $0x80, v3, vm0, $0xb8;
	[tilespmem:$0x10100] =	vst v63  }
0x164: {  	_ = 	snop  }
0x165: {  	[tilespmem:s13], [sflag:$0x1] =	stream.indirect_vreg.gather [hbm4b:s6+s2], $0x80, v3, vm0, $0xb8;
	[tilespmem:$0x10100] =	vst v63  }
0x166: {  	_ =	swait.ge [sflag:s19], $0x8000  }
0x167: {  	[sflag:s19] =	ssyncset.done $0x0  }
0x168: {  	s10 =	rddreg [dreg:$0x9];
	[sflag:s19] =	ssyncadd.s32 $0xFFFF8000  }
0x169: {  	[hbm4b:s10+s2] =	stream.linear.scatter [tilespmem:s25], [sflag:$0x3], $0x8000, $0x38;
	[tilespmem:$0x10100] =	vst v63  }
0x16a: {  	_ =	swait.ge [sflag:s8], $0x8000  }
0x16b: {  	[sflag:s8] =	ssyncset.done $0x0  }
0x16c: {  	[sflag:s8] =	ssyncadd.s32 $0xFFFF8000  }
0x16d: {  	v3 =	vld [tilespmem:$0xE0];
	_ =	sdelay $0x4  }
0x16e: {  	v62 =	vshll.u32 v3, $0x3  }
0x16f: {  	v3 =	vand.u32 $0x7, v3;
	v4 =	vand.u32 $0xFFFFFFC0, v62  }
0x170: {  	v3 =	vor.u32 v3, v4  }
0x171: {  	v4 =	vperm.xlane v3, v0;
	_ =	sdelay $0x1  }
0x172: {  	v4 =	vadd.s32 v1, v4;
	_ =	sdelay $0x4  }
0x173: {  	[tilespmem:s25], [sflag:$0x2] =	stream.indirect_vreg.gather [hbm4b:s3+s2], $0x80, v4, vm0, $0xb8;
	[tilespmem:$0x10100] =	vst v63  }
0x174: {  	s20 =	simm.s32 $0x8900;
	v3 =	vperm.xlane v3, v2  }
0x175: {  	[tilespmem:s20], [sflag:$0x2] =	stream.indirect_vreg.gather [hbm4b:s4+s2], $0x80, v4, vm0, $0xb8;
	[tilespmem:$0x10100] =	vst v63  }
0x176: {  	s0 =	simm.s32 $0x9100;
	v3 =	vadd.s32 v1, v3  }
0x177: {  	[tilespmem:s0], [sflag:$0x2] =	stream.indirect_vreg.gather [hbm4b:s5+s2], $0x80, v4, vm0, $0xb8;
	[tilespmem:$0x10100] =	vst v63  }
0x178: {  	s1 =	simm.s32 $0x9900  }
0x179: {  	[tilespmem:s1], [sflag:$0x2] =	stream.indirect_vreg.gather [hbm4b:s6+s2], $0x80, v4, vm0, $0xb8;
	[tilespmem:$0x10100] =	vst v63  }
0x17a: {  	s10 =	simm.s32 $0xA100  }
0x17b: {  	[tilespmem:s10], [sflag:$0x2] =	stream.indirect_vreg.gather [hbm4b:s3+s2], $0x80, v3, vm0, $0xb8;
	[tilespmem:$0x10100] =	vst v63  }
0x17c: {  	s14 =	simm.s32 $0xA900  }
0x17d: {  	[tilespmem:s14], [sflag:$0x2] =	stream.indirect_vreg.gather [hbm4b:s4+s2], $0x80, v3, vm0, $0xb8;
	[tilespmem:$0x10100] =	vst v63  }
0x17e: {  	s17 =	simm.s32 $0xB100  }
0x17f: {  	[tilespmem:s17], [sflag:$0x2] =	stream.indirect_vreg.gather [hbm4b:s5+s2], $0x80, v3, vm0, $0xb8;
	[tilespmem:$0x10100] =	vst v63  }
0x180: {  	s17 =	simm.s32 $0xB900  }
0x181: {  	[tilespmem:s17], [sflag:$0x2] =	stream.indirect_vreg.gather [hbm4b:s6+s2], $0x80, v3, vm0, $0xb8;
	[tilespmem:$0x10100] =	vst v63  }
0x182: {  	v3 =	vld [tilespmem:$0xF0];
	_ =	sdelay $0x4  }
0x183: {  	v63 =	vshll.u32 v3, $0x3  }
0x184: {  	v3 =	vand.u32 $0x7, v3;
	v4 =	vand.u32 $0xFFFFFFC0, v63  }
0x185: {  	v3 =	vor.u32 v3, v4  }
0x186: {  	v4 =	vperm.xlane v3, v0;
	_ =	sdelay $0x1  }
0x187: {  	v4 =	vadd.s32 v1, v4;
	_ =	sdelay $0x3  }
0x188: {  	s20 =	simm.s32 $0xC100  }
0x189: {  	[tilespmem:s20], [sflag:$0x2] =	stream.indirect_vreg.gather [hbm4b:s3+s2], $0x80, v4, vm0, $0xb8;
	[tilespmem:$0x10100] =	vst v63  }
0x18a: {  	s1 =	simm.s32 $0xC900;
	v3 =	vperm.xlane v3, v2  }
0x18b: {  	[tilespmem:s1], [sflag:$0x2] =	stream.indirect_vreg.gather [hbm4b:s4+s2], $0x80, v4, vm0, $0xb8;
	[tilespmem:$0x10100] =	vst v63  }
0x18c: {  	s10 =	simm.s32 $0xD100;
	v3 =	vadd.s32 v1, v3  }
0x18d: {  	[tilespmem:s10], [sflag:$0x2] =	stream.indirect_vreg.gather [hbm4b:s5+s2], $0x80, v4, vm0, $0xb8;
	[tilespmem:$0x10100] =	vst v63  }
0x18e: {  	s14 =	simm.s32 $0xD900  }
0x18f: {  	[tilespmem:s14], [sflag:$0x2] =	stream.indirect_vreg.gather [hbm4b:s6+s2], $0x80, v4, vm0, $0xb8;
	[tilespmem:$0x10100] =	vst v63  }
0x190: {  	s17 =	simm.s32 $0xE100  }
0x191: {  	[tilespmem:s17], [sflag:$0x2] =	stream.indirect_vreg.gather [hbm4b:s3+s2], $0x80, v3, vm0, $0xb8;
	[tilespmem:$0x10100] =	vst v63  }
0x192: {  	s20 =	simm.s32 $0xE900  }
0x193: {  	[tilespmem:s20], [sflag:$0x2] =	stream.indirect_vreg.gather [hbm4b:s4+s2], $0x80, v3, vm0, $0xb8;
	[tilespmem:$0x10100] =	vst v63  }
0x194: {  	s1 =	simm.s32 $0xF100  }
0x195: {  	[tilespmem:s1], [sflag:$0x2] =	stream.indirect_vreg.gather [hbm4b:s5+s2], $0x80, v3, vm0, $0xb8;
	[tilespmem:$0x10100] =	vst v63  }
0x196: {  	s10 =	simm.s32 $0xF900  }
0x197: {  	[tilespmem:s10], [sflag:$0x2] =	stream.indirect_vreg.gather [hbm4b:s6+s2], $0x80, v3, vm0, $0xb8;
	[tilespmem:$0x10100] =	vst v63  }
0x198: {  	_ =	swait.ge [sflag:s18], $0x8000  }
0x199: {  	[sflag:s18] =	ssyncset.done $0x0  }
0x19a: {  	s14 =	rddreg [dreg:$0xa];
	[sflag:s18] =	ssyncadd.s32 $0xFFFF8000  }
0x19b: {  	[hbm4b:s14+s2] =	stream.linear.scatter [tilespmem:s9], [sflag:$0x3], $0x8000, $0x38;
	[tilespmem:$0x10100] =	vst v63  }
0x19c: {  	_ =	swait.ge [sflag:s8], $0x8000  }
0x19d: {  	[sflag:s8] =	ssyncset.done $0x0  }
0x19e: {  	[sflag:s8] =	ssyncadd.s32 $0xFFFF8000  }
0x19f: {  	_ =	swait.ge [sflag:s19], $0x8000  }
0x1a0: {  	p0 =	sne.s32 s7, $0x1;
	[sflag:s19] =	ssyncset.done $0x0  }
.Ltmp0:
0x1a1: {  	s17 =	rddreg [dreg:$0xb];
	[sflag:s19] =	ssyncadd.s32 $0xFFFF8000;
	(pc) =	sbr.rel @p0 .LBB2_1-.Ltmp0, $4  }
0x1a2: {  	[hbm4b:s17+s2] =	stream.linear.scatter [tilespmem:s25], [sflag:$0x3], $0x8000, $0x38;
	[tilespmem:$0x10100] =	vst v63  }
0x1a3: {  	_ =	swait.ge [sflag:s8], $0x8000  }
0x1a4: {  	[sflag:s8] =	ssyncset.done $0x0  }
0x1a5: {  	s7 =	sadd.s32 $0xFFFFFFFF, s7;
	[sflag:s8] =	ssyncadd.s32 $0xFFFF8000  }
0x1a6: {  	_ =	sfence.sel $0x180000  }
0x1a7: {  	[bflag:$0x0] =	sbarrier.arrive $0xFFFF  }
0x1a8: {  	_ =	strace $0x90000047  }
0x1a9: {  	s0 =	stileid.u32;
	[bflag:$0x2] =	sbarrier.arrive $0xFFFF  }
0x1aa: {  	p0 =	sne.s32 s0, $0x0;
	s0 =	rddreg [dreg:$0x2]  }
0x1ab: {  	s0 =	sadd.s32 @!p0 $0x100000, s0  }
0x1ac: {  	[sflag:s0] =	ssyncadd.tile.s32 @!p0 $0x1;
	_ =	shalt  }
.Lfunc_end2:
_tile_overlayer_lowered:
.L_overlay_start_2:
0x1ad: {  	(tag) =	ssettag $0x2  }
0x1ae: {  	s0 =	rddreg [dreg:$0x0];
	s2 =	stileid.u32  }
0x1af: {  	s1 =	rddreg [dreg:$0x1];
	p0 =	sne.s32 s2, $0x0  }
0x1b0: {  	s3 =	rddreg [dreg:$0x2];
	[bflag:$0x3] =	sbarrier.arrive $0xFFFF;
	s2 =	simm.s32 @!p0 $0x1C03  }
0x1b1: {  	[timem:s3], [sflag:s2] =	dma.local @!p0 [hbm:s0], s1  }
0x1b2: {  	s0 =	simm.s32 @!p0 $0x3  }
0x1b3: {  	_ =	swait.ge @!p0 [sflag:s0], s1  }
0x1b4: {  	s1 =	ssub.s32 @!p0 $0x0, s1;
	[sflag:s0] =	ssyncset.done @!p0 $0x0  }
0x1b5: {  	[sflag:s0] =	ssyncadd.s32 @!p0 s1  }
0x1b6: {  	[bflag:$0x3] =	sbarrier.arrive $0xFFFF  }
0x1b7: {  	_ =	shalt  }

// kernel: kernel.13.cloned.1.call-start
scs
__scs_entry_jumppad:
0x0: {  	(pc) =	sbr.rel $0x88, $3  }
0x1: {  	(tag) =	ssettag $0x0;
	lr =	simm.s32 $0x1  }
0x2: {  	[smem:$0x3F94] =	sst lr;
	_ =	strace $0xD0000000  }
0x3: {  	_ = 	snop  }
0x4: {  	_ = 	snop  }
0x5: {  	_ = 	snop  }
0x6: {  	_ = 	snop  }
0x7: {  	_ = 	snop  }
__scs_overlays_trampoline_lowered:
0x8: {  	[smem:$0x3FA3] =	sst s0  }
0x9: {  	[smem:$0x3FA4] =	sst s1  }
0xa: {  	[smem:$0x3FA5] =	sst s2  }
0xb: {  	[smem:$0x3FA6] =	sst s3  }
0xc: {  	[smem:$0x3FA7] =	sst s4  }
0xd: {  	[smem:$0x3FA8] =	sst s5  }
0xe: {  	[smem:$0x3FA9] =	sst s6  }
0xf: {  	[smem:$0x3FAA] =	sst s7  }
0x10: {  	[smem:$0x3FAB] =	sst s8  }
0x11: {  	[smem:$0x3FAC] =	sst s9;
	s0 =	simm.s32 @!p0 $0x0  }
0x12: {  	s1 =	sld [smem:$0x3F92];
	s0 =	simm.s32 @p0 $0x1  }
0x13: {  	[smem:$0x3FAD] =	sst s0;
	s0 =	simm.s32 @!p1 $0x0  }
0x14: {  	s2 =	sld [smem:$0x3F91];
	s0 =	simm.s32 @p1 $0x1  }
0x15: {  	[smem:$0x3FAE] =	sst s0;
	s0 =	simm.s32 @!p2 $0x0  }
0x16: {  	s3 =	sld [smem:$0x3FDB];
	s0 =	simm.s32 @p2 $0x1  }
0x17: {  	s4 =	simm.s32 $0x1BF5;
	[smem:$0x3FB0] =	sst s0  }
0x18: {  	s0 =	sld [smem:$0x3F93];
	_ =	swait.ge [sflag:s4], $0x0  }
0x19: {  	s7 =	sld [smem:$0x3F94]  }
0x1a: {  	s8 =	sadd.s32 $0xFFFFE003, lr  }
0x1b: {  	s9 =	sadd.s32 $0xFFFFFEF7, lr;
	s5 =	simm.s32 $0xFFFFFFFF;
	p2 =	slt.u32 s8, $0xFFFFF086  }
0x1c: {  	p1 =	slt.u32 s9, $0xF7A;
	s5 =	simm.s32 @!p2 $0x0  }
0x1d: {  	s5 =	simm.s32 @p1 $0x1;
	p0 =	seq.s32 s7, s2  }
0x1e: {  	s7 =	smul.u32 @!p0 $0xF7A, s2;
	p2 =	seq.s32 @!p0 s5, $0x0  }
0x1f: {  	s9 =	smul.u32 $0xF7A, s1;
	s8 =	simm.s32 @!p0 $0x1BF5;
	p2 =	por !p2, p0  }
0x20: {  	[sflag:s8] =	ssyncset.s32 @!p0 $0xFFFFF086;
	s6 =	sadd.s32 @!p0 s3, s7;
	s7 =	simm.s32 @!p0 $0x108  }
0x21: {  	s3 =	sadd.s32 s3, s9;
	s6 =	sadd.s32 @!p0 $0x88, s6;
	s7 =	simm.s32 @p2 $0x1082  }
0x22: {  	[simem:s7], [sflag:s8] =	dma.local @!p0 [hbm:s6], $0xF7A  }
0x23: {  	s9 =	sor.u32 $0xD0000000, s2;
	s6 =	simm.s32 $0x108;
	_ =	swait.ge @!p0 [sflag:s8], $0x0  }
0x24: {  	s3 =	sadd.s32 $0x88, s3;
	s6 =	simm.s32 @!p1 $0x1082;
	[sflag:s4] =	ssyncset.s32 $0xFFFFF086  }
0x25: {  	[simem:s6], [sflag:s4] =	dma.local [hbm:s3], $0xF7A  }
0x26: {  	[smem:$0x3F94] =	sst s1;
	(tag) =	ssettag s2;
	_ =	strace s9  }
0x27: {  	s1 =	sld [smem:$0x3FA4]  }
0x28: {  	s2 =	sld [smem:$0x3FA5]  }
0x29: {  	s4 =	sld [smem:$0x3FA7]  }
0x2a: {  	p0 =	seq.s32 s5, $0x0;
	s5 =	sld [smem:$0x3FA8]  }
0x2b: {  	s6 =	sld [smem:$0x3FA9]  }
0x2c: {  	s7 =	sld [smem:$0x3FAA]  }
0x2d: {  	s3 =	simm.s32 $0x108;
	s8 =	sld [smem:$0x3FAB]  }
0x2e: {  	s3 =	simm.s32 @!p0 $0x1082;
	s9 =	sld [smem:$0x3FAC]  }
0x2f: {  	lr =	sadd.s32 s0, s3;
	s0 =	sld [smem:$0x3FA3]  }
0x30: {  	s3 =	sld [smem:$0x3FA6]  }
0x31: {  	[smem:$0x3FAF] =	sst s10  }
0x32: {  	s10 =	sld [smem:$0x3FAD];
	_ =	sdelay $0x3  }
0x33: {  	p0 =	seq.s32 s10, $0x1;
	s10 =	sld [smem:$0x3FAF];
	_ =	sdelay $0x3  }
0x34: {  	[smem:$0x3FAF] =	sst s10  }
0x35: {  	s10 =	sld [smem:$0x3FAE];
	_ =	sdelay $0x3  }
0x36: {  	p1 =	seq.s32 s10, $0x1;
	s10 =	sld [smem:$0x3FAF];
	_ =	sdelay $0x3  }
0x37: {  	[smem:$0x3FAF] =	sst s10  }
0x38: {  	s10 =	sld [smem:$0x3FB0]  }
0x39: {  	_ = 	snop;
	(pc) =	sbr.ind lr, $3  }
0x3a: {  	_ = 	snop  }
0x3b: {  	_ = 	snop  }
0x3c: {  	p2 =	seq.s32 s10, $0x1;
	s10 =	sld [smem:$0x3FAF]  }
0x3d: {  	_ =	shalt  }
0x3e: {  	_ =	shalt  }
0x3f: {  	_ =	shalt  }
0x40: {  	_ =	shalt  }
0x41: {  	_ =	shalt  }
0x42: {  	_ =	shalt  }
0x43: {  	_ =	shalt  }
0x44: {  	_ =	shalt  }
0x45: {  	_ =	shalt  }
0x46: {  	_ =	shalt  }
0x47: {  	_ =	shalt  }
0x48: {  	_ =	shalt  }
0x49: {  	_ =	shalt  }
0x4a: {  	_ =	shalt  }
0x4b: {  	_ =	shalt  }
0x4c: {  	_ =	shalt  }
0x4d: {  	_ =	shalt  }
0x4e: {  	_ =	shalt  }
0x4f: {  	_ =	shalt  }
0x50: {  	_ =	shalt  }
0x51: {  	_ =	shalt  }
0x52: {  	_ =	shalt  }
0x53: {  	_ =	shalt  }
0x54: {  	_ =	shalt  }
0x55: {  	_ =	shalt  }
0x56: {  	_ =	shalt  }
0x57: {  	_ =	shalt  }
0x58: {  	_ =	shalt  }
0x59: {  	_ =	shalt  }
0x5a: {  	_ =	shalt  }
0x5b: {  	_ =	shalt  }
0x5c: {  	_ =	shalt  }
0x5d: {  	_ =	shalt  }
0x5e: {  	_ =	shalt  }
0x5f: {  	_ =	shalt  }
0x60: {  	_ =	shalt  }
0x61: {  	_ =	shalt  }
0x62: {  	_ =	shalt  }
0x63: {  	_ =	shalt  }
0x64: {  	_ =	shalt  }
0x65: {  	_ =	shalt  }
0x66: {  	_ =	shalt  }
0x67: {  	_ =	shalt  }
0x68: {  	_ =	shalt  }
0x69: {  	_ =	shalt  }
0x6a: {  	_ =	shalt  }
0x6b: {  	_ =	shalt  }
0x6c: {  	_ =	shalt  }
0x6d: {  	_ =	shalt  }
0x6e: {  	_ =	shalt  }
0x6f: {  	_ =	shalt  }
0x70: {  	_ =	shalt  }
0x71: {  	_ =	shalt  }
0x72: {  	_ =	shalt  }
0x73: {  	_ =	shalt  }
0x74: {  	_ =	shalt  }
0x75: {  	_ =	shalt  }
0x76: {  	_ =	shalt  }
0x77: {  	_ =	shalt  }
0x78: {  	_ =	shalt  }
0x79: {  	_ =	shalt  }
0x7a: {  	_ =	shalt  }
0x7b: {  	_ =	shalt  }
0x7c: {  	_ =	shalt  }
0x7d: {  	_ =	shalt  }
0x7e: {  	_ =	shalt  }
0x7f: {  	_ =	shalt  }
0x80: {  	_ =	shalt  }
0x81: {  	_ =	shalt  }
0x82: {  	_ =	shalt  }
0x83: {  	_ =	shalt  }
0x84: {  	_ =	shalt  }
0x85: {  	_ =	shalt  }
0x86: {  	_ =	shalt  }
0x87: {  	_ =	shalt  }
.Lfunc_end0:
.L_simem_size_0:
called_computation.1_lowered:
.L_overlay_start_0:
0x88: {  	s2 =	sld [smem:$0x3FD9]  }
0x89: {  	s3 =	sld [smem:$0x3FFE];
	_ =	sdelay $0x1  }
0x8a: {  	s1 =	srdreg.scid  }
0x8b: {  	s0 =	sand.u32 $0x1, s1  }
0x8c: {  	s17 =	sshll.u32 s0, $0xA;
	s2 =	sadd.s32 s3, s2  }
0x8d: {  	s2 =	sadd.s32 s2, s17  }
0x8e: {  	[smem:$0x3FBB] =	sst s2  }
0x8f: {  	_ = 	snop  }
0x90: {  	(tm) =	ssettm $0x1  }
0x91: {  	s18 =	sld [smem:$0x3FFB];
	_ =	sdelay $0x3  }
0x92: {  	_ =	strace s18  }
0x93: {  	s2 =	sld [smem:$0x3FFC];
	_ =	sdelay $0x3  }
0x94: {  	_ =	strace s2  }
0x95: {  	s2 =	sld [smem:$0x3FFD];
	_ =	sdelay $0x3  }
0x96: {  	_ =	strace s2  }
0x97: {  	_ =	strace $0x8FFFFFFF  }
0x98: {  	s19 =	sld [smem:$0x3FDB];
	_ =	sdelay $0x1  }
0x99: {  	s20 =	simm.s32 $_scs_section_size  }
0x9a: {  	s4 =	simm.s32 $_size__tile_overlayer_lowered;
	s5 =	simm.s32 $_tile_overlayer_lowered  }
0x9b: {  	s6 =	simm.s32 $0x1BFF;
	s21 =	sshll.u32 s5, $0x1;
	s3 =	sadd.s32 s20, s19  }
0x9c: {  	s22 =	simm.s32 $0x0;
	s4 =	sshll.u32 s4, $0x1;
	s5 =	sadd.s32 s21, s3  }
0x9d: {  	[timem:s22], [sflag:s6] =	dma.local [hbm:s5], s4  }
0x9e: {  	_ =	swait.ge [sflag:s6], s4  }
0x9f: {  	s4 =	ssub.s32 $0x0, s4;
	[sflag:s6] =	ssyncset.done $0x0  }
0xa0: {  	[sflag:s6] =	ssyncadd.s32 s4;
	_ =	sdelay $0x1  }
0xa1: {  	s23 =	simm.s32 $0x1B8B  }
0xa2: {  	_ =	swait.ge [sflag:s23], $0x1  }
0xa3: {  	[sflag:s23] =	ssyncset.done $0x0  }
0xa4: {  	[sflag:s23] =	ssyncadd.s32 $0xFFFFFFFF  }
0xa5: {  	s4 =	sld [smem:$0x0]  }
0xa6: {  	s5 =	sand.u32 $0xFFFFFFFE, s1  }
0xa7: {  	p0 =	sne.s32 s1, s5  }
0xa8: {  	s5 =	sshll.u32 @p0 s5, $0xE  }
0xa9: {  	s5 =	sadd.s32 @p0 $0x11B8D, s5;
	s6 =	sshll.u32 @p0 s4, $0x11  }
0xaa: {  	s5 =	sor.u32 @p0 s6, s5  }
0xab: {  	[sflag:s5] =	ssyncadd.remote.s32 @p0 $0x1;
	_ =	sdelay $0x1  }
0xac: {  	s5 =	simm.s32 @p0 $0x1B8D  }
0xad: {  	_ =	swait.eq @p0 [sflag:s5], $0x1  }
0xae: {  	[sflag:s5] =	ssyncadd.s32 @p0 $0xFFFFFFFF  }
0xaf: {  	s6 =	sshll.u32 @!p0 s1, $0xE  }
0xb0: {  	s6 =	sor.u32 @!p0 $0x4000, s6;
	s5 =	simm.s32 @!p0 $0x1B8D  }
0xb1: {  	s4 =	sshll.u32 @!p0 s4, $0x11;
	s6 =	sadd.s32 @!p0 $0x11B8D, s6;
	_ =	swait.eq @!p0 [sflag:s5], $0x1  }
0xb2: {  	s4 =	sor.u32 @!p0 s4, s6;
	[sflag:s5] =	ssyncadd.s32 @!p0 $0xFFFFFFFF  }
0xb3: {  	s25 =	simm.s32 $0x1B8E;
	s24 =	sld [smem:$0x3FFE];
	[sflag:s4] =	ssyncadd.remote.s32 @!p0 $0x1  }
0xb4: {  	s26 =	simm.s32 $execute0_lowered;
	[smem:$0x3FD2] =	sst s25  }
0xb5: {  	s5 =	sshll.u32 s26, $0x1;
	_ =	strace $0x80000049;
	[dreg:$0x1] =	wrdreg $0xFFFFFFFF  }
0xb6: {  	s28 =	simm.s32 $_size_execute0_lowered;
	s3 =	sadd.s32 s3, s5;
	[dreg:$0x0] =	wrdreg $0x0  }
0xb7: {  	s5 =	sshll.u32 s28, $0x1;
	[dreg:$0x2] =	wrdreg s3  }
0xb8: {  	[dreg:$0x3] =	wrdreg s5  }
0xb9: {  	[dreg:$0x4] =	wrdreg $0xC0  }
0xba: {  	_ =	task [dreg:s22], $0x5FFFF  }
0xbb: {  	[dreg:$0x1] =	wrdreg $0xFFFFFFFF  }
0xbc: {  	[dreg:$0x0] =	wrdreg $0x60  }
0xbd: {  	[dreg:$0x2] =	wrdreg s24  }
0xbe: {  	[dreg:$0x3] =	wrdreg $0xA  }
0xbf: {  	_ =	task.clear_ibuf [dreg:s22], $0x4FFFF;
	_ =	strace $0x90000049  }
0xc0: {  	s29 =	simm.s32 $0xA;
	_ =	strace $0x8000004B  }
0xc1: {  	_ =	swait.ge [sflag:s29], $0x1  }
0xc2: {  	[sflag:s29] =	ssyncadd.s32 $0xFFFFFFFF  }
0xc3: {  	_ =	strace $0x9000004B  }
0xc4: {  	_ =	sfence  }
0xc5: {  	s30 =	sld [smem:$0x0];
	_ =	sdelay $0x2  }
0xc6: {  	s31 =	sshll.u32 s1, $0xD;
	s1 =	sshrl.u32 s1, $0x2  }
0xc7: {  	s4 =	sand.u32 $0x4000, s31;
	s1 =	sadd.s32 s1, s30  }
0xc8: {  	s0 =	sor.u32 s4, s0;
	s1 =	sshll.u32 s1, $0x11  }
0xc9: {  	s0 =	sor.u32 s1, s0  }
0xca: {  	s0 =	sadd.s32 $0x8F2B, s0  }
0xcb: {  	[sflag:s0] =	ssyncadd.remote.s32 $0x1  }
0xcc: {  	_ =	sfence.sel $0xFFFF  }
0xcd: {  	[dreg:$0x0] =	wrdreg $0xFFFFFFFF;
	(pc) =	sbr.abs _section_cstart, $3  }
0xce: {  	[dreg:$0x1] =	wrdreg $0xFFFFFFFF  }
0xcf: {  	_ =	task.clear_ibuf [dreg:s22], $0x2FFFF;
	_ =	strace $0x9FFFFFFF  }
0xd0: {  	(tm) =	ssettm $0x7FFFFFFF  }
0xd1: {  	_ =	shalt  }
tec
execute0_lowered:
.L_overlay_start_1:
0x0: {  	(tag) =	ssettag $0x1  }
0x1: {  	s0 =	srdreg.scid;
	s1 =	stileid.u32  }
0x2: {  	s6 =	rddreg [dreg:$0x0];
	s8 =	simm.s32 $0x3;
	s9 =	simm.s32 $0x100  }
0x3: {  	s18 =	simm.s32 $0x1;
	s19 =	simm.s32 $0x2;
	s28 =	simm.s32 $0x3100  }
0x4: {  	s29 =	simm.s32 $0x3900;
	s30 =	simm.s32 $0x4100;
	s0 =	sand.u32 $0x1, s0  }
0x5: {  	s31 =	simm.s32 $0x4900;
	s1 =	sshll.u32 s1, $0x9;
	s2 =	sshll.u32 s0, $0x8  }
0x6: {  	s16 =	simm.s32 $0x5100;
	s15 =	simm.s32 $0x5900;
	s1 =	sor.u32 s2, s1  }
0x7: {  	s11 =	simm.s32 $0x6900;
	s12 =	simm.s32 $0x7100;
	s3 =	sshrl.u32 s1, $0x3  }
0x8: {  	s2 =	simm.s32 $0x0;
	s1 =	sshll.u32 s1, $0x7;
	s3 =	sadd.s32 s3, s6  }
0x9: {  	[smem:$0x7FF] =	sst s2;
	s1 =	sadd.s32 s1, s6;
	s3 =	sadd.s32 $0x202800, s3  }
0xa: {  	_ =	strace $0x8000004A;
	s21 =	sadd.s32 $0x202C00, s1;
	[dreg:$0x2] =	wrdreg s3  }
0xb: {  	s13 =	simm.s32 $0x7900;
	s22 =	sadd.s32 $0x203C00, s1;
	[dreg:$0x3] =	wrdreg s21  }
0xc: {  	s0 =	ssub.s32 $0x2, s0;
	s4 =	sadd.s32 $0x204C00, s1;
	[dreg:$0x4] =	wrdreg s22  }
0xd: {  	s5 =	sshrl.u32 s0, $0x1;
	s23 =	sadd.s32 $0x205C00, s1;
	[dreg:$0x5] =	wrdreg s4  }
0xe: {  	s0 =	ssub.s32 s0, s5;
	s24 =	sadd.s32 $0x206C00, s1;
	[dreg:$0x6] =	wrdreg s23  }
0xf: {  	s5 =	sadd.s32 $0x2A00, s6;
	s25 =	sadd.s32 $0x207C00, s1;
	[dreg:$0x7] =	wrdreg s24  }
0x10: {  	s7 =	smax.u32 s0, $0x1;
	s26 =	sadd.s32 $0x208C00, s1;
	[dreg:$0x8] =	wrdreg s25  }
0x11: {  	s1 =	sadd.s32 $0x209C00, s1;
	s3 =	sadd.s32 $0x2800, s6;
	[dreg:$0x9] =	wrdreg s26  }
0x12: {  	v2 =	vlaneseq.u32;
	s4 =	sadd.s32 $0x2900, s6;
	s6 =	sadd.s32 $0x2B00, s6;
	[dreg:$0xa] =	wrdreg s1  }
0x13: {  	vm0 =	vmmov $0xffff;
	v1 =	vshrl.u32 v2, $0x3;
	s25 =	simm.s32 $0x8100;
	s21 =	simm.s32 $0x900;
	s22 =	simm.s32 $0x1100  }
0x14: {  	v0 =	vand.u32 $0x7, v2;
	v2 =	vor.u32 $0x8, v2;
	v1 =	vmul.u32 $0x8, v1;
	s23 =	simm.s32 $0x1900;
	s24 =	simm.s32 $0x2100;
	s26 =	simm.s32 $0x2900  }
.LBB2_1:
0x15: {  	s20 =	rddreg [dreg:$0x2]  }
0x16: {  	[tilespmem:s2], [sflag:$0x3] =	stream.linear.gather [hbm4b:s20+s2], $0x100, $0x38;
	[tilespmem:$0x10100] =	vst v63  }
0x17: {  	_ =	swait.ge [sflag:s8], $0x100  }
0x18: {  	[sflag:s8] =	ssyncset.done $0x0  }
0x19: {  	[sflag:s8] =	ssyncadd.s32 $0xFFFFFF00  }
0x1a: {  	v3 =	vld [tilespmem:$0x0];
	_ =	sdelay $0x4  }
0x1b: {  	v4 =	vshll.u32 v3, $0x3  }
0x1c: {  	v3 =	vand.u32 $0x7, v3;
	v4 =	vand.u32 $0xFFFFFFC0, v4  }
0x1d: {  	v3 =	vor.u32 v3, v4  }
0x1e: {  	v4 =	vperm.xlane v3, v0;
	_ =	sdelay $0x1  }
0x1f: {  	v4 =	vadd.s32 v1, v4;
	_ =	sdelay $0x4  }
0x20: {  	[tilespmem:s9], [sflag:$0x1] =	stream.indirect_vreg.gather [hbm4b:s3+s2], $0x80, v4, vm0, $0xb8;
	[tilespmem:$0x10100] =	vst v63  }
0x21: {  	v3 =	vperm.xlane v3, v2  }
0x22: {  	[tilespmem:s21], [sflag:$0x1] =	stream.indirect_vreg.gather [hbm4b:s4+s2], $0x80, v4, vm0, $0xb8;
	[tilespmem:$0x10100] =	vst v63  }
0x23: {  	v3 =	vadd.s32 v1, v3  }
0x24: {  	[tilespmem:s22], [sflag:$0x1] =	stream.indirect_vreg.gather [hbm4b:s5+s2], $0x80, v4, vm0, $0xb8;
	[tilespmem:$0x10100] =	vst v63  }
0x25: {  	_ = 	snop  }
0x26: {  	[tilespmem:s23], [sflag:$0x1] =	stream.indirect_vreg.gather [hbm4b:s6+s2], $0x80, v4, vm0, $0xb8;
	[tilespmem:$0x10100] =	vst v63  }
0x27: {  	_ = 	snop  }
0x28: {  	[tilespmem:s24], [sflag:$0x1] =	stream.indirect_vreg.gather [hbm4b:s3+s2], $0x80, v3, vm0, $0xb8;
	[tilespmem:$0x10100] =	vst v63  }
0x29: {  	_ = 	snop  }
0x2a: {  	[tilespmem:s26], [sflag:$0x1] =	stream.indirect_vreg.gather [hbm4b:s4+s2], $0x80, v3, vm0, $0xb8;
	[tilespmem:$0x10100] =	vst v63  }
0x2b: {  	_ = 	snop  }
0x2c: {  	[tilespmem:s28], [sflag:$0x1] =	stream.indirect_vreg.gather [hbm4b:s5+s2], $0x80, v3, vm0, $0xb8;
	[tilespmem:$0x10100] =	vst v63  }
0x2d: {  	_ = 	snop  }
0x2e: {  	[tilespmem:s29], [sflag:$0x1] =	stream.indirect_vreg.gather [hbm4b:s6+s2], $0x80, v3, vm0, $0xb8;
	[tilespmem:$0x10100] =	vst v63  }
0x2f: {  	v3 =	vld [tilespmem:$0x10];
	_ =	sdelay $0x4  }
0x30: {  	v49 =	vshll.u32 v3, $0x3  }
0x31: {  	v3 =	vand.u32 $0x7, v3;
	v4 =	vand.u32 $0xFFFFFFC0, v49  }
0x32: {  	v3 =	vor.u32 v3, v4  }
0x33: {  	v4 =	vperm.xlane v3, v0;
	_ =	sdelay $0x1  }
0x34: {  	v4 =	vadd.s32 v1, v4;
	_ =	sdelay $0x4  }
0x35: {  	[tilespmem:s30], [sflag:$0x1] =	stream.indirect_vreg.gather [hbm4b:s3+s2], $0x80, v4, vm0, $0xb8;
	[tilespmem:$0x10100] =	vst v63  }
0x36: {  	v3 =	vperm.xlane v3, v2  }
0x37: {  	[tilespmem:s31], [sflag:$0x1] =	stream.indirect_vreg.gather [hbm4b:s4+s2], $0x80, v4, vm0, $0xb8;
	[tilespmem:$0x10100] =	vst v63  }
0x38: {  	v3 =	vadd.s32 v1, v3  }
0x39: {  	[tilespmem:s16], [sflag:$0x1] =	stream.indirect_vreg.gather [hbm4b:s5+s2], $0x80, v4, vm0, $0xb8;
	[tilespmem:$0x10100] =	vst v63  }
0x3a: {  	_ = 	snop  }
0x3b: {  	[tilespmem:s15], [sflag:$0x1] =	stream.indirect_vreg.gather [hbm4b:s6+s2], $0x80, v4, vm0, $0xb8;
	[tilespmem:$0x10100] =	vst v63  }
0x3c: {  	s10 =	simm.s32 $0x6100  }
0x3d: {  	[tilespmem:s10], [sflag:$0x1] =	stream.indirect_vreg.gather [hbm4b:s3+s2], $0x80, v3, vm0, $0xb8;
	[tilespmem:$0x10100] =	vst v63  }
0x3e: {  	_ = 	snop  }
0x3f: {  	[tilespmem:s11], [sflag:$0x1] =	stream.indirect_vreg.gather [hbm4b:s4+s2], $0x80, v3, vm0, $0xb8;
	[tilespmem:$0x10100] =	vst v63  }
0x40: {  	_ = 	snop  }
0x41: {  	[tilespmem:s12], [sflag:$0x1] =	stream.indirect_vreg.gather [hbm4b:s5+s2], $0x80, v3, vm0, $0xb8;
	[tilespmem:$0x10100] =	vst v63  }
0x42: {  	_ = 	snop  }
0x43: {  	[tilespmem:s13], [sflag:$0x1] =	stream.indirect_vreg.gather [hbm4b:s6+s2], $0x80, v3, vm0, $0xb8;
	[tilespmem:$0x10100] =	vst v63  }
0x44: {  	v3 =	vld [tilespmem:$0x20];
	_ =	sdelay $0x4  }
0x45: {  	v50 =	vshll.u32 v3, $0x3  }
0x46: {  	v3 =	vand.u32 $0x7, v3;
	v4 =	vand.u32 $0xFFFFFFC0, v50  }
0x47: {  	v3 =	vor.u32 v3, v4  }
0x48: {  	v4 =	vperm.xlane v3, v0;
	_ =	sdelay $0x1  }
0x49: {  	v4 =	vadd.s32 v1, v4;
	_ =	sdelay $0x4  }
0x4a: {  	[tilespmem:s25], [sflag:$0x2] =	stream.indirect_vreg.gather [hbm4b:s3+s2], $0x80, v4, vm0, $0xb8;
	[tilespmem:$0x10100] =	vst v63  }
0x4b: {  	s14 =	simm.s32 $0x8900;
	v3 =	vperm.xlane v3, v2  }
0x4c: {  	[tilespmem:s14], [sflag:$0x2] =	stream.indirect_vreg.gather [hbm4b:s4+s2], $0x80, v4, vm0, $0xb8;
	[tilespmem:$0x10100] =	vst v63  }
0x4d: {  	s17 =	simm.s32 $0x9100;
	v3 =	vadd.s32 v1, v3  }
0x4e: {  	[tilespmem:s17], [sflag:$0x2] =	stream.indirect_vreg.gather [hbm4b:s5+s2], $0x80, v4, vm0, $0xb8;
	[tilespmem:$0x10100] =	vst v63  }
0x4f: {  	s20 =	simm.s32 $0x9900  }
0x50: {  	[tilespmem:s20], [sflag:$0x2] =	stream.indirect_vreg.gather [hbm4b:s6+s2], $0x80, v4, vm0, $0xb8;
	[tilespmem:$0x10100] =	vst v63  }
0x51: {  	s1 =	simm.s32 $0xA100  }
0x52: {  	[tilespmem:s1], [sflag:$0x2] =	stream.indirect_vreg.gather [hbm4b:s3+s2], $0x80, v3, vm0, $0xb8;
	[tilespmem:$0x10100] =	vst v63  }
0x53: {  	s17 =	simm.s32 $0xA900  }
0x54: {  	[tilespmem:s17], [sflag:$0x2] =	stream.indirect_vreg.gather [hbm4b:s4+s2], $0x80, v3, vm0, $0xb8;
	[tilespmem:$0x10100] =	vst v63  }
0x55: {  	s1 =	simm.s32 $0xB100  }
0x56: {  	[tilespmem:s1], [sflag:$0x2] =	stream.indirect_vreg.gather [hbm4b:s5+s2], $0x80, v3, vm0, $0xb8;
	[tilespmem:$0x10100] =	vst v63  }
0x57: {  	s14 =	simm.s32 $0xB900  }
0x58: {  	[tilespmem:s14], [sflag:$0x2] =	stream.indirect_vreg.gather [hbm4b:s6+s2], $0x80, v3, vm0, $0xb8;
	[tilespmem:$0x10100] =	vst v63  }
0x59: {  	v3 =	vld [tilespmem:$0x30];
	_ =	sdelay $0x4  }
0x5a: {  	v51 =	vshll.u32 v3, $0x3  }
0x5b: {  	v3 =	vand.u32 $0x7, v3;
	v4 =	vand.u32 $0xFFFFFFC0, v51  }
0x5c: {  	v3 =	vor.u32 v3, v4  }
0x5d: {  	v4 =	vperm.xlane v3, v0;
	_ =	sdelay $0x1  }
0x5e: {  	v4 =	vadd.s32 v1, v4;
	_ =	sdelay $0x3  }
0x5f: {  	s17 =	simm.s32 $0xC100  }
0x60: {  	[tilespmem:s17], [sflag:$0x2] =	stream.indirect_vreg.gather [hbm4b:s3+s2], $0x80, v4, vm0, $0xb8;
	[tilespmem:$0x10100] =	vst v63  }
0x61: {  	s1 =	simm.s32 $0xC900;
	v3 =	vperm.xlane v3, v2  }
0x62: {  	[tilespmem:s1], [sflag:$0x2] =	stream.indirect_vreg.gather [hbm4b:s4+s2], $0x80, v4, vm0, $0xb8;
	[tilespmem:$0x10100] =	vst v63  }
0x63: {  	v3 =	vadd.s32 v1, v3;
	s1 =	simm.s32 $0xD100  }
0x64: {  	[tilespmem:s1], [sflag:$0x2] =	stream.indirect_vreg.gather [hbm4b:s5+s2], $0x80, v4, vm0, $0xb8;
	[tilespmem:$0x10100] =	vst v63  }
0x65: {  	s1 =	simm.s32 $0xD900  }
0x66: {  	[tilespmem:s1], [sflag:$0x2] =	stream.indirect_vreg.gather [hbm4b:s6+s2], $0x80, v4, vm0, $0xb8;
	[tilespmem:$0x10100] =	vst v63  }
0x67: {  	s1 =	simm.s32 $0xE100  }
0x68: {  	[tilespmem:s1], [sflag:$0x2] =	stream.indirect_vreg.gather [hbm4b:s3+s2], $0x80, v3, vm0, $0xb8;
	[tilespmem:$0x10100] =	vst v63  }
0x69: {  	s1 =	simm.s32 $0xE900  }
0x6a: {  	[tilespmem:s1], [sflag:$0x2] =	stream.indirect_vreg.gather [hbm4b:s4+s2], $0x80, v3, vm0, $0xb8;
	[tilespmem:$0x10100] =	vst v63  }
0x6b: {  	s1 =	simm.s32 $0xF100  }
0x6c: {  	[tilespmem:s1], [sflag:$0x2] =	stream.indirect_vreg.gather [hbm4b:s5+s2], $0x80, v3, vm0, $0xb8;
	[tilespmem:$0x10100] =	vst v63  }
0x6d: {  	s1 =	simm.s32 $0xF900  }
0x6e: {  	[tilespmem:s1], [sflag:$0x2] =	stream.indirect_vreg.gather [hbm4b:s6+s2], $0x80, v3, vm0, $0xb8;
	[tilespmem:$0x10100] =	vst v63  }
0x6f: {  	_ =	swait.ge [sflag:s18], $0x8000  }
0x70: {  	[sflag:s18] =	ssyncset.done $0x0  }
0x71: {  	s1 =	rddreg [dreg:$0x3];
	[sflag:s18] =	ssyncadd.s32 $0xFFFF8000  }
0x72: {  	[hbm4b:s1+s2] =	stream.linear.scatter [tilespmem:s9], [sflag:$0x3], $0x8000, $0x38;
	[tilespmem:$0x10100] =	vst v63  }
0x73: {  	_ =	swait.ge [sflag:s8], $0x8000  }
0x74: {  	[sflag:s8] =	ssyncset.done $0x0  }
0x75: {  	[sflag:s8] =	ssyncadd.s32 $0xFFFF8000  }
0x76: {  	v3 =	vld [tilespmem:$0x40];
	_ =	sdelay $0x4  }
0x77: {  	v52 =	vshll.u32 v3, $0x3  }
0x78: {  	v3 =	vand.u32 $0x7, v3;
	v4 =	vand.u32 $0xFFFFFFC0, v52  }
0x79: {  	v3 =	vor.u32 v3, v4  }
0x7a: {  	v4 =	vperm.xlane v3, v0;
	_ =	sdelay $0x1  }
0x7b: {  	v4 =	vadd.s32 v1, v4;
	_ =	sdelay $0x4  }
0x7c: {  	[tilespmem:s9], [sflag:$0x1] =	stream.indirect_vreg.gather [hbm4b:s3+s2], $0x80, v4, vm0, $0xb8;
	[tilespmem:$0x10100] =	vst v63  }
0x7d: {  	v3 =	vperm.xlane v3, v2  }
0x7e: {  	[tilespmem:s21], [sflag:$0x1] =	stream.indirect_vreg.gather [hbm4b:s4+s2], $0x80, v4, vm0, $0xb8;
	[tilespmem:$0x10100] =	vst v63  }
0x7f: {  	v3 =	vadd.s32 v1, v3  }
0x80: {  	[tilespmem:s22], [sflag:$0x1] =	stream.indirect_vreg.gather [hbm4b:s5+s2], $0x80, v4, vm0, $0xb8;
	[tilespmem:$0x10100] =	vst v63  }
0x81: {  	_ = 	snop  }
0x82: {  	[tilespmem:s23], [sflag:$0x1] =	stream.indirect_vreg.gather [hbm4b:s6+s2], $0x80, v4, vm0, $0xb8;
	[tilespmem:$0x10100] =	vst v63  }
0x83: {  	_ = 	snop  }
0x84: {  	[tilespmem:s24], [sflag:$0x1] =	stream.indirect_vreg.gather [hbm4b:s3+s2], $0x80, v3, vm0, $0xb8;
	[tilespmem:$0x10100] =	vst v63  }
0x85: {  	_ = 	snop  }
0x86: {  	[tilespmem:s26], [sflag:$0x1] =	stream.indirect_vreg.gather [hbm4b:s4+s2], $0x80, v3, vm0, $0xb8;
	[tilespmem:$0x10100] =	vst v63  }
0x87: {  	_ = 	snop  }
0x88: {  	[tilespmem:s28], [sflag:$0x1] =	stream.indirect_vreg.gather [hbm4b:s5+s2], $0x80, v3, vm0, $0xb8;
	[tilespmem:$0x10100] =	vst v63  }
0x89: {  	_ = 	snop  }
0x8a: {  	[tilespmem:s29], [sflag:$0x1] =	stream.indirect_vreg.gather [hbm4b:s6+s2], $0x80, v3, vm0, $0xb8;
	[tilespmem:$0x10100] =	vst v63  }
0x8b: {  	v3 =	vld [tilespmem:$0x50];
	_ =	sdelay $0x4  }
0x8c: {  	v53 =	vshll.u32 v3, $0x3  }
0x8d: {  	v3 =	vand.u32 $0x7, v3;
	v4 =	vand.u32 $0xFFFFFFC0, v53  }
0x8e: {  	v3 =	vor.u32 v3, v4  }
0x8f: {  	v4 =	vperm.xlane v3, v0;
	_ =	sdelay $0x1  }
0x90: {  	v4 =	vadd.s32 v1, v4;
	_ =	sdelay $0x4  }
0x91: {  	[tilespmem:s30], [sflag:$0x1] =	stream.indirect_vreg.gather [hbm4b:s3+s2], $0x80, v4, vm0, $0xb8;
	[tilespmem:$0x10100] =	vst v63  }
0x92: {  	v3 =	vperm.xlane v3, v2  }
0x93: {  	[tilespmem:s31], [sflag:$0x1] =	stream.indirect_vreg.gather [hbm4b:s4+s2], $0x80, v4, vm0, $0xb8;
	[tilespmem:$0x10100] =	vst v63  }
0x94: {  	v3 =	vadd.s32 v1, v3  }
0x95: {  	[tilespmem:s16], [sflag:$0x1] =	stream.indirect_vreg.gather [hbm4b:s5+s2], $0x80, v4, vm0, $0xb8;
	[tilespmem:$0x10100] =	vst v63  }
0x96: {  	_ = 	snop  }
0x97: {  	[tilespmem:s15], [sflag:$0x1] =	stream.indirect_vreg.gather [hbm4b:s6+s2], $0x80, v4, vm0, $0xb8;
	[tilespmem:$0x10100] =	vst v63  }
0x98: {  	_ = 	snop  }
0x99: {  	[tilespmem:s10], [sflag:$0x1] =	stream.indirect_vreg.gather [hbm4b:s3+s2], $0x80, v3, vm0, $0xb8;
	[tilespmem:$0x10100] =	vst v63  }
0x9a: {  	_ = 	snop  }
0x9b: {  	[tilespmem:s11], [sflag:$0x1] =	stream.indirect_vreg.gather [hbm4b:s4+s2], $0x80, v3, vm0, $0xb8;
	[tilespmem:$0x10100] =	vst v63  }
0x9c: {  	_ = 	snop  }
0x9d: {  	[tilespmem:s12], [sflag:$0x1] =	stream.indirect_vreg.gather [hbm4b:s5+s2], $0x80, v3, vm0, $0xb8;
	[tilespmem:$0x10100] =	vst v63  }
0x9e: {  	_ = 	snop  }
0x9f: {  	[tilespmem:s13], [sflag:$0x1] =	stream.indirect_vreg.gather [hbm4b:s6+s2], $0x80, v3, vm0, $0xb8;
	[tilespmem:$0x10100] =	vst v63  }
0xa0: {  	_ =	swait.ge [sflag:s19], $0x8000  }
0xa1: {  	[sflag:s19] =	ssyncset.done $0x0  }
0xa2: {  	s1 =	rddreg [dreg:$0x4];
	[sflag:s19] =	ssyncadd.s32 $0xFFFF8000  }
0xa3: {  	[hbm4b:s1+s2] =	stream.linear.scatter [tilespmem:s25], [sflag:$0x3], $0x8000, $0x38;
	[tilespmem:$0x10100] =	vst v63  }
0xa4: {  	_ =	swait.ge [sflag:s8], $0x8000  }
0xa5: {  	[sflag:s8] =	ssyncset.done $0x0  }
0xa6: {  	[sflag:s8] =	ssyncadd.s32 $0xFFFF8000  }
0xa7: {  	v3 =	vld [tilespmem:$0x60];
	_ =	sdelay $0x4  }
0xa8: {  	v54 =	vshll.u32 v3, $0x3  }
0xa9: {  	v3 =	vand.u32 $0x7, v3;
	v4 =	vand.u32 $0xFFFFFFC0, v54  }
0xaa: {  	v3 =	vor.u32 v3, v4  }
0xab: {  	v4 =	vperm.xlane v3, v0;
	_ =	sdelay $0x1  }
0xac: {  	v4 =	vadd.s32 v1, v4;
	_ =	sdelay $0x4  }
0xad: {  	[tilespmem:s25], [sflag:$0x2] =	stream.indirect_vreg.gather [hbm4b:s3+s2], $0x80, v4, vm0, $0xb8;
	[tilespmem:$0x10100] =	vst v63  }
0xae: {  	s0 =	simm.s32 $0x8900;
	v3 =	vperm.xlane v3, v2  }
0xaf: {  	[tilespmem:s0], [sflag:$0x2] =	stream.indirect_vreg.gather [hbm4b:s4+s2], $0x80, v4, vm0, $0xb8;
	[tilespmem:$0x10100] =	vst v63  }
0xb0: {  	v3 =	vadd.s32 v1, v3;
	s0 =	simm.s32 $0x9100  }
0xb1: {  	[tilespmem:s0], [sflag:$0x2] =	stream.indirect_vreg.gather [hbm4b:s5+s2], $0x80, v4, vm0, $0xb8;
	[tilespmem:$0x10100] =	vst v63  }
0xb2: {  	s1 =	simm.s32 $0x9900  }
0xb3: {  	[tilespmem:s1], [sflag:$0x2] =	stream.indirect_vreg.gather [hbm4b:s6+s2], $0x80, v4, vm0, $0xb8;
	[tilespmem:$0x10100] =	vst v63  }
0xb4: {  	s20 =	simm.s32 $0xA100  }
0xb5: {  	[tilespmem:s20], [sflag:$0x2] =	stream.indirect_vreg.gather [hbm4b:s3+s2], $0x80, v3, vm0, $0xb8;
	[tilespmem:$0x10100] =	vst v63  }
0xb6: {  	s20 =	simm.s32 $0xA900  }
0xb7: {  	[tilespmem:s20], [sflag:$0x2] =	stream.indirect_vreg.gather [hbm4b:s4+s2], $0x80, v3, vm0, $0xb8;
	[tilespmem:$0x10100] =	vst v63  }
0xb8: {  	s20 =	simm.s32 $0xB100  }
0xb9: {  	[tilespmem:s20], [sflag:$0x2] =	stream.indirect_vreg.gather [hbm4b:s5+s2], $0x80, v3, vm0, $0xb8;
	[tilespmem:$0x10100] =	vst v63  }
0xba: {  	s14 =	simm.s32 $0xB900  }
0xbb: {  	[tilespmem:s14], [sflag:$0x2] =	stream.indirect_vreg.gather [hbm4b:s6+s2], $0x80, v3, vm0, $0xb8;
	[tilespmem:$0x10100] =	vst v63  }
0xbc: {  	v3 =	vld [tilespmem:$0x70];
	_ =	sdelay $0x4  }
0xbd: {  	v55 =	vshll.u32 v3, $0x3  }
0xbe: {  	v3 =	vand.u32 $0x7, v3;
	v4 =	vand.u32 $0xFFFFFFC0, v55  }
0xbf: {  	v3 =	vor.u32 v3, v4  }
0xc0: {  	v4 =	vperm.xlane v3, v0;
	_ =	sdelay $0x1  }
0xc1: {  	v4 =	vadd.s32 v1, v4;
	_ =	sdelay $0x3  }
0xc2: {  	s17 =	simm.s32 $0xC100  }
0xc3: {  	[tilespmem:s17], [sflag:$0x2] =	stream.indirect_vreg.gather [hbm4b:s3+s2], $0x80, v4, vm0, $0xb8;
	[tilespmem:$0x10100] =	vst v63  }
0xc4: {  	s20 =	simm.s32 $0xC900;
	v3 =	vperm.xlane v3, v2  }
0xc5: {  	[tilespmem:s20], [sflag:$0x2] =	stream.indirect_vreg.gather [hbm4b:s4+s2], $0x80, v4, vm0, $0xb8;
	[tilespmem:$0x10100] =	vst v63  }
0xc6: {  	v3 =	vadd.s32 v1, v3;
	s17 =	simm.s32 $0xD100  }
0xc7: {  	[tilespmem:s17], [sflag:$0x2] =	stream.indirect_vreg.gather [hbm4b:s5+s2], $0x80, v4, vm0, $0xb8;
	[tilespmem:$0x10100] =	vst v63  }
0xc8: {  	s20 =	simm.s32 $0xD900  }
0xc9: {  	[tilespmem:s20], [sflag:$0x2] =	stream.indirect_vreg.gather [hbm4b:s6+s2], $0x80, v4, vm0, $0xb8;
	[tilespmem:$0x10100] =	vst v63  }
0xca: {  	s17 =	simm.s32 $0xE100  }
0xcb: {  	[tilespmem:s17], [sflag:$0x2] =	stream.indirect_vreg.gather [hbm4b:s3+s2], $0x80, v3, vm0, $0xb8;
	[tilespmem:$0x10100] =	vst v63  }
0xcc: {  	s20 =	simm.s32 $0xE900  }
0xcd: {  	[tilespmem:s20], [sflag:$0x2] =	stream.indirect_vreg.gather [hbm4b:s4+s2], $0x80, v3, vm0, $0xb8;
	[tilespmem:$0x10100] =	vst v63  }
0xce: {  	s17 =	simm.s32 $0xF100  }
0xcf: {  	[tilespmem:s17], [sflag:$0x2] =	stream.indirect_vreg.gather [hbm4b:s5+s2], $0x80, v3, vm0, $0xb8;
	[tilespmem:$0x10100] =	vst v63  }
0xd0: {  	s20 =	simm.s32 $0xF900  }
0xd1: {  	[tilespmem:s20], [sflag:$0x2] =	stream.indirect_vreg.gather [hbm4b:s6+s2], $0x80, v3, vm0, $0xb8;
	[tilespmem:$0x10100] =	vst v63  }
0xd2: {  	_ =	swait.ge [sflag:s18], $0x8000  }
0xd3: {  	[sflag:s18] =	ssyncset.done $0x0  }
0xd4: {  	s17 =	rddreg [dreg:$0x5];
	[sflag:s18] =	ssyncadd.s32 $0xFFFF8000  }
0xd5: {  	[hbm4b:s17+s2] =	stream.linear.scatter [tilespmem:s9], [sflag:$0x3], $0x8000, $0x38;
	[tilespmem:$0x10100] =	vst v63  }
0xd6: {  	_ =	swait.ge [sflag:s8], $0x8000  }
0xd7: {  	[sflag:s8] =	ssyncset.done $0x0  }
0xd8: {  	[sflag:s8] =	ssyncadd.s32 $0xFFFF8000  }
0xd9: {  	v3 =	vld [tilespmem:$0x80];
	_ =	sdelay $0x4  }
0xda: {  	v56 =	vshll.u32 v3, $0x3  }
0xdb: {  	v3 =	vand.u32 $0x7, v3;
	v4 =	vand.u32 $0xFFFFFFC0, v56  }
0xdc: {  	v3 =	vor.u32 v3, v4  }
0xdd: {  	v4 =	vperm.xlane v3, v0;
	_ =	sdelay $0x1  }
0xde: {  	v4 =	vadd.s32 v1, v4;
	_ =	sdelay $0x4  }
0xdf: {  	[tilespmem:s9], [sflag:$0x1] =	stream.indirect_vreg.gather [hbm4b:s3+s2], $0x80, v4, vm0, $0xb8;
	[tilespmem:$0x10100] =	vst v63  }
0xe0: {  	v3 =	vperm.xlane v3, v2  }
0xe1: {  	[tilespmem:s21], [sflag:$0x1] =	stream.indirect_vreg.gather [hbm4b:s4+s2], $0x80, v4, vm0, $0xb8;
	[tilespmem:$0x10100] =	vst v63  }
0xe2: {  	v3 =	vadd.s32 v1, v3  }
0xe3: {  	[tilespmem:s22], [sflag:$0x1] =	stream.indirect_vreg.gather [hbm4b:s5+s2], $0x80, v4, vm0, $0xb8;
	[tilespmem:$0x10100] =	vst v63  }
0xe4: {  	_ = 	snop  }
0xe5: {  	[tilespmem:s23], [sflag:$0x1] =	stream.indirect_vreg.gather [hbm4b:s6+s2], $0x80, v4, vm0, $0xb8;
	[tilespmem:$0x10100] =	vst v63  }
0xe6: {  	_ = 	snop  }
0xe7: {  	[tilespmem:s24], [sflag:$0x1] =	stream.indirect_vreg.gather [hbm4b:s3+s2], $0x80, v3, vm0, $0xb8;
	[tilespmem:$0x10100] =	vst v63  }
0xe8: {  	_ = 	snop  }
0xe9: {  	[tilespmem:s26], [sflag:$0x1] =	stream.indirect_vreg.gather [hbm4b:s4+s2], $0x80, v3, vm0, $0xb8;
	[tilespmem:$0x10100] =	vst v63  }
0xea: {  	_ = 	snop  }
0xeb: {  	[tilespmem:s28], [sflag:$0x1] =	stream.indirect_vreg.gather [hbm4b:s5+s2], $0x80, v3, vm0, $0xb8;
	[tilespmem:$0x10100] =	vst v63  }
0xec: {  	_ = 	snop  }
0xed: {  	[tilespmem:s29], [sflag:$0x1] =	stream.indirect_vreg.gather [hbm4b:s6+s2], $0x80, v3, vm0, $0xb8;
	[tilespmem:$0x10100] =	vst v63  }
0xee: {  	v3 =	vld [tilespmem:$0x90];
	_ =	sdelay $0x4  }
0xef: {  	v57 =	vshll.u32 v3, $0x3  }
0xf0: {  	v3 =	vand.u32 $0x7, v3;
	v4 =	vand.u32 $0xFFFFFFC0, v57  }
0xf1: {  	v3 =	vor.u32 v3, v4  }
0xf2: {  	v4 =	vperm.xlane v3, v0;
	_ =	sdelay $0x1  }
0xf3: {  	v4 =	vadd.s32 v1, v4;
	_ =	sdelay $0x4  }
0xf4: {  	[tilespmem:s30], [sflag:$0x1] =	stream.indirect_vreg.gather [hbm4b:s3+s2], $0x80, v4, vm0, $0xb8;
	[tilespmem:$0x10100] =	vst v63  }
0xf5: {  	v3 =	vperm.xlane v3, v2  }
0xf6: {  	[tilespmem:s31], [sflag:$0x1] =	stream.indirect_vreg.gather [hbm4b:s4+s2], $0x80, v4, vm0, $0xb8;
	[tilespmem:$0x10100] =	vst v63  }
0xf7: {  	v3 =	vadd.s32 v1, v3  }
0xf8: {  	[tilespmem:s16], [sflag:$0x1] =	stream.indirect_vreg.gather [hbm4b:s5+s2], $0x80, v4, vm0, $0xb8;
	[tilespmem:$0x10100] =	vst v63  }
0xf9: {  	_ = 	snop  }
0xfa: {  	[tilespmem:s15], [sflag:$0x1] =	stream.indirect_vreg.gather [hbm4b:s6+s2], $0x80, v4, vm0, $0xb8;
	[tilespmem:$0x10100] =	vst v63  }
0xfb: {  	_ = 	snop  }
0xfc: {  	[tilespmem:s10], [sflag:$0x1] =	stream.indirect_vreg.gather [hbm4b:s3+s2], $0x80, v3, vm0, $0xb8;
	[tilespmem:$0x10100] =	vst v63  }
0xfd: {  	_ = 	snop  }
0xfe: {  	[tilespmem:s11], [sflag:$0x1] =	stream.indirect_vreg.gather [hbm4b:s4+s2], $0x80, v3, vm0, $0xb8;
	[tilespmem:$0x10100] =	vst v63  }
0xff: {  	_ = 	snop  }
0x100: {  	[tilespmem:s12], [sflag:$0x1] =	stream.indirect_vreg.gather [hbm4b:s5+s2], $0x80, v3, vm0, $0xb8;
	[tilespmem:$0x10100] =	vst v63  }
0x101: {  	_ = 	snop  }
0x102: {  	[tilespmem:s13], [sflag:$0x1] =	stream.indirect_vreg.gather [hbm4b:s6+s2], $0x80, v3, vm0, $0xb8;
	[tilespmem:$0x10100] =	vst v63  }
0x103: {  	_ =	swait.ge [sflag:s19], $0x8000  }
0x104: {  	[sflag:s19] =	ssyncset.done $0x0  }
0x105: {  	s14 =	rddreg [dreg:$0x6];
	[sflag:s19] =	ssyncadd.s32 $0xFFFF8000  }
0x106: {  	[hbm4b:s14+s2] =	stream.linear.scatter [tilespmem:s25], [sflag:$0x3], $0x8000, $0x38;
	[tilespmem:$0x10100] =	vst v63  }
0x107: {  	_ =	swait.ge [sflag:s8], $0x8000  }
0x108: {  	[sflag:s8] =	ssyncset.done $0x0  }
0x109: {  	[sflag:s8] =	ssyncadd.s32 $0xFFFF8000  }
0x10a: {  	v3 =	vld [tilespmem:$0xA0];
	_ =	sdelay $0x4  }
0x10b: {  	v58 =	vshll.u32 v3, $0x3  }
0x10c: {  	v3 =	vand.u32 $0x7, v3;
	v4 =	vand.u32 $0xFFFFFFC0, v58  }
0x10d: {  	v3 =	vor.u32 v3, v4  }
0x10e: {  	v4 =	vperm.xlane v3, v0;
	_ =	sdelay $0x1  }
0x10f: {  	v4 =	vadd.s32 v1, v4;
	_ =	sdelay $0x4  }
0x110: {  	[tilespmem:s25], [sflag:$0x2] =	stream.indirect_vreg.gather [hbm4b:s3+s2], $0x80, v4, vm0, $0xb8;
	[tilespmem:$0x10100] =	vst v63  }
0x111: {  	s17 =	simm.s32 $0x8900;
	v3 =	vperm.xlane v3, v2  }
0x112: {  	[tilespmem:s17], [sflag:$0x2] =	stream.indirect_vreg.gather [hbm4b:s4+s2], $0x80, v4, vm0, $0xb8;
	[tilespmem:$0x10100] =	vst v63  }
0x113: {  	v3 =	vadd.s32 v1, v3  }
0x114: {  	[tilespmem:s0], [sflag:$0x2] =	stream.indirect_vreg.gather [hbm4b:s5+s2], $0x80, v4, vm0, $0xb8;
	[tilespmem:$0x10100] =	vst v63  }
0x115: {  	_ = 	snop  }
0x116: {  	[tilespmem:s1], [sflag:$0x2] =	stream.indirect_vreg.gather [hbm4b:s6+s2], $0x80, v4, vm0, $0xb8;
	[tilespmem:$0x10100] =	vst v63  }
0x117: {  	s20 =	simm.s32 $0xA100  }
0x118: {  	[tilespmem:s20], [sflag:$0x2] =	stream.indirect_vreg.gather [hbm4b:s3+s2], $0x80, v3, vm0, $0xb8;
	[tilespmem:$0x10100] =	vst v63  }
0x119: {  	s17 =	simm.s32 $0xA900  }
0x11a: {  	[tilespmem:s17], [sflag:$0x2] =	stream.indirect_vreg.gather [hbm4b:s4+s2], $0x80, v3, vm0, $0xb8;
	[tilespmem:$0x10100] =	vst v63  }
0x11b: {  	s20 =	simm.s32 $0xB100  }
0x11c: {  	[tilespmem:s20], [sflag:$0x2] =	stream.indirect_vreg.gather [hbm4b:s5+s2], $0x80, v3, vm0, $0xb8;
	[tilespmem:$0x10100] =	vst v63  }
0x11d: {  	s20 =	simm.s32 $0xB900  }
0x11e: {  	[tilespmem:s20], [sflag:$0x2] =	stream.indirect_vreg.gather [hbm4b:s6+s2], $0x80, v3, vm0, $0xb8;
	[tilespmem:$0x10100] =	vst v63  }
0x11f: {  	v3 =	vld [tilespmem:$0xB0];
	_ =	sdelay $0x4  }
0x120: {  	v59 =	vshll.u32 v3, $0x3  }
0x121: {  	v3 =	vand.u32 $0x7, v3;
	v4 =	vand.u32 $0xFFFFFFC0, v59  }
0x122: {  	v3 =	vor.u32 v3, v4  }
0x123: {  	v4 =	vperm.xlane v3, v0;
	_ =	sdelay $0x1  }
0x124: {  	v4 =	vadd.s32 v1, v4;
	_ =	sdelay $0x3  }
0x125: {  	s20 =	simm.s32 $0xC100  }
0x126: {  	[tilespmem:s20], [sflag:$0x2] =	stream.indirect_vreg.gather [hbm4b:s3+s2], $0x80, v4, vm0, $0xb8;
	[tilespmem:$0x10100] =	vst v63  }
0x127: {  	v3 =	vperm.xlane v3, v2;
	s20 =	simm.s32 $0xC900  }
0x128: {  	[tilespmem:s20], [sflag:$0x2] =	stream.indirect_vreg.gather [hbm4b:s4+s2], $0x80, v4, vm0, $0xb8;
	[tilespmem:$0x10100] =	vst v63  }
0x129: {  	v3 =	vadd.s32 v1, v3;
	s20 =	simm.s32 $0xD100  }
0x12a: {  	[tilespmem:s20], [sflag:$0x2] =	stream.indirect_vreg.gather [hbm4b:s5+s2], $0x80, v4, vm0, $0xb8;
	[tilespmem:$0x10100] =	vst v63  }
0x12b: {  	s20 =	simm.s32 $0xD900  }
0x12c: {  	[tilespmem:s20], [sflag:$0x2] =	stream.indirect_vreg.gather [hbm4b:s6+s2], $0x80, v4, vm0, $0xb8;
	[tilespmem:$0x10100] =	vst v63  }
0x12d: {  	s20 =	simm.s32 $0xE100  }
0x12e: {  	[tilespmem:s20], [sflag:$0x2] =	stream.indirect_vreg.gather [hbm4b:s3+s2], $0x80, v3, vm0, $0xb8;
	[tilespmem:$0x10100] =	vst v63  }
0x12f: {  	s20 =	simm.s32 $0xE900  }
0x130: {  	[tilespmem:s20], [sflag:$0x2] =	stream.indirect_vreg.gather [hbm4b:s4+s2], $0x80, v3, vm0, $0xb8;
	[tilespmem:$0x10100] =	vst v63  }
0x131: {  	s20 =	simm.s32 $0xF100  }
0x132: {  	[tilespmem:s20], [sflag:$0x2] =	stream.indirect_vreg.gather [hbm4b:s5+s2], $0x80, v3, vm0, $0xb8;
	[tilespmem:$0x10100] =	vst v63  }
0x133: {  	s20 =	simm.s32 $0xF900  }
0x134: {  	[tilespmem:s20], [sflag:$0x2] =	stream.indirect_vreg.gather [hbm4b:s6+s2], $0x80, v3, vm0, $0xb8;
	[tilespmem:$0x10100] =	vst v63  }
0x135: {  	_ =	swait.ge [sflag:s18], $0x8000  }
0x136: {  	[sflag:s18] =	ssyncset.done $0x0  }
0x137: {  	s20 =	rddreg [dreg:$0x7];
	[sflag:s18] =	ssyncadd.s32 $0xFFFF8000  }
0x138: {  	[hbm4b:s20+s2] =	stream.linear.scatter [tilespmem:s9], [sflag:$0x3], $0x8000, $0x38;
	[tilespmem:$0x10100] =	vst v63  }
0x139: {  	_ =	swait.ge [sflag:s8], $0x8000  }
0x13a: {  	[sflag:s8] =	ssyncset.done $0x0  }
0x13b: {  	[sflag:s8] =	ssyncadd.s32 $0xFFFF8000  }
0x13c: {  	v3 =	vld [tilespmem:$0xC0];
	_ =	sdelay $0x4  }
0x13d: {  	v60 =	vshll.u32 v3, $0x3  }
0x13e: {  	v3 =	vand.u32 $0x7, v3;
	v4 =	vand.u32 $0xFFFFFFC0, v60  }
0x13f: {  	v3 =	vor.u32 v3, v4  }
0x140: {  	v4 =	vperm.xlane v3, v0;
	_ =	sdelay $0x1  }
0x141: {  	v4 =	vadd.s32 v1, v4;
	_ =	sdelay $0x4  }
0x142: {  	[tilespmem:s9], [sflag:$0x1] =	stream.indirect_vreg.gather [hbm4b:s3+s2], $0x80, v4, vm0, $0xb8;
	[tilespmem:$0x10100] =	vst v63  }
0x143: {  	v3 =	vperm.xlane v3, v2  }
0x144: {  	[tilespmem:s21], [sflag:$0x1] =	stream.indirect_vreg.gather [hbm4b:s4+s2], $0x80, v4, vm0, $0xb8;
	[tilespmem:$0x10100] =	vst v63  }
0x145: {  	v3 =	vadd.s32 v1, v3  }
0x146: {  	[tilespmem:s22], [sflag:$0x1] =	stream.indirect_vreg.gather [hbm4b:s5+s2], $0x80, v4, vm0, $0xb8;
	[tilespmem:$0x10100] =	vst v63  }
0x147: {  	_ = 	snop  }
0x148: {  	[tilespmem:s23], [sflag:$0x1] =	stream.indirect_vreg.gather [hbm4b:s6+s2], $0x80, v4, vm0, $0xb8;
	[tilespmem:$0x10100] =	vst v63  }
0x149: {  	_ = 	snop  }
0x14a: {  	[tilespmem:s24], [sflag:$0x1] =	stream.indirect_vreg.gather [hbm4b:s3+s2], $0x80, v3, vm0, $0xb8;
	[tilespmem:$0x10100] =	vst v63  }
0x14b: {  	_ = 	snop  }
0x14c: {  	[tilespmem:s26], [sflag:$0x1] =	stream.indirect_vreg.gather [hbm4b:s4+s2], $0x80, v3, vm0, $0xb8;
	[tilespmem:$0x10100] =	vst v63  }
0x14d: {  	_ = 	snop  }
0x14e: {  	[tilespmem:s28], [sflag:$0x1] =	stream.indirect_vreg.gather [hbm4b:s5+s2], $0x80, v3, vm0, $0xb8;
	[tilespmem:$0x10100] =	vst v63  }
0x14f: {  	_ = 	snop  }
0x150: {  	[tilespmem:s29], [sflag:$0x1] =	stream.indirect_vreg.gather [hbm4b:s6+s2], $0x80, v3, vm0, $0xb8;
	[tilespmem:$0x10100] =	vst v63  }
0x151: {  	v3 =	vld [tilespmem:$0xD0];
	_ =	sdelay $0x4  }
0x152: {  	v61 =	vshll.u32 v3, $0x3  }
0x153: {  	v3 =	vand.u32 $0x7, v3;
	v4 =	vand.u32 $0xFFFFFFC0, v61  }
0x154: {  	v3 =	vor.u32 v3, v4  }
0x155: {  	v4 =	vperm.xlane v3, v0;
	_ =	sdelay $0x1  }
0x156: {  	v4 =	vadd.s32 v1, v4;
	_ =	sdelay $0x4  }
0x157: {  	[tilespmem:s30], [sflag:$0x1] =	stream.indirect_vreg.gather [hbm4b:s3+s2], $0x80, v4, vm0, $0xb8;
	[tilespmem:$0x10100] =	vst v63  }
0x158: {  	v3 =	vperm.xlane v3, v2  }
0x159: {  	[tilespmem:s31], [sflag:$0x1] =	stream.indirect_vreg.gather [hbm4b:s4+s2], $0x80, v4, vm0, $0xb8;
	[tilespmem:$0x10100] =	vst v63  }
0x15a: {  	v3 =	vadd.s32 v1, v3  }
0x15b: {  	[tilespmem:s16], [sflag:$0x1] =	stream.indirect_vreg.gather [hbm4b:s5+s2], $0x80, v4, vm0, $0xb8;
	[tilespmem:$0x10100] =	vst v63  }
0x15c: {  	_ = 	snop  }
0x15d: {  	[tilespmem:s15], [sflag:$0x1] =	stream.indirect_vreg.gather [hbm4b:s6+s2], $0x80, v4, vm0, $0xb8;
	[tilespmem:$0x10100] =	vst v63  }
0x15e: {  	_ = 	snop  }
0x15f: {  	[tilespmem:s10], [sflag:$0x1] =	stream.indirect_vreg.gather [hbm4b:s3+s2], $0x80, v3, vm0, $0xb8;
	[tilespmem:$0x10100] =	vst v63  }
0x160: {  	_ = 	snop  }
0x161: {  	[tilespmem:s11], [sflag:$0x1] =	stream.indirect_vreg.gather [hbm4b:s4+s2], $0x80, v3, vm0, $0xb8;
	[tilespmem:$0x10100] =	vst v63  }
0x162: {  	_ = 	snop  }
0x163: {  	[tilespmem:s12], [sflag:$0x1] =	stream.indirect_vreg.gather [hbm4b:s5+s2], $0x80, v3, vm0, $0xb8;
	[tilespmem:$0x10100] =	vst v63  }
0x164: {  	_ = 	snop  }
0x165: {  	[tilespmem:s13], [sflag:$0x1] =	stream.indirect_vreg.gather [hbm4b:s6+s2], $0x80, v3, vm0, $0xb8;
	[tilespmem:$0x10100] =	vst v63  }
0x166: {  	_ =	swait.ge [sflag:s19], $0x8000  }
0x167: {  	[sflag:s19] =	ssyncset.done $0x0  }
0x168: {  	s10 =	rddreg [dreg:$0x8];
	[sflag:s19] =	ssyncadd.s32 $0xFFFF8000  }
0x169: {  	[hbm4b:s10+s2] =	stream.linear.scatter [tilespmem:s25], [sflag:$0x3], $0x8000, $0x38;
	[tilespmem:$0x10100] =	vst v63  }
0x16a: {  	_ =	swait.ge [sflag:s8], $0x8000  }
0x16b: {  	[sflag:s8] =	ssyncset.done $0x0  }
0x16c: {  	[sflag:s8] =	ssyncadd.s32 $0xFFFF8000  }
0x16d: {  	v3 =	vld [tilespmem:$0xE0];
	_ =	sdelay $0x4  }
0x16e: {  	v62 =	vshll.u32 v3, $0x3  }
0x16f: {  	v3 =	vand.u32 $0x7, v3;
	v4 =	vand.u32 $0xFFFFFFC0, v62  }
0x170: {  	v3 =	vor.u32 v3, v4  }
0x171: {  	v4 =	vperm.xlane v3, v0;
	_ =	sdelay $0x1  }
0x172: {  	v4 =	vadd.s32 v1, v4;
	_ =	sdelay $0x4  }
0x173: {  	[tilespmem:s25], [sflag:$0x2] =	stream.indirect_vreg.gather [hbm4b:s3+s2], $0x80, v4, vm0, $0xb8;
	[tilespmem:$0x10100] =	vst v63  }
0x174: {  	s20 =	simm.s32 $0x8900;
	v3 =	vperm.xlane v3, v2  }
0x175: {  	[tilespmem:s20], [sflag:$0x2] =	stream.indirect_vreg.gather [hbm4b:s4+s2], $0x80, v4, vm0, $0xb8;
	[tilespmem:$0x10100] =	vst v63  }
0x176: {  	s0 =	simm.s32 $0x9100;
	v3 =	vadd.s32 v1, v3  }
0x177: {  	[tilespmem:s0], [sflag:$0x2] =	stream.indirect_vreg.gather [hbm4b:s5+s2], $0x80, v4, vm0, $0xb8;
	[tilespmem:$0x10100] =	vst v63  }
0x178: {  	s1 =	simm.s32 $0x9900  }
0x179: {  	[tilespmem:s1], [sflag:$0x2] =	stream.indirect_vreg.gather [hbm4b:s6+s2], $0x80, v4, vm0, $0xb8;
	[tilespmem:$0x10100] =	vst v63  }
0x17a: {  	s10 =	simm.s32 $0xA100  }
0x17b: {  	[tilespmem:s10], [sflag:$0x2] =	stream.indirect_vreg.gather [hbm4b:s3+s2], $0x80, v3, vm0, $0xb8;
	[tilespmem:$0x10100] =	vst v63  }
0x17c: {  	s14 =	simm.s32 $0xA900  }
0x17d: {  	[tilespmem:s14], [sflag:$0x2] =	stream.indirect_vreg.gather [hbm4b:s4+s2], $0x80, v3, vm0, $0xb8;
	[tilespmem:$0x10100] =	vst v63  }
0x17e: {  	s17 =	simm.s32 $0xB100  }
0x17f: {  	[tilespmem:s17], [sflag:$0x2] =	stream.indirect_vreg.gather [hbm4b:s5+s2], $0x80, v3, vm0, $0xb8;
	[tilespmem:$0x10100] =	vst v63  }
0x180: {  	s17 =	simm.s32 $0xB900  }
0x181: {  	[tilespmem:s17], [sflag:$0x2] =	stream.indirect_vreg.gather [hbm4b:s6+s2], $0x80, v3, vm0, $0xb8;
	[tilespmem:$0x10100] =	vst v63  }
0x182: {  	v3 =	vld [tilespmem:$0xF0];
	_ =	sdelay $0x4  }
0x183: {  	v63 =	vshll.u32 v3, $0x3  }
0x184: {  	v3 =	vand.u32 $0x7, v3;
	v4 =	vand.u32 $0xFFFFFFC0, v63  }
0x185: {  	v3 =	vor.u32 v3, v4  }
0x186: {  	v4 =	vperm.xlane v3, v0;
	_ =	sdelay $0x1  }
0x187: {  	v4 =	vadd.s32 v1, v4;
	_ =	sdelay $0x3  }
0x188: {  	s20 =	simm.s32 $0xC100  }
0x189: {  	[tilespmem:s20], [sflag:$0x2] =	stream.indirect_vreg.gather [hbm4b:s3+s2], $0x80, v4, vm0, $0xb8;
	[tilespmem:$0x10100] =	vst v63  }
0x18a: {  	s1 =	simm.s32 $0xC900;
	v3 =	vperm.xlane v3, v2  }
0x18b: {  	[tilespmem:s1], [sflag:$0x2] =	stream.indirect_vreg.gather [hbm4b:s4+s2], $0x80, v4, vm0, $0xb8;
	[tilespmem:$0x10100] =	vst v63  }
0x18c: {  	s10 =	simm.s32 $0xD100;
	v3 =	vadd.s32 v1, v3  }
0x18d: {  	[tilespmem:s10], [sflag:$0x2] =	stream.indirect_vreg.gather [hbm4b:s5+s2], $0x80, v4, vm0, $0xb8;
	[tilespmem:$0x10100] =	vst v63  }
0x18e: {  	s14 =	simm.s32 $0xD900  }
0x18f: {  	[tilespmem:s14], [sflag:$0x2] =	stream.indirect_vreg.gather [hbm4b:s6+s2], $0x80, v4, vm0, $0xb8;
	[tilespmem:$0x10100] =	vst v63  }
0x190: {  	s17 =	simm.s32 $0xE100  }
0x191: {  	[tilespmem:s17], [sflag:$0x2] =	stream.indirect_vreg.gather [hbm4b:s3+s2], $0x80, v3, vm0, $0xb8;
	[tilespmem:$0x10100] =	vst v63  }
0x192: {  	s20 =	simm.s32 $0xE900  }
0x193: {  	[tilespmem:s20], [sflag:$0x2] =	stream.indirect_vreg.gather [hbm4b:s4+s2], $0x80, v3, vm0, $0xb8;
	[tilespmem:$0x10100] =	vst v63  }
0x194: {  	s1 =	simm.s32 $0xF100  }
0x195: {  	[tilespmem:s1], [sflag:$0x2] =	stream.indirect_vreg.gather [hbm4b:s5+s2], $0x80, v3, vm0, $0xb8;
	[tilespmem:$0x10100] =	vst v63  }
0x196: {  	s10 =	simm.s32 $0xF900  }
0x197: {  	[tilespmem:s10], [sflag:$0x2] =	stream.indirect_vreg.gather [hbm4b:s6+s2], $0x80, v3, vm0, $0xb8;
	[tilespmem:$0x10100] =	vst v63  }
0x198: {  	_ =	swait.ge [sflag:s18], $0x8000  }
0x199: {  	[sflag:s18] =	ssyncset.done $0x0  }
0x19a: {  	s14 =	rddreg [dreg:$0x9];
	[sflag:s18] =	ssyncadd.s32 $0xFFFF8000  }
0x19b: {  	[hbm4b:s14+s2] =	stream.linear.scatter [tilespmem:s9], [sflag:$0x3], $0x8000, $0x38;
	[tilespmem:$0x10100] =	vst v63  }
0x19c: {  	_ =	swait.ge [sflag:s8], $0x8000  }
0x19d: {  	[sflag:s8] =	ssyncset.done $0x0  }
0x19e: {  	[sflag:s8] =	ssyncadd.s32 $0xFFFF8000  }
0x19f: {  	_ =	swait.ge [sflag:s19], $0x8000  }
0x1a0: {  	p0 =	sne.s32 s7, $0x1;
	[sflag:s19] =	ssyncset.done $0x0  }
.Ltmp0:
0x1a1: {  	s17 =	rddreg [dreg:$0xa];
	[sflag:s19] =	ssyncadd.s32 $0xFFFF8000;
	(pc) =	sbr.rel @p0 .LBB2_1-.Ltmp0, $4  }
0x1a2: {  	[hbm4b:s17+s2] =	stream.linear.scatter [tilespmem:s25], [sflag:$0x3], $0x8000, $0x38;
	[tilespmem:$0x10100] =	vst v63  }
0x1a3: {  	_ =	swait.ge [sflag:s8], $0x8000  }
0x1a4: {  	[sflag:s8] =	ssyncset.done $0x0  }
0x1a5: {  	s7 =	sadd.s32 $0xFFFFFFFF, s7;
	[sflag:s8] =	ssyncadd.s32 $0xFFFF8000  }
0x1a6: {  	_ =	sfence.sel $0x180000  }
0x1a7: {  	[bflag:$0x0] =	sbarrier.arrive $0xFFFF  }
0x1a8: {  	_ =	strace $0x9000004A  }
0x1a9: {  	s0 =	stileid.u32;
	[bflag:$0x2] =	sbarrier.arrive $0xFFFF  }
0x1aa: {  	p0 =	sne.s32 s0, $0x0;
	s0 =	rddreg [dreg:$0x1]  }
0x1ab: {  	s0 =	sadd.s32 @!p0 $0x100000, s0  }
0x1ac: {  	[sflag:s0] =	ssyncadd.tile.s32 @!p0 $0x1;
	_ =	shalt  }
.Lfunc_end2:
_tile_overlayer_lowered:
.L_overlay_start_2:
0x1ad: {  	(tag) =	ssettag $0x2  }
0x1ae: {  	s0 =	rddreg [dreg:$0x0];
	s2 =	stileid.u32  }
0x1af: {  	s1 =	rddreg [dreg:$0x1];
	p0 =	sne.s32 s2, $0x0  }
0x1b0: {  	s3 =	rddreg [dreg:$0x2];
	[bflag:$0x3] =	sbarrier.arrive $0xFFFF;
	s2 =	simm.s32 @!p0 $0x1C03  }
0x1b1: {  	[timem:s3], [sflag:s2] =	dma.local @!p0 [hbm:s0], s1  }
0x1b2: {  	s0 =	simm.s32 @!p0 $0x3  }
0x1b3: {  	_ =	swait.ge @!p0 [sflag:s0], s1  }
0x1b4: {  	s1 =	ssub.s32 @!p0 $0x0, s1;
	[sflag:s0] =	ssyncset.done @!p0 $0x0  }
0x1b5: {  	[sflag:s0] =	ssyncadd.s32 @!p0 s1  }
0x1b6: {  	[bflag:$0x3] =	sbarrier.arrive $0xFFFF  }
0x1b7: {  	_ =	shalt  }

// kernel: kernel.16.cloned.1.call-start
scs
__scs_entry_jumppad:
0x0: {  	(pc) =	sbr.rel $0x88, $3  }
0x1: {  	(tag) =	ssettag $0x0;
	lr =	simm.s32 $0x1  }
0x2: {  	[smem:$0x3F94] =	sst lr;
	_ =	strace $0xD0000000  }
0x3: {  	_ = 	snop  }
0x4: {  	_ = 	snop  }
0x5: {  	_ = 	snop  }
0x6: {  	_ = 	snop  }
0x7: {  	_ = 	snop  }
__scs_overlays_trampoline_lowered:
0x8: {  	[smem:$0x3FA3] =	sst s0  }
0x9: {  	[smem:$0x3FA4] =	sst s1  }
0xa: {  	[smem:$0x3FA5] =	sst s2  }
0xb: {  	[smem:$0x3FA6] =	sst s3  }
0xc: {  	[smem:$0x3FA7] =	sst s4  }
0xd: {  	[smem:$0x3FA8] =	sst s5  }
0xe: {  	[smem:$0x3FA9] =	sst s6  }
0xf: {  	[smem:$0x3FAA] =	sst s7  }
0x10: {  	[smem:$0x3FAB] =	sst s8  }
0x11: {  	[smem:$0x3FAC] =	sst s9;
	s0 =	simm.s32 @!p0 $0x0  }
0x12: {  	s1 =	sld [smem:$0x3F92];
	s0 =	simm.s32 @p0 $0x1  }
0x13: {  	[smem:$0x3FAD] =	sst s0;
	s0 =	simm.s32 @!p1 $0x0  }
0x14: {  	s2 =	sld [smem:$0x3F91];
	s0 =	simm.s32 @p1 $0x1  }
0x15: {  	[smem:$0x3FAE] =	sst s0;
	s0 =	simm.s32 @!p2 $0x0  }
0x16: {  	s3 =	sld [smem:$0x3FDB];
	s0 =	simm.s32 @p2 $0x1  }
0x17: {  	s4 =	simm.s32 $0x1BF5;
	[smem:$0x3FB0] =	sst s0  }
0x18: {  	s0 =	sld [smem:$0x3F93];
	_ =	swait.ge [sflag:s4], $0x0  }
0x19: {  	s7 =	sld [smem:$0x3F94]  }
0x1a: {  	s8 =	sadd.s32 $0xFFFFE003, lr  }
0x1b: {  	s9 =	sadd.s32 $0xFFFFFEF7, lr;
	s5 =	simm.s32 $0xFFFFFFFF;
	p2 =	slt.u32 s8, $0xFFFFF086  }
0x1c: {  	p1 =	slt.u32 s9, $0xF7A;
	s5 =	simm.s32 @!p2 $0x0  }
0x1d: {  	s5 =	simm.s32 @p1 $0x1;
	p0 =	seq.s32 s7, s2  }
0x1e: {  	s7 =	smul.u32 @!p0 $0xF7A, s2;
	p2 =	seq.s32 @!p0 s5, $0x0  }
0x1f: {  	s9 =	smul.u32 $0xF7A, s1;
	s8 =	simm.s32 @!p0 $0x1BF5;
	p2 =	por !p2, p0  }
0x20: {  	[sflag:s8] =	ssyncset.s32 @!p0 $0xFFFFF086;
	s6 =	sadd.s32 @!p0 s3, s7;
	s7 =	simm.s32 @!p0 $0x108  }
0x21: {  	s3 =	sadd.s32 s3, s9;
	s6 =	sadd.s32 @!p0 $0x88, s6;
	s7 =	simm.s32 @p2 $0x1082  }
0x22: {  	[simem:s7], [sflag:s8] =	dma.local @!p0 [hbm:s6], $0xF7A  }
0x23: {  	s9 =	sor.u32 $0xD0000000, s2;
	s6 =	simm.s32 $0x108;
	_ =	swait.ge @!p0 [sflag:s8], $0x0  }
0x24: {  	s3 =	sadd.s32 $0x88, s3;
	s6 =	simm.s32 @!p1 $0x1082;
	[sflag:s4] =	ssyncset.s32 $0xFFFFF086  }
0x25: {  	[simem:s6], [sflag:s4] =	dma.local [hbm:s3], $0xF7A  }
0x26: {  	[smem:$0x3F94] =	sst s1;
	(tag) =	ssettag s2;
	_ =	strace s9  }
0x27: {  	s1 =	sld [smem:$0x3FA4]  }
0x28: {  	s2 =	sld [smem:$0x3FA5]  }
0x29: {  	s4 =	sld [smem:$0x3FA7]  }
0x2a: {  	p0 =	seq.s32 s5, $0x0;
	s5 =	sld [smem:$0x3FA8]  }
0x2b: {  	s6 =	sld [smem:$0x3FA9]  }
0x2c: {  	s7 =	sld [smem:$0x3FAA]  }
0x2d: {  	s3 =	simm.s32 $0x108;
	s8 =	sld [smem:$0x3FAB]  }
0x2e: {  	s3 =	simm.s32 @!p0 $0x1082;
	s9 =	sld [smem:$0x3FAC]  }
0x2f: {  	lr =	sadd.s32 s0, s3;
	s0 =	sld [smem:$0x3FA3]  }
0x30: {  	s3 =	sld [smem:$0x3FA6]  }
0x31: {  	[smem:$0x3FAF] =	sst s10  }
0x32: {  	s10 =	sld [smem:$0x3FAD];
	_ =	sdelay $0x3  }
0x33: {  	p0 =	seq.s32 s10, $0x1;
	s10 =	sld [smem:$0x3FAF];
	_ =	sdelay $0x3  }
0x34: {  	[smem:$0x3FAF] =	sst s10  }
0x35: {  	s10 =	sld [smem:$0x3FAE];
	_ =	sdelay $0x3  }
0x36: {  	p1 =	seq.s32 s10, $0x1;
	s10 =	sld [smem:$0x3FAF];
	_ =	sdelay $0x3  }
0x37: {  	[smem:$0x3FAF] =	sst s10  }
0x38: {  	s10 =	sld [smem:$0x3FB0]  }
0x39: {  	_ = 	snop;
	(pc) =	sbr.ind lr, $3  }
0x3a: {  	_ = 	snop  }
0x3b: {  	_ = 	snop  }
0x3c: {  	p2 =	seq.s32 s10, $0x1;
	s10 =	sld [smem:$0x3FAF]  }
0x3d: {  	_ =	shalt  }
0x3e: {  	_ =	shalt  }
0x3f: {  	_ =	shalt  }
0x40: {  	_ =	shalt  }
0x41: {  	_ =	shalt  }
0x42: {  	_ =	shalt  }
0x43: {  	_ =	shalt  }
0x44: {  	_ =	shalt  }
0x45: {  	_ =	shalt  }
0x46: {  	_ =	shalt  }
0x47: {  	_ =	shalt  }
0x48: {  	_ =	shalt  }
0x49: {  	_ =	shalt  }
0x4a: {  	_ =	shalt  }
0x4b: {  	_ =	shalt  }
0x4c: {  	_ =	shalt  }
0x4d: {  	_ =	shalt  }
0x4e: {  	_ =	shalt  }
0x4f: {  	_ =	shalt  }
0x50: {  	_ =	shalt  }
0x51: {  	_ =	shalt  }
0x52: {  	_ =	shalt  }
0x53: {  	_ =	shalt  }
0x54: {  	_ =	shalt  }
0x55: {  	_ =	shalt  }
0x56: {  	_ =	shalt  }
0x57: {  	_ =	shalt  }
0x58: {  	_ =	shalt  }
0x59: {  	_ =	shalt  }
0x5a: {  	_ =	shalt  }
0x5b: {  	_ =	shalt  }
0x5c: {  	_ =	shalt  }
0x5d: {  	_ =	shalt  }
0x5e: {  	_ =	shalt  }
0x5f: {  	_ =	shalt  }
0x60: {  	_ =	shalt  }
0x61: {  	_ =	shalt  }
0x62: {  	_ =	shalt  }
0x63: {  	_ =	shalt  }
0x64: {  	_ =	shalt  }
0x65: {  	_ =	shalt  }
0x66: {  	_ =	shalt  }
0x67: {  	_ =	shalt  }
0x68: {  	_ =	shalt  }
0x69: {  	_ =	shalt  }
0x6a: {  	_ =	shalt  }
0x6b: {  	_ =	shalt  }
0x6c: {  	_ =	shalt  }
0x6d: {  	_ =	shalt  }
0x6e: {  	_ =	shalt  }
0x6f: {  	_ =	shalt  }
0x70: {  	_ =	shalt  }
0x71: {  	_ =	shalt  }
0x72: {  	_ =	shalt  }
0x73: {  	_ =	shalt  }
0x74: {  	_ =	shalt  }
0x75: {  	_ =	shalt  }
0x76: {  	_ =	shalt  }
0x77: {  	_ =	shalt  }
0x78: {  	_ =	shalt  }
0x79: {  	_ =	shalt  }
0x7a: {  	_ =	shalt  }
0x7b: {  	_ =	shalt  }
0x7c: {  	_ =	shalt  }
0x7d: {  	_ =	shalt  }
0x7e: {  	_ =	shalt  }
0x7f: {  	_ =	shalt  }
0x80: {  	_ =	shalt  }
0x81: {  	_ =	shalt  }
0x82: {  	_ =	shalt  }
0x83: {  	_ =	shalt  }
0x84: {  	_ =	shalt  }
0x85: {  	_ =	shalt  }
0x86: {  	_ =	shalt  }
0x87: {  	_ =	shalt  }
.Lfunc_end0:
.L_simem_size_0:
called_computation.2_lowered:
.L_overlay_start_0:
0x88: {  	s2 =	sld [smem:$0x3FD9]  }
0x89: {  	s3 =	sld [smem:$0x3FFE];
	_ =	sdelay $0x1  }
0x8a: {  	s1 =	srdreg.scid  }
0x8b: {  	s0 =	sand.u32 $0x1, s1  }
0x8c: {  	s16 =	sshll.u32 s0, $0xA;
	s2 =	sadd.s32 s3, s2  }
0x8d: {  	s2 =	sadd.s32 s2, s16  }
0x8e: {  	[smem:$0x3FBB] =	sst s2  }
0x8f: {  	_ = 	snop  }
0x90: {  	(tm) =	ssettm $0x1  }
0x91: {  	s17 =	sld [smem:$0x3FFB];
	_ =	sdelay $0x3  }
0x92: {  	_ =	strace s17  }
0x93: {  	s2 =	sld [smem:$0x3FFC];
	_ =	sdelay $0x3  }
0x94: {  	_ =	strace s2  }
0x95: {  	s2 =	sld [smem:$0x3FFD];
	_ =	sdelay $0x3  }
0x96: {  	_ =	strace s2  }
0x97: {  	_ =	strace $0x8FFFFFFF  }
0x98: {  	s18 =	sld [smem:$0x3FDB];
	_ =	sdelay $0x1  }
0x99: {  	s19 =	simm.s32 $_scs_section_size  }
0x9a: {  	s4 =	simm.s32 $_size__tile_overlayer_lowered;
	s5 =	simm.s32 $_tile_overlayer_lowered  }
0x9b: {  	s22 =	simm.s32 $0x1BFF;
	s21 =	sshll.u32 s5, $0x1;
	s2 =	sadd.s32 s19, s18  }
0x9c: {  	s6 =	simm.s32 $0x0;
	s20 =	sshll.u32 s4, $0x1;
	s4 =	sadd.s32 s21, s2  }
0x9d: {  	[timem:s6], [sflag:s22] =	dma.local [hbm:s4], s20  }
0x9e: {  	_ =	swait.ge [sflag:s22], s20  }
0x9f: {  	s3 =	ssub.s32 $0x0, s20;
	[sflag:s22] =	ssyncset.done $0x0  }
0xa0: {  	[sflag:s22] =	ssyncadd.s32 s3;
	_ =	sdelay $0x1  }
0xa1: {  	s23 =	simm.s32 $0x1B8B  }
0xa2: {  	_ =	swait.ge [sflag:s23], $0x1  }
0xa3: {  	[sflag:s23] =	ssyncset.done $0x0  }
0xa4: {  	s25 =	simm.s32 $0x1B8E;
	s24 =	sld [smem:$0x3FFE];
	[sflag:s23] =	ssyncadd.s32 $0xFFFFFFFF  }
0xa5: {  	s26 =	simm.s32 $execute0_lowered;
	[smem:$0x3FD2] =	sst s25  }
0xa6: {  	s4 =	sshll.u32 s26, $0x1;
	_ =	strace $0x8000004C;
	[dreg:$0x1] =	wrdreg $0xFFFFFFFF  }
0xa7: {  	s28 =	simm.s32 $_size_execute0_lowered;
	s2 =	sadd.s32 s2, s4;
	[dreg:$0x0] =	wrdreg $0x0  }
0xa8: {  	s4 =	sshll.u32 s28, $0x1;
	[dreg:$0x2] =	wrdreg s2  }
0xa9: {  	[dreg:$0x3] =	wrdreg s4  }
0xaa: {  	[dreg:$0x4] =	wrdreg $0xC0  }
0xab: {  	_ =	task [dreg:s6], $0x5FFFF  }
0xac: {  	[dreg:$0x1] =	wrdreg $0xFFFFFFFF  }
0xad: {  	[dreg:$0x0] =	wrdreg $0x60  }
0xae: {  	[dreg:$0x2] =	wrdreg s24  }
0xaf: {  	[dreg:$0x3] =	wrdreg $0x9  }
0xb0: {  	_ =	task.clear_ibuf [dreg:s6], $0x4FFFF;
	_ =	strace $0x9000004C  }
0xb1: {  	s29 =	simm.s32 $0x9;
	_ =	strace $0x8000004E  }
0xb2: {  	_ =	swait.ge [sflag:s29], $0x1  }
0xb3: {  	[sflag:s29] =	ssyncadd.s32 $0xFFFFFFFF  }
0xb4: {  	_ =	strace $0x9000004E  }
0xb5: {  	_ =	sfence  }
0xb6: {  	s30 =	sld [smem:$0x0];
	_ =	sdelay $0x2  }
0xb7: {  	s31 =	sshll.u32 s1, $0xD;
	s1 =	sshrl.u32 s1, $0x2  }
0xb8: {  	s3 =	sand.u32 $0x4000, s31;
	s1 =	sadd.s32 s1, s30  }
0xb9: {  	s0 =	sor.u32 s3, s0;
	s1 =	sshll.u32 s1, $0x11  }
0xba: {  	s0 =	sor.u32 s1, s0  }
0xbb: {  	s0 =	sadd.s32 $0x8F2B, s0  }
0xbc: {  	[sflag:s0] =	ssyncadd.remote.s32 $0x1  }
0xbd: {  	_ =	sfence.sel $0xFFFF  }
0xbe: {  	[dreg:$0x0] =	wrdreg $0xFFFFFFFF;
	(pc) =	sbr.abs _section_cstart, $3  }
0xbf: {  	[dreg:$0x1] =	wrdreg $0xFFFFFFFF  }
0xc0: {  	_ =	task.clear_ibuf [dreg:s6], $0x2FFFF;
	_ =	strace $0x9FFFFFFF  }
0xc1: {  	(tm) =	ssettm $0x7FFFFFFF  }
tec
execute0_lowered:
.L_overlay_start_1:
0x0: {  	(tag) =	ssettag $0x1  }
0x1: {  	s0 =	srdreg.scid;
	s1 =	stileid.u32  }
0x2: {  	s6 =	rddreg [dreg:$0x0];
	s8 =	simm.s32 $0x3;
	s9 =	simm.s32 $0x100  }
0x3: {  	s18 =	simm.s32 $0x1;
	s19 =	simm.s32 $0x2;
	s28 =	simm.s32 $0x3100  }
0x4: {  	s29 =	simm.s32 $0x3900;
	s30 =	simm.s32 $0x4100;
	s0 =	sand.u32 $0x1, s0  }
0x5: {  	s31 =	simm.s32 $0x4900;
	s1 =	sshll.u32 s1, $0x9;
	s2 =	sshll.u32 s0, $0x8  }
0x6: {  	s16 =	simm.s32 $0x5100;
	s15 =	simm.s32 $0x5900;
	s1 =	sor.u32 s2, s1  }
0x7: {  	s11 =	simm.s32 $0x6900;
	s12 =	simm.s32 $0x7100;
	s3 =	sshrl.u32 s1, $0x3  }
0x8: {  	s2 =	simm.s32 $0x0;
	s1 =	sshll.u32 s1, $0x7;
	s3 =	sadd.s32 s3, s6  }
0x9: {  	[smem:$0x7FF] =	sst s2;
	s1 =	sadd.s32 s1, s6;
	s3 =	sadd.s32 $0x302C00, s3  }
0xa: {  	_ =	strace $0x8000004D;
	s21 =	sadd.s32 $0x102800, s1;
	[dreg:$0x2] =	wrdreg s3  }
0xb: {  	s13 =	simm.s32 $0x7900;
	s22 =	sadd.s32 $0x103800, s1;
	[dreg:$0x3] =	wrdreg s21  }
0xc: {  	s0 =	ssub.s32 $0x2, s0;
	s4 =	sadd.s32 $0x104800, s1;
	[dreg:$0x4] =	wrdreg s22  }
0xd: {  	s5 =	sshrl.u32 s0, $0x1;
	s23 =	sadd.s32 $0x105800, s1;
	[dreg:$0x5] =	wrdreg s4  }
0xe: {  	s0 =	ssub.s32 s0, s5;
	s24 =	sadd.s32 $0x106800, s1;
	[dreg:$0x6] =	wrdreg s23  }
0xf: {  	s5 =	sadd.s32 $0x303200, s6;
	s25 =	sadd.s32 $0x107800, s1;
	[dreg:$0x7] =	wrdreg s24  }
0x10: {  	s7 =	smax.u32 s0, $0x1;
	s26 =	sadd.s32 $0x108800, s1;
	[dreg:$0x8] =	wrdreg s25  }
0x11: {  	s1 =	sadd.s32 $0x109800, s1;
	s3 =	sadd.s32 $0x303000, s6;
	[dreg:$0x9] =	wrdreg s26  }
0x12: {  	v2 =	vlaneseq.u32;
	s4 =	sadd.s32 $0x303100, s6;
	s6 =	sadd.s32 $0x303300, s6;
	[dreg:$0xa] =	wrdreg s1  }
0x13: {  	vm0 =	vmmov $0xffff;
	v1 =	vshrl.u32 v2, $0x3;
	s25 =	simm.s32 $0x8100;
	s21 =	simm.s32 $0x900;
	s22 =	simm.s32 $0x1100  }
0x14: {  	v0 =	vand.u32 $0x7, v2;
	v2 =	vor.u32 $0x8, v2;
	v1 =	vmul.u32 $0x8, v1;
	s23 =	simm.s32 $0x1900;
	s24 =	simm.s32 $0x2100;
	s26 =	simm.s32 $0x2900  }
.LBB2_1:
0x15: {  	s20 =	rddreg [dreg:$0x2]  }
0x16: {  	[tilespmem:s2], [sflag:$0x3] =	stream.linear.gather [hbm4b:s20+s2], $0x100, $0x38;
	[tilespmem:$0x10100] =	vst v63  }
0x17: {  	_ =	swait.ge [sflag:s8], $0x100  }
0x18: {  	[sflag:s8] =	ssyncset.done $0x0  }
0x19: {  	[sflag:s8] =	ssyncadd.s32 $0xFFFFFF00  }
0x1a: {  	v3 =	vld [tilespmem:$0x0];
	_ =	sdelay $0x4  }
0x1b: {  	v4 =	vshll.u32 v3, $0x3  }
0x1c: {  	v3 =	vand.u32 $0x7, v3;
	v4 =	vand.u32 $0xFFFFFFC0, v4  }
0x1d: {  	v3 =	vor.u32 v3, v4  }
0x1e: {  	v4 =	vperm.xlane v3, v0;
	_ =	sdelay $0x1  }
0x1f: {  	v4 =	vadd.s32 v1, v4;
	_ =	sdelay $0x4  }
0x20: {  	[tilespmem:s9], [sflag:$0x1] =	stream.indirect_vreg.gather [hbm4b:s3+s2], $0x80, v4, vm0, $0xb8;
	[tilespmem:$0x10100] =	vst v63  }
0x21: {  	v3 =	vperm.xlane v3, v2  }
0x22: {  	[tilespmem:s21], [sflag:$0x1] =	stream.indirect_vreg.gather [hbm4b:s4+s2], $0x80, v4, vm0, $0xb8;
	[tilespmem:$0x10100] =	vst v63  }
0x23: {  	v3 =	vadd.s32 v1, v3  }
0x24: {  	[tilespmem:s22], [sflag:$0x1] =	stream.indirect_vreg.gather [hbm4b:s5+s2], $0x80, v4, vm0, $0xb8;
	[tilespmem:$0x10100] =	vst v63  }
0x25: {  	_ = 	snop  }
0x26: {  	[tilespmem:s23], [sflag:$0x1] =	stream.indirect_vreg.gather [hbm4b:s6+s2], $0x80, v4, vm0, $0xb8;
	[tilespmem:$0x10100] =	vst v63  }
0x27: {  	_ = 	snop  }
0x28: {  	[tilespmem:s24], [sflag:$0x1] =	stream.indirect_vreg.gather [hbm4b:s3+s2], $0x80, v3, vm0, $0xb8;
	[tilespmem:$0x10100] =	vst v63  }
0x29: {  	_ = 	snop  }
0x2a: {  	[tilespmem:s26], [sflag:$0x1] =	stream.indirect_vreg.gather [hbm4b:s4+s2], $0x80, v3, vm0, $0xb8;
	[tilespmem:$0x10100] =	vst v63  }
0x2b: {  	_ = 	snop  }
0x2c: {  	[tilespmem:s28], [sflag:$0x1] =	stream.indirect_vreg.gather [hbm4b:s5+s2], $0x80, v3, vm0, $0xb8;
	[tilespmem:$0x10100] =	vst v63  }
0x2d: {  	_ = 	snop  }
0x2e: {  	[tilespmem:s29], [sflag:$0x1] =	stream.indirect_vreg.gather [hbm4b:s6+s2], $0x80, v3, vm0, $0xb8;
	[tilespmem:$0x10100] =	vst v63  }
0x2f: {  	v3 =	vld [tilespmem:$0x10];
	_ =	sdelay $0x4  }
0x30: {  	v49 =	vshll.u32 v3, $0x3  }
0x31: {  	v3 =	vand.u32 $0x7, v3;
	v4 =	vand.u32 $0xFFFFFFC0, v49  }
0x32: {  	v3 =	vor.u32 v3, v4  }
0x33: {  	v4 =	vperm.xlane v3, v0;
	_ =	sdelay $0x1  }
0x34: {  	v4 =	vadd.s32 v1, v4;
	_ =	sdelay $0x4  }
0x35: {  	[tilespmem:s30], [sflag:$0x1] =	stream.indirect_vreg.gather [hbm4b:s3+s2], $0x80, v4, vm0, $0xb8;
	[tilespmem:$0x10100] =	vst v63  }
0x36: {  	v3 =	vperm.xlane v3, v2  }
0x37: {  	[tilespmem:s31], [sflag:$0x1] =	stream.indirect_vreg.gather [hbm4b:s4+s2], $0x80, v4, vm0, $0xb8;
	[tilespmem:$0x10100] =	vst v63  }
0x38: {  	v3 =	vadd.s32 v1, v3  }
0x39: {  	[tilespmem:s16], [sflag:$0x1] =	stream.indirect_vreg.gather [hbm4b:s5+s2], $0x80, v4, vm0, $0xb8;
	[tilespmem:$0x10100] =	vst v63  }
0x3a: {  	_ = 	snop  }
0x3b: {  	[tilespmem:s15], [sflag:$0x1] =	stream.indirect_vreg.gather [hbm4b:s6+s2], $0x80, v4, vm0, $0xb8;
	[tilespmem:$0x10100] =	vst v63  }
0x3c: {  	s10 =	simm.s32 $0x6100  }
0x3d: {  	[tilespmem:s10], [sflag:$0x1] =	stream.indirect_vreg.gather [hbm4b:s3+s2], $0x80, v3, vm0, $0xb8;
	[tilespmem:$0x10100] =	vst v63  }
0x3e: {  	_ = 	snop  }
0x3f: {  	[tilespmem:s11], [sflag:$0x1] =	stream.indirect_vreg.gather [hbm4b:s4+s2], $0x80, v3, vm0, $0xb8;
	[tilespmem:$0x10100] =	vst v63  }
0x40: {  	_ = 	snop  }
0x41: {  	[tilespmem:s12], [sflag:$0x1] =	stream.indirect_vreg.gather [hbm4b:s5+s2], $0x80, v3, vm0, $0xb8;
	[tilespmem:$0x10100] =	vst v63  }
0x42: {  	_ = 	snop  }
0x43: {  	[tilespmem:s13], [sflag:$0x1] =	stream.indirect_vreg.gather [hbm4b:s6+s2], $0x80, v3, vm0, $0xb8;
	[tilespmem:$0x10100] =	vst v63  }
0x44: {  	v3 =	vld [tilespmem:$0x20];
	_ =	sdelay $0x4  }
0x45: {  	v50 =	vshll.u32 v3, $0x3  }
0x46: {  	v3 =	vand.u32 $0x7, v3;
	v4 =	vand.u32 $0xFFFFFFC0, v50  }
0x47: {  	v3 =	vor.u32 v3, v4  }
0x48: {  	v4 =	vperm.xlane v3, v0;
	_ =	sdelay $0x1  }
0x49: {  	v4 =	vadd.s32 v1, v4;
	_ =	sdelay $0x4  }
0x4a: {  	[tilespmem:s25], [sflag:$0x2] =	stream.indirect_vreg.gather [hbm4b:s3+s2], $0x80, v4, vm0, $0xb8;
	[tilespmem:$0x10100] =	vst v63  }
0x4b: {  	s14 =	simm.s32 $0x8900;
	v3 =	vperm.xlane v3, v2  }
0x4c: {  	[tilespmem:s14], [sflag:$0x2] =	stream.indirect_vreg.gather [hbm4b:s4+s2], $0x80, v4, vm0, $0xb8;
	[tilespmem:$0x10100] =	vst v63  }
0x4d: {  	s17 =	simm.s32 $0x9100;
	v3 =	vadd.s32 v1, v3  }
0x4e: {  	[tilespmem:s17], [sflag:$0x2] =	stream.indirect_vreg.gather [hbm4b:s5+s2], $0x80, v4, vm0, $0xb8;
	[tilespmem:$0x10100] =	vst v63  }
0x4f: {  	s20 =	simm.s32 $0x9900  }
0x50: {  	[tilespmem:s20], [sflag:$0x2] =	stream.indirect_vreg.gather [hbm4b:s6+s2], $0x80, v4, vm0, $0xb8;
	[tilespmem:$0x10100] =	vst v63  }
0x51: {  	s1 =	simm.s32 $0xA100  }
0x52: {  	[tilespmem:s1], [sflag:$0x2] =	stream.indirect_vreg.gather [hbm4b:s3+s2], $0x80, v3, vm0, $0xb8;
	[tilespmem:$0x10100] =	vst v63  }
0x53: {  	s17 =	simm.s32 $0xA900  }
0x54: {  	[tilespmem:s17], [sflag:$0x2] =	stream.indirect_vreg.gather [hbm4b:s4+s2], $0x80, v3, vm0, $0xb8;
	[tilespmem:$0x10100] =	vst v63  }
0x55: {  	s1 =	simm.s32 $0xB100  }
0x56: {  	[tilespmem:s1], [sflag:$0x2] =	stream.indirect_vreg.gather [hbm4b:s5+s2], $0x80, v3, vm0, $0xb8;
	[tilespmem:$0x10100] =	vst v63  }
0x57: {  	s14 =	simm.s32 $0xB900  }
0x58: {  	[tilespmem:s14], [sflag:$0x2] =	stream.indirect_vreg.gather [hbm4b:s6+s2], $0x80, v3, vm0, $0xb8;
	[tilespmem:$0x10100] =	vst v63  }
0x59: {  	v3 =	vld [tilespmem:$0x30];
	_ =	sdelay $0x4  }
0x5a: {  	v51 =	vshll.u32 v3, $0x3  }
0x5b: {  	v3 =	vand.u32 $0x7, v3;
	v4 =	vand.u32 $0xFFFFFFC0, v51  }
0x5c: {  	v3 =	vor.u32 v3, v4  }
0x5d: {  	v4 =	vperm.xlane v3, v0;
	_ =	sdelay $0x1  }
0x5e: {  	v4 =	vadd.s32 v1, v4;
	_ =	sdelay $0x3  }
0x5f: {  	s17 =	simm.s32 $0xC100  }
0x60: {  	[tilespmem:s17], [sflag:$0x2] =	stream.indirect_vreg.gather [hbm4b:s3+s2], $0x80, v4, vm0, $0xb8;
	[tilespmem:$0x10100] =	vst v63  }
0x61: {  	s1 =	simm.s32 $0xC900;
	v3 =	vperm.xlane v3, v2  }
0x62: {  	[tilespmem:s1], [sflag:$0x2] =	stream.indirect_vreg.gather [hbm4b:s4+s2], $0x80, v4, vm0, $0xb8;
	[tilespmem:$0x10100] =	vst v63  }
0x63: {  	v3 =	vadd.s32 v1, v3;
	s1 =	simm.s32 $0xD100  }
0x64: {  	[tilespmem:s1], [sflag:$0x2] =	stream.indirect_vreg.gather [hbm4b:s5+s2], $0x80, v4, vm0, $0xb8;
	[tilespmem:$0x10100] =	vst v63  }
0x65: {  	s1 =	simm.s32 $0xD900  }
0x66: {  	[tilespmem:s1], [sflag:$0x2] =	stream.indirect_vreg.gather [hbm4b:s6+s2], $0x80, v4, vm0, $0xb8;
	[tilespmem:$0x10100] =	vst v63  }
0x67: {  	s1 =	simm.s32 $0xE100  }
0x68: {  	[tilespmem:s1], [sflag:$0x2] =	stream.indirect_vreg.gather [hbm4b:s3+s2], $0x80, v3, vm0, $0xb8;
	[tilespmem:$0x10100] =	vst v63  }
0x69: {  	s1 =	simm.s32 $0xE900  }
0x6a: {  	[tilespmem:s1], [sflag:$0x2] =	stream.indirect_vreg.gather [hbm4b:s4+s2], $0x80, v3, vm0, $0xb8;
	[tilespmem:$0x10100] =	vst v63  }
0x6b: {  	s1 =	simm.s32 $0xF100  }
0x6c: {  	[tilespmem:s1], [sflag:$0x2] =	stream.indirect_vreg.gather [hbm4b:s5+s2], $0x80, v3, vm0, $0xb8;
	[tilespmem:$0x10100] =	vst v63  }
0x6d: {  	s1 =	simm.s32 $0xF900  }
0x6e: {  	[tilespmem:s1], [sflag:$0x2] =	stream.indirect_vreg.gather [hbm4b:s6+s2], $0x80, v3, vm0, $0xb8;
	[tilespmem:$0x10100] =	vst v63  }
0x6f: {  	_ =	swait.ge [sflag:s18], $0x8000  }
0x70: {  	[sflag:s18] =	ssyncset.done $0x0  }
0x71: {  	s1 =	rddreg [dreg:$0x3];
	[sflag:s18] =	ssyncadd.s32 $0xFFFF8000  }
0x72: {  	[hbm4b:s1+s2] =	stream.linear.scatter [tilespmem:s9], [sflag:$0x3], $0x8000, $0x38;
	[tilespmem:$0x10100] =	vst v63  }
0x73: {  	_ =	swait.ge [sflag:s8], $0x8000  }
0x74: {  	[sflag:s8] =	ssyncset.done $0x0  }
0x75: {  	[sflag:s8] =	ssyncadd.s32 $0xFFFF8000  }
0x76: {  	v3 =	vld [tilespmem:$0x40];
	_ =	sdelay $0x4  }
0x77: {  	v52 =	vshll.u32 v3, $0x3  }
0x78: {  	v3 =	vand.u32 $0x7, v3;
	v4 =	vand.u32 $0xFFFFFFC0, v52  }
0x79: {  	v3 =	vor.u32 v3, v4  }
0x7a: {  	v4 =	vperm.xlane v3, v0;
	_ =	sdelay $0x1  }
0x7b: {  	v4 =	vadd.s32 v1, v4;
	_ =	sdelay $0x4  }
0x7c: {  	[tilespmem:s9], [sflag:$0x1] =	stream.indirect_vreg.gather [hbm4b:s3+s2], $0x80, v4, vm0, $0xb8;
	[tilespmem:$0x10100] =	vst v63  }
0x7d: {  	v3 =	vperm.xlane v3, v2  }
0x7e: {  	[tilespmem:s21], [sflag:$0x1] =	stream.indirect_vreg.gather [hbm4b:s4+s2], $0x80, v4, vm0, $0xb8;
	[tilespmem:$0x10100] =	vst v63  }
0x7f: {  	v3 =	vadd.s32 v1, v3  }
0x80: {  	[tilespmem:s22], [sflag:$0x1] =	stream.indirect_vreg.gather [hbm4b:s5+s2], $0x80, v4, vm0, $0xb8;
	[tilespmem:$0x10100] =	vst v63  }
0x81: {  	_ = 	snop  }
0x82: {  	[tilespmem:s23], [sflag:$0x1] =	stream.indirect_vreg.gather [hbm4b:s6+s2], $0x80, v4, vm0, $0xb8;
	[tilespmem:$0x10100] =	vst v63  }
0x83: {  	_ = 	snop  }
0x84: {  	[tilespmem:s24], [sflag:$0x1] =	stream.indirect_vreg.gather [hbm4b:s3+s2], $0x80, v3, vm0, $0xb8;
	[tilespmem:$0x10100] =	vst v63  }
0x85: {  	_ = 	snop  }
0x86: {  	[tilespmem:s26], [sflag:$0x1] =	stream.indirect_vreg.gather [hbm4b:s4+s2], $0x80, v3, vm0, $0xb8;
	[tilespmem:$0x10100] =	vst v63  }
0x87: {  	_ = 	snop  }
0x88: {  	[tilespmem:s28], [sflag:$0x1] =	stream.indirect_vreg.gather [hbm4b:s5+s2], $0x80, v3, vm0, $0xb8;
	[tilespmem:$0x10100] =	vst v63  }
0x89: {  	_ = 	snop  }
0x8a: {  	[tilespmem:s29], [sflag:$0x1] =	stream.indirect_vreg.gather [hbm4b:s6+s2], $0x80, v3, vm0, $0xb8;
	[tilespmem:$0x10100] =	vst v63  }
0x8b: {  	v3 =	vld [tilespmem:$0x50];
	_ =	sdelay $0x4  }
0x8c: {  	v53 =	vshll.u32 v3, $0x3  }
0x8d: {  	v3 =	vand.u32 $0x7, v3;
	v4 =	vand.u32 $0xFFFFFFC0, v53  }
0x8e: {  	v3 =	vor.u32 v3, v4  }
0x8f: {  	v4 =	vperm.xlane v3, v0;
	_ =	sdelay $0x1  }
0x90: {  	v4 =	vadd.s32 v1, v4;
	_ =	sdelay $0x4  }
0x91: {  	[tilespmem:s30], [sflag:$0x1] =	stream.indirect_vreg.gather [hbm4b:s3+s2], $0x80, v4, vm0, $0xb8;
	[tilespmem:$0x10100] =	vst v63  }
0x92: {  	v3 =	vperm.xlane v3, v2  }
0x93: {  	[tilespmem:s31], [sflag:$0x1] =	stream.indirect_vreg.gather [hbm4b:s4+s2], $0x80, v4, vm0, $0xb8;
	[tilespmem:$0x10100] =	vst v63  }
0x94: {  	v3 =	vadd.s32 v1, v3  }
0x95: {  	[tilespmem:s16], [sflag:$0x1] =	stream.indirect_vreg.gather [hbm4b:s5+s2], $0x80, v4, vm0, $0xb8;
	[tilespmem:$0x10100] =	vst v63  }
0x96: {  	_ = 	snop  }
0x97: {  	[tilespmem:s15], [sflag:$0x1] =	stream.indirect_vreg.gather [hbm4b:s6+s2], $0x80, v4, vm0, $0xb8;
	[tilespmem:$0x10100] =	vst v63  }
0x98: {  	_ = 	snop  }
0x99: {  	[tilespmem:s10], [sflag:$0x1] =	stream.indirect_vreg.gather [hbm4b:s3+s2], $0x80, v3, vm0, $0xb8;
	[tilespmem:$0x10100] =	vst v63  }
0x9a: {  	_ = 	snop  }
0x9b: {  	[tilespmem:s11], [sflag:$0x1] =	stream.indirect_vreg.gather [hbm4b:s4+s2], $0x80, v3, vm0, $0xb8;
	[tilespmem:$0x10100] =	vst v63  }
0x9c: {  	_ = 	snop  }
0x9d: {  	[tilespmem:s12], [sflag:$0x1] =	stream.indirect_vreg.gather [hbm4b:s5+s2], $0x80, v3, vm0, $0xb8;
	[tilespmem:$0x10100] =	vst v63  }
0x9e: {  	_ = 	snop  }
0x9f: {  	[tilespmem:s13], [sflag:$0x1] =	stream.indirect_vreg.gather [hbm4b:s6+s2], $0x80, v3, vm0, $0xb8;
	[tilespmem:$0x10100] =	vst v63  }
0xa0: {  	_ =	swait.ge [sflag:s19], $0x8000  }
0xa1: {  	[sflag:s19] =	ssyncset.done $0x0  }
0xa2: {  	s1 =	rddreg [dreg:$0x4];
	[sflag:s19] =	ssyncadd.s32 $0xFFFF8000  }
0xa3: {  	[hbm4b:s1+s2] =	stream.linear.scatter [tilespmem:s25], [sflag:$0x3], $0x8000, $0x38;
	[tilespmem:$0x10100] =	vst v63  }
0xa4: {  	_ =	swait.ge [sflag:s8], $0x8000  }
0xa5: {  	[sflag:s8] =	ssyncset.done $0x0  }
0xa6: {  	[sflag:s8] =	ssyncadd.s32 $0xFFFF8000  }
0xa7: {  	v3 =	vld [tilespmem:$0x60];
	_ =	sdelay $0x4  }
0xa8: {  	v54 =	vshll.u32 v3, $0x3  }
0xa9: {  	v3 =	vand.u32 $0x7, v3;
	v4 =	vand.u32 $0xFFFFFFC0, v54  }
0xaa: {  	v3 =	vor.u32 v3, v4  }
0xab: {  	v4 =	vperm.xlane v3, v0;
	_ =	sdelay $0x1  }
0xac: {  	v4 =	vadd.s32 v1, v4;
	_ =	sdelay $0x4  }
0xad: {  	[tilespmem:s25], [sflag:$0x2] =	stream.indirect_vreg.gather [hbm4b:s3+s2], $0x80, v4, vm0, $0xb8;
	[tilespmem:$0x10100] =	vst v63  }
0xae: {  	s0 =	simm.s32 $0x8900;
	v3 =	vperm.xlane v3, v2  }
0xaf: {  	[tilespmem:s0], [sflag:$0x2] =	stream.indirect_vreg.gather [hbm4b:s4+s2], $0x80, v4, vm0, $0xb8;
	[tilespmem:$0x10100] =	vst v63  }
0xb0: {  	v3 =	vadd.s32 v1, v3;
	s0 =	simm.s32 $0x9100  }
0xb1: {  	[tilespmem:s0], [sflag:$0x2] =	stream.indirect_vreg.gather [hbm4b:s5+s2], $0x80, v4, vm0, $0xb8;
	[tilespmem:$0x10100] =	vst v63  }
0xb2: {  	s1 =	simm.s32 $0x9900  }
0xb3: {  	[tilespmem:s1], [sflag:$0x2] =	stream.indirect_vreg.gather [hbm4b:s6+s2], $0x80, v4, vm0, $0xb8;
	[tilespmem:$0x10100] =	vst v63  }
0xb4: {  	s20 =	simm.s32 $0xA100  }
0xb5: {  	[tilespmem:s20], [sflag:$0x2] =	stream.indirect_vreg.gather [hbm4b:s3+s2], $0x80, v3, vm0, $0xb8;
	[tilespmem:$0x10100] =	vst v63  }
0xb6: {  	s20 =	simm.s32 $0xA900  }
0xb7: {  	[tilespmem:s20], [sflag:$0x2] =	stream.indirect_vreg.gather [hbm4b:s4+s2], $0x80, v3, vm0, $0xb8;
	[tilespmem:$0x10100] =	vst v63  }
0xb8: {  	s20 =	simm.s32 $0xB100  }
0xb9: {  	[tilespmem:s20], [sflag:$0x2] =	stream.indirect_vreg.gather [hbm4b:s5+s2], $0x80, v3, vm0, $0xb8;
	[tilespmem:$0x10100] =	vst v63  }
0xba: {  	s14 =	simm.s32 $0xB900  }
0xbb: {  	[tilespmem:s14], [sflag:$0x2] =	stream.indirect_vreg.gather [hbm4b:s6+s2], $0x80, v3, vm0, $0xb8;
	[tilespmem:$0x10100] =	vst v63  }
0xbc: {  	v3 =	vld [tilespmem:$0x70];
	_ =	sdelay $0x4  }
0xbd: {  	v55 =	vshll.u32 v3, $0x3  }
0xbe: {  	v3 =	vand.u32 $0x7, v3;
	v4 =	vand.u32 $0xFFFFFFC0, v55  }
0xbf: {  	v3 =	vor.u32 v3, v4  }
0xc0: {  	v4 =	vperm.xlane v3, v0;
	_ =	sdelay $0x1  }
0xc1: {  	v4 =	vadd.s32 v1, v4;
	_ =	sdelay $0x3  }
0xc2: {  	s17 =	simm.s32 $0xC100  }
0xc3: {  	[tilespmem:s17], [sflag:$0x2] =	stream.indirect_vreg.gather [hbm4b:s3+s2], $0x80, v4, vm0, $0xb8;
	[tilespmem:$0x10100] =	vst v63  }
0xc4: {  	s20 =	simm.s32 $0xC900;
	v3 =	vperm.xlane v3, v2  }
0xc5: {  	[tilespmem:s20], [sflag:$0x2] =	stream.indirect_vreg.gather [hbm4b:s4+s2], $0x80, v4, vm0, $0xb8;
	[tilespmem:$0x10100] =	vst v63  }
0xc6: {  	v3 =	vadd.s32 v1, v3;
	s17 =	simm.s32 $0xD100  }
0xc7: {  	[tilespmem:s17], [sflag:$0x2] =	stream.indirect_vreg.gather [hbm4b:s5+s2], $0x80, v4, vm0, $0xb8;
	[tilespmem:$0x10100] =	vst v63  }
0xc8: {  	s20 =	simm.s32 $0xD900  }
0xc9: {  	[tilespmem:s20], [sflag:$0x2] =	stream.indirect_vreg.gather [hbm4b:s6+s2], $0x80, v4, vm0, $0xb8;
	[tilespmem:$0x10100] =	vst v63  }
0xca: {  	s17 =	simm.s32 $0xE100  }
0xcb: {  	[tilespmem:s17], [sflag:$0x2] =	stream.indirect_vreg.gather [hbm4b:s3+s2], $0x80, v3, vm0, $0xb8;
	[tilespmem:$0x10100] =	vst v63  }
0xcc: {  	s20 =	simm.s32 $0xE900  }
0xcd: {  	[tilespmem:s20], [sflag:$0x2] =	stream.indirect_vreg.gather [hbm4b:s4+s2], $0x80, v3, vm0, $0xb8;
	[tilespmem:$0x10100] =	vst v63  }
0xce: {  	s17 =	simm.s32 $0xF100  }
0xcf: {  	[tilespmem:s17], [sflag:$0x2] =	stream.indirect_vreg.gather [hbm4b:s5+s2], $0x80, v3, vm0, $0xb8;
	[tilespmem:$0x10100] =	vst v63  }
0xd0: {  	s20 =	simm.s32 $0xF900  }
0xd1: {  	[tilespmem:s20], [sflag:$0x2] =	stream.indirect_vreg.gather [hbm4b:s6+s2], $0x80, v3, vm0, $0xb8;
	[tilespmem:$0x10100] =	vst v63  }
0xd2: {  	_ =	swait.ge [sflag:s18], $0x8000  }
0xd3: {  	[sflag:s18] =	ssyncset.done $0x0  }
0xd4: {  	s17 =	rddreg [dreg:$0x5];
	[sflag:s18] =	ssyncadd.s32 $0xFFFF8000  }
0xd5: {  	[hbm4b:s17+s2] =	stream.linear.scatter [tilespmem:s9], [sflag:$0x3], $0x8000, $0x38;
	[tilespmem:$0x10100] =	vst v63  }
0xd6: {  	_ =	swait.ge [sflag:s8], $0x8000  }
0xd7: {  	[sflag:s8] =	ssyncset.done $0x0  }
0xd8: {  	[sflag:s8] =	ssyncadd.s32 $0xFFFF8000  }
0xd9: {  	v3 =	vld [tilespmem:$0x80];
	_ =	sdelay $0x4  }
0xda: {  	v56 =	vshll.u32 v3, $0x3  }
0xdb: {  	v3 =	vand.u32 $0x7, v3;
	v4 =	vand.u32 $0xFFFFFFC0, v56  }
0xdc: {  	v3 =	vor.u32 v3, v4  }
0xdd: {  	v4 =	vperm.xlane v3, v0;
	_ =	sdelay $0x1  }
0xde: {  	v4 =	vadd.s32 v1, v4;
	_ =	sdelay $0x4  }
0xdf: {  	[tilespmem:s9], [sflag:$0x1] =	stream.indirect_vreg.gather [hbm4b:s3+s2], $0x80, v4, vm0, $0xb8;
	[tilespmem:$0x10100] =	vst v63  }
0xe0: {  	v3 =	vperm.xlane v3, v2  }
0xe1: {  	[tilespmem:s21], [sflag:$0x1] =	stream.indirect_vreg.gather [hbm4b:s4+s2], $0x80, v4, vm0, $0xb8;
	[tilespmem:$0x10100] =	vst v63  }
0xe2: {  	v3 =	vadd.s32 v1, v3  }
0xe3: {  	[tilespmem:s22], [sflag:$0x1] =	stream.indirect_vreg.gather [hbm4b:s5+s2], $0x80, v4, vm0, $0xb8;
	[tilespmem:$0x10100] =	vst v63  }
0xe4: {  	_ = 	snop  }
0xe5: {  	[tilespmem:s23], [sflag:$0x1] =	stream.indirect_vreg.gather [hbm4b:s6+s2], $0x80, v4, vm0, $0xb8;
	[tilespmem:$0x10100] =	vst v63  }
0xe6: {  	_ = 	snop  }
0xe7: {  	[tilespmem:s24], [sflag:$0x1] =	stream.indirect_vreg.gather [hbm4b:s3+s2], $0x80, v3, vm0, $0xb8;
	[tilespmem:$0x10100] =	vst v63  }
0xe8: {  	_ = 	snop  }
0xe9: {  	[tilespmem:s26], [sflag:$0x1] =	stream.indirect_vreg.gather [hbm4b:s4+s2], $0x80, v3, vm0, $0xb8;
	[tilespmem:$0x10100] =	vst v63  }
0xea: {  	_ = 	snop  }
0xeb: {  	[tilespmem:s28], [sflag:$0x1] =	stream.indirect_vreg.gather [hbm4b:s5+s2], $0x80, v3, vm0, $0xb8;
	[tilespmem:$0x10100] =	vst v63  }
0xec: {  	_ = 	snop  }
0xed: {  	[tilespmem:s29], [sflag:$0x1] =	stream.indirect_vreg.gather [hbm4b:s6+s2], $0x80, v3, vm0, $0xb8;
	[tilespmem:$0x10100] =	vst v63  }
0xee: {  	v3 =	vld [tilespmem:$0x90];
	_ =	sdelay $0x4  }
0xef: {  	v57 =	vshll.u32 v3, $0x3  }
0xf0: {  	v3 =	vand.u32 $0x7, v3;
	v4 =	vand.u32 $0xFFFFFFC0, v57  }
0xf1: {  	v3 =	vor.u32 v3, v4  }
0xf2: {  	v4 =	vperm.xlane v3, v0;
	_ =	sdelay $0x1  }
0xf3: {  	v4 =	vadd.s32 v1, v4;
	_ =	sdelay $0x4  }
0xf4: {  	[tilespmem:s30], [sflag:$0x1] =	stream.indirect_vreg.gather [hbm4b:s3+s2], $0x80, v4, vm0, $0xb8;
	[tilespmem:$0x10100] =	vst v63  }
0xf5: {  	v3 =	vperm.xlane v3, v2  }
0xf6: {  	[tilespmem:s31], [sflag:$0x1] =	stream.indirect_vreg.gather [hbm4b:s4+s2], $0x80, v4, vm0, $0xb8;
	[tilespmem:$0x10100] =	vst v63  }
0xf7: {  	v3 =	vadd.s32 v1, v3  }
0xf8: {  	[tilespmem:s16], [sflag:$0x1] =	stream.indirect_vreg.gather [hbm4b:s5+s2], $0x80, v4, vm0, $0xb8;
	[tilespmem:$0x10100] =	vst v63  }
0xf9: {  	_ = 	snop  }
0xfa: {  	[tilespmem:s15], [sflag:$0x1] =	stream.indirect_vreg.gather [hbm4b:s6+s2], $0x80, v4, vm0, $0xb8;
	[tilespmem:$0x10100] =	vst v63  }
0xfb: {  	_ = 	snop  }
0xfc: {  	[tilespmem:s10], [sflag:$0x1] =	stream.indirect_vreg.gather [hbm4b:s3+s2], $0x80, v3, vm0, $0xb8;
	[tilespmem:$0x10100] =	vst v63  }
0xfd: {  	_ = 	snop  }
0xfe: {  	[tilespmem:s11], [sflag:$0x1] =	stream.indirect_vreg.gather [hbm4b:s4+s2], $0x80, v3, vm0, $0xb8;
	[tilespmem:$0x10100] =	vst v63  }
0xff: {  	_ = 	snop  }
0x100: {  	[tilespmem:s12], [sflag:$0x1] =	stream.indirect_vreg.gather [hbm4b:s5+s2], $0x80, v3, vm0, $0xb8;
	[tilespmem:$0x10100] =	vst v63  }
0x101: {  	_ = 	snop  }
0x102: {  	[tilespmem:s13], [sflag:$0x1] =	stream.indirect_vreg.gather [hbm4b:s6+s2], $0x80, v3, vm0, $0xb8;
	[tilespmem:$0x10100] =	vst v63  }
0x103: {  	_ =	swait.ge [sflag:s19], $0x8000  }
0x104: {  	[sflag:s19] =	ssyncset.done $0x0  }
0x105: {  	s14 =	rddreg [dreg:$0x6];
	[sflag:s19] =	ssyncadd.s32 $0xFFFF8000  }
0x106: {  	[hbm4b:s14+s2] =	stream.linear.scatter [tilespmem:s25], [sflag:$0x3], $0x8000, $0x38;
	[tilespmem:$0x10100] =	vst v63  }
0x107: {  	_ =	swait.ge [sflag:s8], $0x8000  }
0x108: {  	[sflag:s8] =	ssyncset.done $0x0  }
0x109: {  	[sflag:s8] =	ssyncadd.s32 $0xFFFF8000  }
0x10a: {  	v3 =	vld [tilespmem:$0xA0];
	_ =	sdelay $0x4  }
0x10b: {  	v58 =	vshll.u32 v3, $0x3  }
0x10c: {  	v3 =	vand.u32 $0x7, v3;
	v4 =	vand.u32 $0xFFFFFFC0, v58  }
0x10d: {  	v3 =	vor.u32 v3, v4  }
0x10e: {  	v4 =	vperm.xlane v3, v0;
	_ =	sdelay $0x1  }
0x10f: {  	v4 =	vadd.s32 v1, v4;
	_ =	sdelay $0x4  }
0x110: {  	[tilespmem:s25], [sflag:$0x2] =	stream.indirect_vreg.gather [hbm4b:s3+s2], $0x80, v4, vm0, $0xb8;
	[tilespmem:$0x10100] =	vst v63  }
0x111: {  	s17 =	simm.s32 $0x8900;
	v3 =	vperm.xlane v3, v2  }
0x112: {  	[tilespmem:s17], [sflag:$0x2] =	stream.indirect_vreg.gather [hbm4b:s4+s2], $0x80, v4, vm0, $0xb8;
	[tilespmem:$0x10100] =	vst v63  }
0x113: {  	v3 =	vadd.s32 v1, v3  }
0x114: {  	[tilespmem:s0], [sflag:$0x2] =	stream.indirect_vreg.gather [hbm4b:s5+s2], $0x80, v4, vm0, $0xb8;
	[tilespmem:$0x10100] =	vst v63  }
0x115: {  	_ = 	snop  }
0x116: {  	[tilespmem:s1], [sflag:$0x2] =	stream.indirect_vreg.gather [hbm4b:s6+s2], $0x80, v4, vm0, $0xb8;
	[tilespmem:$0x10100] =	vst v63  }
0x117: {  	s20 =	simm.s32 $0xA100  }
0x118: {  	[tilespmem:s20], [sflag:$0x2] =	stream.indirect_vreg.gather [hbm4b:s3+s2], $0x80, v3, vm0, $0xb8;
	[tilespmem:$0x10100] =	vst v63  }
0x119: {  	s17 =	simm.s32 $0xA900  }
0x11a: {  	[tilespmem:s17], [sflag:$0x2] =	stream.indirect_vreg.gather [hbm4b:s4+s2], $0x80, v3, vm0, $0xb8;
	[tilespmem:$0x10100] =	vst v63  }
0x11b: {  	s20 =	simm.s32 $0xB100  }
0x11c: {  	[tilespmem:s20], [sflag:$0x2] =	stream.indirect_vreg.gather [hbm4b:s5+s2], $0x80, v3, vm0, $0xb8;
	[tilespmem:$0x10100] =	vst v63  }
0x11d: {  	s20 =	simm.s32 $0xB900  }
0x11e: {  	[tilespmem:s20], [sflag:$0x2] =	stream.indirect_vreg.gather [hbm4b:s6+s2], $0x80, v3, vm0, $0xb8;
	[tilespmem:$0x10100] =	vst v63  }
0x11f: {  	v3 =	vld [tilespmem:$0xB0];
	_ =	sdelay $0x4  }
0x120: {  	v59 =	vshll.u32 v3, $0x3  }
0x121: {  	v3 =	vand.u32 $0x7, v3;
	v4 =	vand.u32 $0xFFFFFFC0, v59  }
0x122: {  	v3 =	vor.u32 v3, v4  }
0x123: {  	v4 =	vperm.xlane v3, v0;
	_ =	sdelay $0x1  }
0x124: {  	v4 =	vadd.s32 v1, v4;
	_ =	sdelay $0x3  }
0x125: {  	s20 =	simm.s32 $0xC100  }
0x126: {  	[tilespmem:s20], [sflag:$0x2] =	stream.indirect_vreg.gather [hbm4b:s3+s2], $0x80, v4, vm0, $0xb8;
	[tilespmem:$0x10100] =	vst v63  }
0x127: {  	v3 =	vperm.xlane v3, v2;
	s20 =	simm.s32 $0xC900  }
0x128: {  	[tilespmem:s20], [sflag:$0x2] =	stream.indirect_vreg.gather [hbm4b:s4+s2], $0x80, v4, vm0, $0xb8;
	[tilespmem:$0x10100] =	vst v63  }
0x129: {  	v3 =	vadd.s32 v1, v3;
	s20 =	simm.s32 $0xD100  }
0x12a: {  	[tilespmem:s20], [sflag:$0x2] =	stream.indirect_vreg.gather [hbm4b:s5+s2], $0x80, v4, vm0, $0xb8;
	[tilespmem:$0x10100] =	vst v63  }
0x12b: {  	s20 =	simm.s32 $0xD900  }
0x12c: {  	[tilespmem:s20], [sflag:$0x2] =	stream.indirect_vreg.gather [hbm4b:s6+s2], $0x80, v4, vm0, $0xb8;
	[tilespmem:$0x10100] =	vst v63  }
0x12d: {  	s20 =	simm.s32 $0xE100  }
0x12e: {  	[tilespmem:s20], [sflag:$0x2] =	stream.indirect_vreg.gather [hbm4b:s3+s2], $0x80, v3, vm0, $0xb8;
	[tilespmem:$0x10100] =	vst v63  }
0x12f: {  	s20 =	simm.s32 $0xE900  }
0x130: {  	[tilespmem:s20], [sflag:$0x2] =	stream.indirect_vreg.gather [hbm4b:s4+s2], $0x80, v3, vm0, $0xb8;
	[tilespmem:$0x10100] =	vst v63  }
0x131: {  	s20 =	simm.s32 $0xF100  }
0x132: {  	[tilespmem:s20], [sflag:$0x2] =	stream.indirect_vreg.gather [hbm4b:s5+s2], $0x80, v3, vm0, $0xb8;
	[tilespmem:$0x10100] =	vst v63  }
0x133: {  	s20 =	simm.s32 $0xF900  }
0x134: {  	[tilespmem:s20], [sflag:$0x2] =	stream.indirect_vreg.gather [hbm4b:s6+s2], $0x80, v3, vm0, $0xb8;
	[tilespmem:$0x10100] =	vst v63  }
0x135: {  	_ =	swait.ge [sflag:s18], $0x8000  }
0x136: {  	[sflag:s18] =	ssyncset.done $0x0  }
0x137: {  	s20 =	rddreg [dreg:$0x7];
	[sflag:s18] =	ssyncadd.s32 $0xFFFF8000  }
0x138: {  	[hbm4b:s20+s2] =	stream.linear.scatter [tilespmem:s9], [sflag:$0x3], $0x8000, $0x38;
	[tilespmem:$0x10100] =	vst v63  }
0x139: {  	_ =	swait.ge [sflag:s8], $0x8000  }
0x13a: {  	[sflag:s8] =	ssyncset.done $0x0  }
0x13b: {  	[sflag:s8] =	ssyncadd.s32 $0xFFFF8000  }
0x13c: {  	v3 =	vld [tilespmem:$0xC0];
	_ =	sdelay $0x4  }
0x13d: {  	v60 =	vshll.u32 v3, $0x3  }
0x13e: {  	v3 =	vand.u32 $0x7, v3;
	v4 =	vand.u32 $0xFFFFFFC0, v60  }
0x13f: {  	v3 =	vor.u32 v3, v4  }
0x140: {  	v4 =	vperm.xlane v3, v0;
	_ =	sdelay $0x1  }
0x141: {  	v4 =	vadd.s32 v1, v4;
	_ =	sdelay $0x4  }
0x142: {  	[tilespmem:s9], [sflag:$0x1] =	stream.indirect_vreg.gather [hbm4b:s3+s2], $0x80, v4, vm0, $0xb8;
	[tilespmem:$0x10100] =	vst v63  }
0x143: {  	v3 =	vperm.xlane v3, v2  }
0x144: {  	[tilespmem:s21], [sflag:$0x1] =	stream.indirect_vreg.gather [hbm4b:s4+s2], $0x80, v4, vm0, $0xb8;
	[tilespmem:$0x10100] =	vst v63  }
0x145: {  	v3 =	vadd.s32 v1, v3  }
0x146: {  	[tilespmem:s22], [sflag:$0x1] =	stream.indirect_vreg.gather [hbm4b:s5+s2], $0x80, v4, vm0, $0xb8;
	[tilespmem:$0x10100] =	vst v63  }
0x147: {  	_ = 	snop  }
0x148: {  	[tilespmem:s23], [sflag:$0x1] =	stream.indirect_vreg.gather [hbm4b:s6+s2], $0x80, v4, vm0, $0xb8;
	[tilespmem:$0x10100] =	vst v63  }
0x149: {  	_ = 	snop  }
0x14a: {  	[tilespmem:s24], [sflag:$0x1] =	stream.indirect_vreg.gather [hbm4b:s3+s2], $0x80, v3, vm0, $0xb8;
	[tilespmem:$0x10100] =	vst v63  }
0x14b: {  	_ = 	snop  }
0x14c: {  	[tilespmem:s26], [sflag:$0x1] =	stream.indirect_vreg.gather [hbm4b:s4+s2], $0x80, v3, vm0, $0xb8;
	[tilespmem:$0x10100] =	vst v63  }
0x14d: {  	_ = 	snop  }
0x14e: {  	[tilespmem:s28], [sflag:$0x1] =	stream.indirect_vreg.gather [hbm4b:s5+s2], $0x80, v3, vm0, $0xb8;
	[tilespmem:$0x10100] =	vst v63  }
0x14f: {  	_ = 	snop  }
0x150: {  	[tilespmem:s29], [sflag:$0x1] =	stream.indirect_vreg.gather [hbm4b:s6+s2], $0x80, v3, vm0, $0xb8;
	[tilespmem:$0x10100] =	vst v63  }
0x151: {  	v3 =	vld [tilespmem:$0xD0];
	_ =	sdelay $0x4  }
0x152: {  	v61 =	vshll.u32 v3, $0x3  }
0x153: {  	v3 =	vand.u32 $0x7, v3;
	v4 =	vand.u32 $0xFFFFFFC0, v61  }
0x154: {  	v3 =	vor.u32 v3, v4  }
0x155: {  	v4 =	vperm.xlane v3, v0;
	_ =	sdelay $0x1  }
0x156: {  	v4 =	vadd.s32 v1, v4;
	_ =	sdelay $0x4  }
0x157: {  	[tilespmem:s30], [sflag:$0x1] =	stream.indirect_vreg.gather [hbm4b:s3+s2], $0x80, v4, vm0, $0xb8;
	[tilespmem:$0x10100] =	vst v63  }
0x158: {  	v3 =	vperm.xlane v3, v2  }
0x159: {  	[tilespmem:s31], [sflag:$0x1] =	stream.indirect_vreg.gather [hbm4b:s4+s2], $0x80, v4, vm0, $0xb8;
	[tilespmem:$0x10100] =	vst v63  }
0x15a: {  	v3 =	vadd.s32 v1, v3  }
0x15b: {  	[tilespmem:s16], [sflag:$0x1] =	stream.indirect_vreg.gather [hbm4b:s5+s2], $0x80, v4, vm0, $0xb8;
	[tilespmem:$0x10100] =	vst v63  }
0x15c: {  	_ = 	snop  }
0x15d: {  	[tilespmem:s15], [sflag:$0x1] =	stream.indirect_vreg.gather [hbm4b:s6+s2], $0x80, v4, vm0, $0xb8;
	[tilespmem:$0x10100] =	vst v63  }
0x15e: {  	_ = 	snop  }
0x15f: {  	[tilespmem:s10], [sflag:$0x1] =	stream.indirect_vreg.gather [hbm4b:s3+s2], $0x80, v3, vm0, $0xb8;
	[tilespmem:$0x10100] =	vst v63  }
0x160: {  	_ = 	snop  }
0x161: {  	[tilespmem:s11], [sflag:$0x1] =	stream.indirect_vreg.gather [hbm4b:s4+s2], $0x80, v3, vm0, $0xb8;
	[tilespmem:$0x10100] =	vst v63  }
0x162: {  	_ = 	snop  }
0x163: {  	[tilespmem:s12], [sflag:$0x1] =	stream.indirect_vreg.gather [hbm4b:s5+s2], $0x80, v3, vm0, $0xb8;
	[tilespmem:$0x10100] =	vst v63  }
0x164: {  	_ = 	snop  }
0x165: {  	[tilespmem:s13], [sflag:$0x1] =	stream.indirect_vreg.gather [hbm4b:s6+s2], $0x80, v3, vm0, $0xb8;
	[tilespmem:$0x10100] =	vst v63  }
0x166: {  	_ =	swait.ge [sflag:s19], $0x8000  }
0x167: {  	[sflag:s19] =	ssyncset.done $0x0  }
0x168: {  	s10 =	rddreg [dreg:$0x8];
	[sflag:s19] =	ssyncadd.s32 $0xFFFF8000  }
0x169: {  	[hbm4b:s10+s2] =	stream.linear.scatter [tilespmem:s25], [sflag:$0x3], $0x8000, $0x38;
	[tilespmem:$0x10100] =	vst v63  }
0x16a: {  	_ =	swait.ge [sflag:s8], $0x8000  }
0x16b: {  	[sflag:s8] =	ssyncset.done $0x0  }
0x16c: {  	[sflag:s8] =	ssyncadd.s32 $0xFFFF8000  }
0x16d: {  	v3 =	vld [tilespmem:$0xE0];
	_ =	sdelay $0x4  }
0x16e: {  	v62 =	vshll.u32 v3, $0x3  }
0x16f: {  	v3 =	vand.u32 $0x7, v3;
	v4 =	vand.u32 $0xFFFFFFC0, v62  }
0x170: {  	v3 =	vor.u32 v3, v4  }
0x171: {  	v4 =	vperm.xlane v3, v0;
	_ =	sdelay $0x1  }
0x172: {  	v4 =	vadd.s32 v1, v4;
	_ =	sdelay $0x4  }
0x173: {  	[tilespmem:s25], [sflag:$0x2] =	stream.indirect_vreg.gather [hbm4b:s3+s2], $0x80, v4, vm0, $0xb8;
	[tilespmem:$0x10100] =	vst v63  }
0x174: {  	s20 =	simm.s32 $0x8900;
	v3 =	vperm.xlane v3, v2  }
0x175: {  	[tilespmem:s20], [sflag:$0x2] =	stream.indirect_vreg.gather [hbm4b:s4+s2], $0x80, v4, vm0, $0xb8;
	[tilespmem:$0x10100] =	vst v63  }
0x176: {  	s0 =	simm.s32 $0x9100;
	v3 =	vadd.s32 v1, v3  }
0x177: {  	[tilespmem:s0], [sflag:$0x2] =	stream.indirect_vreg.gather [hbm4b:s5+s2], $0x80, v4, vm0, $0xb8;
	[tilespmem:$0x10100] =	vst v63  }
0x178: {  	s1 =	simm.s32 $0x9900  }
0x179: {  	[tilespmem:s1], [sflag:$0x2] =	stream.indirect_vreg.gather [hbm4b:s6+s2], $0x80, v4, vm0, $0xb8;
	[tilespmem:$0x10100] =	vst v63  }
0x17a: {  	s10 =	simm.s32 $0xA100  }
0x17b: {  	[tilespmem:s10], [sflag:$0x2] =	stream.indirect_vreg.gather [hbm4b:s3+s2], $0x80, v3, vm0, $0xb8;
	[tilespmem:$0x10100] =	vst v63  }
0x17c: {  	s14 =	simm.s32 $0xA900  }
0x17d: {  	[tilespmem:s14], [sflag:$0x2] =	stream.indirect_vreg.gather [hbm4b:s4+s2], $0x80, v3, vm0, $0xb8;
	[tilespmem:$0x10100] =	vst v63  }
0x17e: {  	s17 =	simm.s32 $0xB100  }
0x17f: {  	[tilespmem:s17], [sflag:$0x2] =	stream.indirect_vreg.gather [hbm4b:s5+s2], $0x80, v3, vm0, $0xb8;
	[tilespmem:$0x10100] =	vst v63  }
0x180: {  	s17 =	simm.s32 $0xB900  }
0x181: {  	[tilespmem:s17], [sflag:$0x2] =	stream.indirect_vreg.gather [hbm4b:s6+s2], $0x80, v3, vm0, $0xb8;
	[tilespmem:$0x10100] =	vst v63  }
0x182: {  	v3 =	vld [tilespmem:$0xF0];
	_ =	sdelay $0x4  }
0x183: {  	v63 =	vshll.u32 v3, $0x3  }
0x184: {  	v3 =	vand.u32 $0x7, v3;
	v4 =	vand.u32 $0xFFFFFFC0, v63  }
0x185: {  	v3 =	vor.u32 v3, v4  }
0x186: {  	v4 =	vperm.xlane v3, v0;
	_ =	sdelay $0x1  }
0x187: {  	v4 =	vadd.s32 v1, v4;
	_ =	sdelay $0x3  }
0x188: {  	s20 =	simm.s32 $0xC100  }
0x189: {  	[tilespmem:s20], [sflag:$0x2] =	stream.indirect_vreg.gather [hbm4b:s3+s2], $0x80, v4, vm0, $0xb8;
	[tilespmem:$0x10100] =	vst v63  }
0x18a: {  	s1 =	simm.s32 $0xC900;
	v3 =	vperm.xlane v3, v2  }
0x18b: {  	[tilespmem:s1], [sflag:$0x2] =	stream.indirect_vreg.gather [hbm4b:s4+s2], $0x80, v4, vm0, $0xb8;
	[tilespmem:$0x10100] =	vst v63  }
0x18c: {  	s10 =	simm.s32 $0xD100;
	v3 =	vadd.s32 v1, v3  }
0x18d: {  	[tilespmem:s10], [sflag:$0x2] =	stream.indirect_vreg.gather [hbm4b:s5+s2], $0x80, v4, vm0, $0xb8;
	[tilespmem:$0x10100] =	vst v63  }
0x18e: {  	s14 =	simm.s32 $0xD900  }
0x18f: {  	[tilespmem:s14], [sflag:$0x2] =	stream.indirect_vreg.gather [hbm4b:s6+s2], $0x80, v4, vm0, $0xb8;
	[tilespmem:$0x10100] =	vst v63  }
0x190: {  	s17 =	simm.s32 $0xE100  }
0x191: {  	[tilespmem:s17], [sflag:$0x2] =	stream.indirect_vreg.gather [hbm4b:s3+s2], $0x80, v3, vm0, $0xb8;
	[tilespmem:$0x10100] =	vst v63  }
0x192: {  	s20 =	simm.s32 $0xE900  }
0x193: {  	[tilespmem:s20], [sflag:$0x2] =	stream.indirect_vreg.gather [hbm4b:s4+s2], $0x80, v3, vm0, $0xb8;
	[tilespmem:$0x10100] =	vst v63  }
0x194: {  	s1 =	simm.s32 $0xF100  }
0x195: {  	[tilespmem:s1], [sflag:$0x2] =	stream.indirect_vreg.gather [hbm4b:s5+s2], $0x80, v3, vm0, $0xb8;
	[tilespmem:$0x10100] =	vst v63  }
0x196: {  	s10 =	simm.s32 $0xF900  }
0x197: {  	[tilespmem:s10], [sflag:$0x2] =	stream.indirect_vreg.gather [hbm4b:s6+s2], $0x80, v3, vm0, $0xb8;
	[tilespmem:$0x10100] =	vst v63  }
0x198: {  	_ =	swait.ge [sflag:s18], $0x8000  }
0x199: {  	[sflag:s18] =	ssyncset.done $0x0  }
0x19a: {  	s14 =	rddreg [dreg:$0x9];
	[sflag:s18] =	ssyncadd.s32 $0xFFFF8000  }
0x19b: {  	[hbm4b:s14+s2] =	stream.linear.scatter [tilespmem:s9], [sflag:$0x3], $0x8000, $0x38;
	[tilespmem:$0x10100] =	vst v63  }
0x19c: {  	_ =	swait.ge [sflag:s8], $0x8000  }
0x19d: {  	[sflag:s8] =	ssyncset.done $0x0  }
0x19e: {  	[sflag:s8] =	ssyncadd.s32 $0xFFFF8000  }
0x19f: {  	_ =	swait.ge [sflag:s19], $0x8000  }
0x1a0: {  	p0 =	sne.s32 s7, $0x1;
	[sflag:s19] =	ssyncset.done $0x0  }
.Ltmp0:
0x1a1: {  	s17 =	rddreg [dreg:$0xa];
	[sflag:s19] =	ssyncadd.s32 $0xFFFF8000;
	(pc) =	sbr.rel @p0 .LBB2_1-.Ltmp0, $4  }
0x1a2: {  	[hbm4b:s17+s2] =	stream.linear.scatter [tilespmem:s25], [sflag:$0x3], $0x8000, $0x38;
	[tilespmem:$0x10100] =	vst v63  }
0x1a3: {  	_ =	swait.ge [sflag:s8], $0x8000  }
0x1a4: {  	[sflag:s8] =	ssyncset.done $0x0  }
0x1a5: {  	s7 =	sadd.s32 $0xFFFFFFFF, s7;
	[sflag:s8] =	ssyncadd.s32 $0xFFFF8000  }
0x1a6: {  	_ =	sfence.sel $0x180000  }
0x1a7: {  	[bflag:$0x0] =	sbarrier.arrive $0xFFFF  }
0x1a8: {  	_ =	strace $0x9000004D  }
0x1a9: {  	s0 =	stileid.u32;
	[bflag:$0x2] =	sbarrier.arrive $0xFFFF  }
0x1aa: {  	p0 =	sne.s32 s0, $0x0;
	s0 =	rddreg [dreg:$0x1]  }
0x1ab: {  	s0 =	sadd.s32 @!p0 $0x100000, s0  }
0x1ac: {  	[sflag:s0] =	ssyncadd.tile.s32 @!p0 $0x1;
	_ =	shalt  }
.Lfunc_end2:
_tile_overlayer_lowered:
.L_overlay_start_2:
0x1ad: {  	(tag) =	ssettag $0x2  }
0x1ae: {  	s0 =	rddreg [dreg:$0x0];
	s2 =	stileid.u32  }
0x1af: {  	s1 =	rddreg [dreg:$0x1];
	p0 =	sne.s32 s2, $0x0  }
0x1b0: {  	s3 =	rddreg [dreg:$0x2];
	[bflag:$0x3] =	sbarrier.arrive $0xFFFF;
	s2 =	simm.s32 @!p0 $0x1C03  }
0x1b1: {  	[timem:s3], [sflag:s2] =	dma.local @!p0 [hbm:s0], s1  }
0x1b2: {  	s0 =	simm.s32 @!p0 $0x3  }
0x1b3: {  	_ =	swait.ge @!p0 [sflag:s0], s1  }
0x1b4: {  	s1 =	ssub.s32 @!p0 $0x0, s1;
	[sflag:s0] =	ssyncset.done @!p0 $0x0  }
0x1b5: {  	[sflag:s0] =	ssyncadd.s32 @!p0 s1  }
0x1b6: {  	[bflag:$0x3] =	sbarrier.arrive $0xFFFF  }
0x1b7: {  	_ =	shalt  }

</sc_bundles>
